<compile_context>
chip_gen: v7x
topology: tpu7x:2x2x1
jax: 0.10.2.dev20260603
libtpu: 0.0.44.dev20260713+nightly
codegen_flags: <defaults>
</compile_context>

<pallas_src>
import functools

import jax
import jax.numpy as jnp
from jax import lax
from jax.experimental import pallas as pl
from jax.experimental.pallas import tpu as pltpu
from jax.experimental.pallas import tpu_sc as plsc

VOCAB = 100000
D = 128
B = 4096
L = 200

NC = 2
NS = 16
NW = NC * NS
CHUNK = 128
NQ = 4
QROWS = B // NQ
ITEM_CHUNKS = QROWS // CHUNK
QC = NQ * L
ITEMS = QC // NW
TOTAL = ITEMS * ITEM_CHUNKS
LANES = 16
NV = D // LANES
UNROLL = 8
NBUF = 4

VT = 8192
GRID_V = -(-VOCAB // VT)


def _accumulate(buf, acc):
    def body(j, acc):
        for r in range(UNROLL):
            row = j * UNROLL + r
            acc = tuple(
                acc[c] + buf[row, pl.ds(c * LANES, LANES)] for c in range(NV)
            )
        return acc

    return lax.fori_loop(0, CHUNK // UNROLL, body, acc)


def _pool_body(xT_hbm, table_hbm, out_hbm, idx_ref, buf0, buf1, buf2, buf3,
               res_ref, sem_idx, sem0, sem1, sem2, sem3):
    wid = lax.axis_index("s") * NC + lax.axis_index("c")
    bufs = (buf0, buf1, buf2, buf3)
    sems = (sem0, sem1, sem2, sem3)
    inv = jnp.float32(1.0 / B)

    def stage_body(i, _):
        pltpu.async_copy(
            xT_hbm.at[wid + i * NW],
            idx_ref.at[pl.ds(i * ITEM_CHUNKS, ITEM_CHUNKS)], sem_idx)
        return 0

    lax.fori_loop(0, ITEMS, stage_body, 0)
    for _ in range(ITEMS):
        pltpu.make_async_copy(
            xT_hbm.at[0], idx_ref.at[pl.ds(0, ITEM_CHUNKS)], sem_idx).wait()

    for s in range(NBUF):
        pltpu.async_copy(table_hbm.at[idx_ref.at[s]], bufs[s], sems[s])

    def group_body(g, acc):
        for s in range(NBUF):
            k = g * NBUF + s
            pltpu.make_async_copy(
                table_hbm.at[pl.ds(0, CHUNK)], bufs[s], sems[s]).wait()

            @pl.when(k + NBUF < TOTAL)
            def _():
                pltpu.async_copy(
                    table_hbm.at[idx_ref.at[k + NBUF]], bufs[s], sems[s])

            acc = _accumulate(bufs[s], acc)
            is_end = (k % ITEM_CHUNKS) == (ITEM_CHUNKS - 1)

            @pl.when(is_end)
            def _():
                item = k // ITEM_CHUNKS
                for c in range(NV):
                    res_ref[item, pl.ds(c * LANES, LANES)] = acc[c] * inv

            acc = tuple(
                jnp.where(is_end, jnp.zeros((LANES,), jnp.float32), a)
                for a in acc
            )
        return acc

    acc0 = tuple(jnp.zeros((LANES,), jnp.float32) for _ in range(NV))
    lax.fori_loop(0, TOTAL // NBUF, group_body, acc0)
    pltpu.sync_copy(res_ref, out_hbm.at[wid])


_pool = pl.kernel(
    _pool_body,
    out_type=jax.ShapeDtypeStruct((NW, ITEMS, D), jnp.float32),
    mesh=plsc.VectorSubcoreMesh(core_axis_name="c", subcore_axis_name="s"),
    scratch_types=[
        pltpu.VMEM((TOTAL, CHUNK), jnp.int32),
        pltpu.VMEM((CHUNK, D), jnp.float32),
        pltpu.VMEM((CHUNK, D), jnp.float32),
        pltpu.VMEM((CHUNK, D), jnp.float32),
        pltpu.VMEM((CHUNK, D), jnp.float32),
        pltpu.VMEM((ITEMS, D), jnp.float32),
        pltpu.SemaphoreType.DMA,
        pltpu.SemaphoreType.DMA,
        pltpu.SemaphoreType.DMA,
        pltpu.SemaphoreType.DMA,
        pltpu.SemaphoreType.DMA,
    ],
)


def _matmul_body(p_ref, w_ref, b_ref, o_ref):
    pooled = (p_ref[0] + p_ref[1]) + (p_ref[2] + p_ref[3])
    o_ref[...] = (
        lax.dot_general(
            pooled,
            w_ref[...],
            (((1,), (1,)), ((), ())),
            preferred_element_type=jnp.float32,
        )
        + b_ref[...]
    )


_matmul = pl.pallas_call(
    _matmul_body,
    grid=(GRID_V,),
    in_specs=[
        pl.BlockSpec((NQ, L, D), lambda i: (0, 0, 0)),
        pl.BlockSpec((VT, D), lambda i: (i, 0)),
        pl.BlockSpec((1, VT), lambda i: (0, i)),
    ],
    out_specs=pl.BlockSpec((L, VT), lambda i: (0, i)),
    out_shape=jax.ShapeDtypeStruct((L, VOCAB), jnp.float32),
)


def kernel(x, emb_table, W, b):
    xT = (
        x.T.astype(jnp.int32)
        .reshape(L, NQ, ITEM_CHUNKS, CHUNK)
        .reshape(QC, ITEM_CHUNKS, CHUNK)
    )
    flat = _pool(xT, emb_table)
    partials = (
        flat.transpose(1, 0, 2)
        .reshape(L, NQ, D)
        .transpose(1, 0, 2)
    )
    return _matmul(partials, W, b.reshape(1, VOCAB))

# --- scband reference (transcript-rebuilt; emitter-appended) ---
"""Pipeline reference for scband-embedding-layer-63402307223626 (READ-ONLY COPY).

The authoritative reference and input builder live on the scoring server;
editing this copy changes nothing except your own understanding.
"""

import jax, jax.numpy as jnp
import numpy as np

VOCAB = 100000
D_MODEL = 128
B = 4096
L = 200


def setup_inputs(seed: int = 0) -> dict:
    key = jax.random.key(seed)
    k1, k2, k3, k4 = jax.random.split(key, 4)
    x = jax.random.randint(k1, (B, L), 0, VOCAB, dtype=jnp.int64 if jax.config.jax_enable_x64 else jnp.int32)
    emb_table = jax.random.normal(k2, (VOCAB, D_MODEL), dtype=jnp.float32)
    # torch.nn.Linear(d_model, vocab): weight [vocab, d_model], bias [vocab]
    W = jax.random.normal(k3, (VOCAB, D_MODEL), dtype=jnp.float32) * (1.0 / np.sqrt(D_MODEL))
    b = jax.random.normal(k4, (VOCAB,), dtype=jnp.float32) * 0.01
    return {"x": x, "emb_table": emb_table, "W": W, "b": b}


def reference(x, emb_table, W, b):
    # embedding lookup: [B, L, d_model]
    embeds = jnp.take(emb_table, x, axis=0)
    # mean over dim 0 with keepdim: [1, L, d_model]
    input_embeds = jnp.mean(embeds, axis=0, keepdims=True)
    # linear: [1, L, vocab]
    out = input_embeds @ W.T + b
    # squeeze(0): [L, vocab]
    return jnp.squeeze(out, axis=0)

if __name__ == "__main__":
    import jax
    _d = setup_inputs()
    print(jax.jit(kernel)(*tuple(_d.values())))

</pallas_src>

<mosaic_0001>
#map = affine_map<(d0, d1) -> (0, 0, 0)>
#map1 = affine_map<(d0, d1) -> (0, 0)>
module attributes {stable_mosaic.version = 14 : i64} {
  func.func @_pool_body(%arg0: i32, %arg1: i32, %arg2: memref<800x8x128xi32, #tpu.memory_space<hbm>>, %arg3: memref<100000x128xf32, #tpu.memory_space<hbm>>, %arg4: memref<32x25x128xf32, #tpu.memory_space<hbm>>, %arg5: memref<200x128xi32, #tpu.memory_space<vmem>>, %arg6: memref<128x128xf32, #tpu.memory_space<vmem>>, %arg7: memref<128x128xf32, #tpu.memory_space<vmem>>, %arg8: memref<128x128xf32, #tpu.memory_space<vmem>>, %arg9: memref<128x128xf32, #tpu.memory_space<vmem>>, %arg10: memref<25x128xf32, #tpu.memory_space<vmem>>, %arg11: memref<!tpu.dma_semaphore, #tpu.memory_space<semaphore_mem>>, %arg12: memref<!tpu.dma_semaphore, #tpu.memory_space<semaphore_mem>>, %arg13: memref<!tpu.dma_semaphore, #tpu.memory_space<semaphore_mem>>, %arg14: memref<!tpu.dma_semaphore, #tpu.memory_space<semaphore_mem>>, %arg15: memref<!tpu.dma_semaphore, #tpu.memory_space<semaphore_mem>>) attributes {dimension_semantics = [#tpu.dimension_semantics<core_parallel>, #tpu.dimension_semantics<subcore_parallel>], iteration_bounds = array<i64: 2, 16>, scalar_prefetch = 0 : i64, scratch_operands = 11 : i64, tpu.core_type = #tpu.core_type<sc_vector_subcore>, window_params = [{transform_indices = #map}, {transform_indices = #map1}, {transform_indices = #map}]} {
    %mul3A = arith.constant 2 : i32
    %mul3A_0 = arith.muli %arg1, %mul3A : i32
    %add3A = arith.addi %mul3A_0, %arg0 : i32
    %scan3A = arith.constant 0 : i32
    %scan3A_1 = arith.constant 0 : i32
    %scan3A_2 = arith.constant 25 : i32
    %scan3A_3 = arith.addi %scan3A_1, %scan3A_2 : i32
    %scan3A_4 = arith.constant 1 : i32
    %scan3A_5 = scf.for %scan3A_430 = %scan3A_1 to %scan3A_3 step %scan3A_4 iter_args(%scan3A_431 = %scan3A) -> (i32)  : i32 {
      %mul3A_432 = arith.constant 32 : i32
      %mul3A_433 = arith.muli %scan3A_430, %mul3A_432 : i32
      %add3A_434 = arith.addi %add3A, %mul3A_433 : i32
      %mul3A_435 = arith.constant 8 : i32
      %mul3A_436 = arith.muli %scan3A_430, %mul3A_435 : i32
      %dma_start3A_437 = arith.constant 0 : i32
      %dma_start3A_438 = tpu.memref_slice %arg5[%mul3A_436, %dma_start3A_437] : memref<200x128xi32, #tpu.memory_space<vmem>> -> memref<8x128xi32, #tpu.memory_space<vmem>>
      %dma_start3A_439 = arith.constant 0 : i32
      %dma_start3A_440 = arith.constant 0 : i32
      %dma_start3A_441 = tpu.memref_slice %arg2[%add3A_434, %dma_start3A_439, %dma_start3A_440] : memref<800x8x128xi32, #tpu.memory_space<hbm>> -> memref<1x8x128xi32, #tpu.memory_space<hbm>>
      %dma_start3A_442 = tpu.memref_squeeze %dma_start3A_441 : memref<1x8x128xi32, #tpu.memory_space<hbm>> -> memref<8x128xi32, #tpu.memory_space<hbm>>
      %dma_start3A_443 = arith.constant 0 : i32
      %dma_start3A_444 = tpu.memref_slice %arg5[%mul3A_436, %dma_start3A_443] : memref<200x128xi32, #tpu.memory_space<vmem>> -> memref<8x128xi32, #tpu.memory_space<vmem>>
      %dma_start3A_445 = arith.constant 0 : i32
      %dma_start3A_446 = arith.constant 0 : i32
      %dma_start3A_447 = tpu.memref_slice %arg2[%add3A_434, %dma_start3A_445, %dma_start3A_446] : memref<800x8x128xi32, #tpu.memory_space<hbm>> -> memref<1x8x128xi32, #tpu.memory_space<hbm>>
      %dma_start3A_448 = tpu.memref_squeeze %dma_start3A_447 : memref<1x8x128xi32, #tpu.memory_space<hbm>> -> memref<8x128xi32, #tpu.memory_space<hbm>>
      tpu.enqueue_dma source(%dma_start3A_448 : memref<8x128xi32, #tpu.memory_space<hbm>>) target(%dma_start3A_444 : memref<8x128xi32, #tpu.memory_space<vmem>>) target_semaphore(%arg11 : memref<!tpu.dma_semaphore, #tpu.memory_space<semaphore_mem>>)
      %scan3A_449 = arith.constant 0 : i32
      scf.yield %scan3A_449 : i32
    }
    %scan3A_6 = arith.constant 25 : i32
    %dma_wait3A = arith.constant 0 : i32
    %dma_wait3A_7 = arith.constant 0 : i32
    %dma_wait3A_8 = arith.constant 0 : i32
    %dma_wait3A_9 = tpu.memref_slice %arg5[%dma_wait3A_7, %dma_wait3A_8] : memref<200x128xi32, #tpu.memory_space<vmem>> -> memref<8x128xi32, #tpu.memory_space<vmem>>
    %dma_wait3A_10 = arith.constant 0 : i32
    %dma_wait3A_11 = arith.constant 0 : i32
    %dma_wait3A_12 = tpu.memref_slice %arg2[%dma_wait3A, %dma_wait3A_10, %dma_wait3A_11] : memref<800x8x128xi32, #tpu.memory_space<hbm>> -> memref<1x8x128xi32, #tpu.memory_space<hbm>>
    %dma_wait3A_13 = tpu.memref_squeeze %dma_wait3A_12 : memref<1x8x128xi32, #tpu.memory_space<hbm>> -> memref<8x128xi32, #tpu.memory_space<hbm>>
    %dma_wait3A_14 = arith.constant 0 : i32
    %dma_wait3A_15 = arith.constant 0 : i32
    %dma_wait3A_16 = tpu.memref_slice %arg5[%dma_wait3A_14, %dma_wait3A_15] : memref<200x128xi32, #tpu.memory_space<vmem>> -> memref<8x128xi32, #tpu.memory_space<vmem>>
    %dma_wait3A_17 = arith.constant 0 : i32
    %dma_wait3A_18 = arith.constant 0 : i32
    %dma_wait3A_19 = tpu.memref_slice %arg2[%dma_wait3A, %dma_wait3A_17, %dma_wait3A_18] : memref<800x8x128xi32, #tpu.memory_space<hbm>> -> memref<1x8x128xi32, #tpu.memory_space<hbm>>
    %dma_wait3A_20 = tpu.memref_squeeze %dma_wait3A_19 : memref<1x8x128xi32, #tpu.memory_space<hbm>> -> memref<8x128xi32, #tpu.memory_space<hbm>>
    tpu.wait_dma2 semaphore(%arg11 : memref<!tpu.dma_semaphore, #tpu.memory_space<semaphore_mem>>) src(%dma_wait3A_20 : memref<8x128xi32, #tpu.memory_space<hbm>>) dst(%dma_wait3A_16 : memref<8x128xi32, #tpu.memory_space<vmem>>)
    %dma_wait3A_21 = arith.constant 0 : i32
    %dma_wait3A_22 = arith.constant 0 : i32
    %dma_wait3A_23 = arith.constant 0 : i32
    %dma_wait3A_24 = tpu.memref_slice %arg5[%dma_wait3A_22, %dma_wait3A_23] : memref<200x128xi32, #tpu.memory_space<vmem>> -> memref<8x128xi32, #tpu.memory_space<vmem>>
    %dma_wait3A_25 = arith.constant 0 : i32
    %dma_wait3A_26 = arith.constant 0 : i32
    %dma_wait3A_27 = tpu.memref_slice %arg2[%dma_wait3A_21, %dma_wait3A_25, %dma_wait3A_26] : memref<800x8x128xi32, #tpu.memory_space<hbm>> -> memref<1x8x128xi32, #tpu.memory_space<hbm>>
    %dma_wait3A_28 = tpu.memref_squeeze %dma_wait3A_27 : memref<1x8x128xi32, #tpu.memory_space<hbm>> -> memref<8x128xi32, #tpu.memory_space<hbm>>
    %dma_wait3A_29 = arith.constant 0 : i32
    %dma_wait3A_30 = arith.constant 0 : i32
    %dma_wait3A_31 = tpu.memref_slice %arg5[%dma_wait3A_29, %dma_wait3A_30] : memref<200x128xi32, #tpu.memory_space<vmem>> -> memref<8x128xi32, #tpu.memory_space<vmem>>
    %dma_wait3A_32 = arith.constant 0 : i32
    %dma_wait3A_33 = arith.constant 0 : i32
    %dma_wait3A_34 = tpu.memref_slice %arg2[%dma_wait3A_21, %dma_wait3A_32, %dma_wait3A_33] : memref<800x8x128xi32, #tpu.memory_space<hbm>> -> memref<1x8x128xi32, #tpu.memory_space<hbm>>
    %dma_wait3A_35 = tpu.memref_squeeze %dma_wait3A_34 : memref<1x8x128xi32, #tpu.memory_space<hbm>> -> memref<8x128xi32, #tpu.memory_space<hbm>>
    tpu.wait_dma2 semaphore(%arg11 : memref<!tpu.dma_semaphore, #tpu.memory_space<semaphore_mem>>) src(%dma_wait3A_35 : memref<8x128xi32, #tpu.memory_space<hbm>>) dst(%dma_wait3A_31 : memref<8x128xi32, #tpu.memory_space<vmem>>)
    %dma_wait3A_36 = arith.constant 0 : i32
    %dma_wait3A_37 = arith.constant 0 : i32
    %dma_wait3A_38 = arith.constant 0 : i32
    %dma_wait3A_39 = tpu.memref_slice %arg5[%dma_wait3A_37, %dma_wait3A_38] : memref<200x128xi32, #tpu.memory_space<vmem>> -> memref<8x128xi32, #tpu.memory_space<vmem>>
    %dma_wait3A_40 = arith.constant 0 : i32
    %dma_wait3A_41 = arith.constant 0 : i32
    %dma_wait3A_42 = tpu.memref_slice %arg2[%dma_wait3A_36, %dma_wait3A_40, %dma_wait3A_41] : memref<800x8x128xi32, #tpu.memory_space<hbm>> -> memref<1x8x128xi32, #tpu.memory_space<hbm>>
    %dma_wait3A_43 = tpu.memref_squeeze %dma_wait3A_42 : memref<1x8x128xi32, #tpu.memory_space<hbm>> -> memref<8x128xi32, #tpu.memory_space<hbm>>
    %dma_wait3A_44 = arith.constant 0 : i32
    %dma_wait3A_45 = arith.constant 0 : i32
    %dma_wait3A_46 = tpu.memref_slice %arg5[%dma_wait3A_44, %dma_wait3A_45] : memref<200x128xi32, #tpu.memory_space<vmem>> -> memref<8x128xi32, #tpu.memory_space<vmem>>
    %dma_wait3A_47 = arith.constant 0 : i32
    %dma_wait3A_48 = arith.constant 0 : i32
    %dma_wait3A_49 = tpu.memref_slice %arg2[%dma_wait3A_36, %dma_wait3A_47, %dma_wait3A_48] : memref<800x8x128xi32, #tpu.memory_space<hbm>> -> memref<1x8x128xi32, #tpu.memory_space<hbm>>
    %dma_wait3A_50 = tpu.memref_squeeze %dma_wait3A_49 : memref<1x8x128xi32, #tpu.memory_space<hbm>> -> memref<8x128xi32, #tpu.memory_space<hbm>>
    tpu.wait_dma2 semaphore(%arg11 : memref<!tpu.dma_semaphore, #tpu.memory_space<semaphore_mem>>) src(%dma_wait3A_50 : memref<8x128xi32, #tpu.memory_space<hbm>>) dst(%dma_wait3A_46 : memref<8x128xi32, #tpu.memory_space<vmem>>)
    %dma_wait3A_51 = arith.constant 0 : i32
    %dma_wait3A_52 = arith.constant 0 : i32
    %dma_wait3A_53 = arith.constant 0 : i32
    %dma_wait3A_54 = tpu.memref_slice %arg5[%dma_wait3A_52, %dma_wait3A_53] : memref<200x128xi32, #tpu.memory_space<vmem>> -> memref<8x128xi32, #tpu.memory_space<vmem>>
    %dma_wait3A_55 = arith.constant 0 : i32
    %dma_wait3A_56 = arith.constant 0 : i32
    %dma_wait3A_57 = tpu.memref_slice %arg2[%dma_wait3A_51, %dma_wait3A_55, %dma_wait3A_56] : memref<800x8x128xi32, #tpu.memory_space<hbm>> -> memref<1x8x128xi32, #tpu.memory_space<hbm>>
    %dma_wait3A_58 = tpu.memref_squeeze %dma_wait3A_57 : memref<1x8x128xi32, #tpu.memory_space<hbm>> -> memref<8x128xi32, #tpu.memory_space<hbm>>
    %dma_wait3A_59 = arith.constant 0 : i32
    %dma_wait3A_60 = arith.constant 0 : i32
    %dma_wait3A_61 = tpu.memref_slice %arg5[%dma_wait3A_59, %dma_wait3A_60] : memref<200x128xi32, #tpu.memory_space<vmem>> -> memref<8x128xi32, #tpu.memory_space<vmem>>
    %dma_wait3A_62 = arith.constant 0 : i32
    %dma_wait3A_63 = arith.constant 0 : i32
    %dma_wait3A_64 = tpu.memref_slice %arg2[%dma_wait3A_51, %dma_wait3A_62, %dma_wait3A_63] : memref<800x8x128xi32, #tpu.memory_space<hbm>> -> memref<1x8x128xi32, #tpu.memory_space<hbm>>
    %dma_wait3A_65 = tpu.memref_squeeze %dma_wait3A_64 : memref<1x8x128xi32, #tpu.memory_space<hbm>> -> memref<8x128xi32, #tpu.memory_space<hbm>>
    tpu.wait_dma2 semaphore(%arg11 : memref<!tpu.dma_semaphore, #tpu.memory_space<semaphore_mem>>) src(%dma_wait3A_65 : memref<8x128xi32, #tpu.memory_space<hbm>>) dst(%dma_wait3A_61 : memref<8x128xi32, #tpu.memory_space<vmem>>)
    %dma_wait3A_66 = arith.constant 0 : i32
    %dma_wait3A_67 = arith.constant 0 : i32
    %dma_wait3A_68 = arith.constant 0 : i32
    %dma_wait3A_69 = tpu.memref_slice %arg5[%dma_wait3A_67, %dma_wait3A_68] : memref<200x128xi32, #tpu.memory_space<vmem>> -> memref<8x128xi32, #tpu.memory_space<vmem>>
    %dma_wait3A_70 = arith.constant 0 : i32
    %dma_wait3A_71 = arith.constant 0 : i32
    %dma_wait3A_72 = tpu.memref_slice %arg2[%dma_wait3A_66, %dma_wait3A_70, %dma_wait3A_71] : memref<800x8x128xi32, #tpu.memory_space<hbm>> -> memref<1x8x128xi32, #tpu.memory_space<hbm>>
    %dma_wait3A_73 = tpu.memref_squeeze %dma_wait3A_72 : memref<1x8x128xi32, #tpu.memory_space<hbm>> -> memref<8x128xi32, #tpu.memory_space<hbm>>
    %dma_wait3A_74 = arith.constant 0 : i32
    %dma_wait3A_75 = arith.constant 0 : i32
    %dma_wait3A_76 = tpu.memref_slice %arg5[%dma_wait3A_74, %dma_wait3A_75] : memref<200x128xi32, #tpu.memory_space<vmem>> -> memref<8x128xi32, #tpu.memory_space<vmem>>
    %dma_wait3A_77 = arith.constant 0 : i32
    %dma_wait3A_78 = arith.constant 0 : i32
    %dma_wait3A_79 = tpu.memref_slice %arg2[%dma_wait3A_66, %dma_wait3A_77, %dma_wait3A_78] : memref<800x8x128xi32, #tpu.memory_space<hbm>> -> memref<1x8x128xi32, #tpu.memory_space<hbm>>
    %dma_wait3A_80 = tpu.memref_squeeze %dma_wait3A_79 : memref<1x8x128xi32, #tpu.memory_space<hbm>> -> memref<8x128xi32, #tpu.memory_space<hbm>>
    tpu.wait_dma2 semaphore(%arg11 : memref<!tpu.dma_semaphore, #tpu.memory_space<semaphore_mem>>) src(%dma_wait3A_80 : memref<8x128xi32, #tpu.memory_space<hbm>>) dst(%dma_wait3A_76 : memref<8x128xi32, #tpu.memory_space<vmem>>)
    %dma_wait3A_81 = arith.constant 0 : i32
    %dma_wait3A_82 = arith.constant 0 : i32
    %dma_wait3A_83 = arith.constant 0 : i32
    %dma_wait3A_84 = tpu.memref_slice %arg5[%dma_wait3A_82, %dma_wait3A_83] : memref<200x128xi32, #tpu.memory_space<vmem>> -> memref<8x128xi32, #tpu.memory_space<vmem>>
    %dma_wait3A_85 = arith.constant 0 : i32
    %dma_wait3A_86 = arith.constant 0 : i32
    %dma_wait3A_87 = tpu.memref_slice %arg2[%dma_wait3A_81, %dma_wait3A_85, %dma_wait3A_86] : memref<800x8x128xi32, #tpu.memory_space<hbm>> -> memref<1x8x128xi32, #tpu.memory_space<hbm>>
    %dma_wait3A_88 = tpu.memref_squeeze %dma_wait3A_87 : memref<1x8x128xi32, #tpu.memory_space<hbm>> -> memref<8x128xi32, #tpu.memory_space<hbm>>
    %dma_wait3A_89 = arith.constant 0 : i32
    %dma_wait3A_90 = arith.constant 0 : i32
    %dma_wait3A_91 = tpu.memref_slice %arg5[%dma_wait3A_89, %dma_wait3A_90] : memref<200x128xi32, #tpu.memory_space<vmem>> -> memref<8x128xi32, #tpu.memory_space<vmem>>
    %dma_wait3A_92 = arith.constant 0 : i32
    %dma_wait3A_93 = arith.constant 0 : i32
    %dma_wait3A_94 = tpu.memref_slice %arg2[%dma_wait3A_81, %dma_wait3A_92, %dma_wait3A_93] : memref<800x8x128xi32, #tpu.memory_space<hbm>> -> memref<1x8x128xi32, #tpu.memory_space<hbm>>
    %dma_wait3A_95 = tpu.memref_squeeze %dma_wait3A_94 : memref<1x8x128xi32, #tpu.memory_space<hbm>> -> memref<8x128xi32, #tpu.memory_space<hbm>>
    tpu.wait_dma2 semaphore(%arg11 : memref<!tpu.dma_semaphore, #tpu.memory_space<semaphore_mem>>) src(%dma_wait3A_95 : memref<8x128xi32, #tpu.memory_space<hbm>>) dst(%dma_wait3A_91 : memref<8x128xi32, #tpu.memory_space<vmem>>)
    %dma_wait3A_96 = arith.constant 0 : i32
    %dma_wait3A_97 = arith.constant 0 : i32
    %dma_wait3A_98 = arith.constant 0 : i32
    %dma_wait3A_99 = tpu.memref_slice %arg5[%dma_wait3A_97, %dma_wait3A_98] : memref<200x128xi32, #tpu.memory_space<vmem>> -> memref<8x128xi32, #tpu.memory_space<vmem>>
    %dma_wait3A_100 = arith.constant 0 : i32
    %dma_wait3A_101 = arith.constant 0 : i32
    %dma_wait3A_102 = tpu.memref_slice %arg2[%dma_wait3A_96, %dma_wait3A_100, %dma_wait3A_101] : memref<800x8x128xi32, #tpu.memory_space<hbm>> -> memref<1x8x128xi32, #tpu.memory_space<hbm>>
    %dma_wait3A_103 = tpu.memref_squeeze %dma_wait3A_102 : memref<1x8x128xi32, #tpu.memory_space<hbm>> -> memref<8x128xi32, #tpu.memory_space<hbm>>
    %dma_wait3A_104 = arith.constant 0 : i32
    %dma_wait3A_105 = arith.constant 0 : i32
    %dma_wait3A_106 = tpu.memref_slice %arg5[%dma_wait3A_104, %dma_wait3A_105] : memref<200x128xi32, #tpu.memory_space<vmem>> -> memref<8x128xi32, #tpu.memory_space<vmem>>
    %dma_wait3A_107 = arith.constant 0 : i32
    %dma_wait3A_108 = arith.constant 0 : i32
    %dma_wait3A_109 = tpu.memref_slice %arg2[%dma_wait3A_96, %dma_wait3A_107, %dma_wait3A_108] : memref<800x8x128xi32, #tpu.memory_space<hbm>> -> memref<1x8x128xi32, #tpu.memory_space<hbm>>
    %dma_wait3A_110 = tpu.memref_squeeze %dma_wait3A_109 : memref<1x8x128xi32, #tpu.memory_space<hbm>> -> memref<8x128xi32, #tpu.memory_space<hbm>>
    tpu.wait_dma2 semaphore(%arg11 : memref<!tpu.dma_semaphore, #tpu.memory_space<semaphore_mem>>) src(%dma_wait3A_110 : memref<8x128xi32, #tpu.memory_space<hbm>>) dst(%dma_wait3A_106 : memref<8x128xi32, #tpu.memory_space<vmem>>)
    %dma_wait3A_111 = arith.constant 0 : i32
    %dma_wait3A_112 = arith.constant 0 : i32
    %dma_wait3A_113 = arith.constant 0 : i32
    %dma_wait3A_114 = tpu.memref_slice %arg5[%dma_wait3A_112, %dma_wait3A_113] : memref<200x128xi32, #tpu.memory_space<vmem>> -> memref<8x128xi32, #tpu.memory_space<vmem>>
    %dma_wait3A_115 = arith.constant 0 : i32
    %dma_wait3A_116 = arith.constant 0 : i32
    %dma_wait3A_117 = tpu.memref_slice %arg2[%dma_wait3A_111, %dma_wait3A_115, %dma_wait3A_116] : memref<800x8x128xi32, #tpu.memory_space<hbm>> -> memref<1x8x128xi32, #tpu.memory_space<hbm>>
    %dma_wait3A_118 = tpu.memref_squeeze %dma_wait3A_117 : memref<1x8x128xi32, #tpu.memory_space<hbm>> -> memref<8x128xi32, #tpu.memory_space<hbm>>
    %dma_wait3A_119 = arith.constant 0 : i32
    %dma_wait3A_120 = arith.constant 0 : i32
    %dma_wait3A_121 = tpu.memref_slice %arg5[%dma_wait3A_119, %dma_wait3A_120] : memref<200x128xi32, #tpu.memory_space<vmem>> -> memref<8x128xi32, #tpu.memory_space<vmem>>
    %dma_wait3A_122 = arith.constant 0 : i32
    %dma_wait3A_123 = arith.constant 0 : i32
    %dma_wait3A_124 = tpu.memref_slice %arg2[%dma_wait3A_111, %dma_wait3A_122, %dma_wait3A_123] : memref<800x8x128xi32, #tpu.memory_space<hbm>> -> memref<1x8x128xi32, #tpu.memory_space<hbm>>
    %dma_wait3A_125 = tpu.memref_squeeze %dma_wait3A_124 : memref<1x8x128xi32, #tpu.memory_space<hbm>> -> memref<8x128xi32, #tpu.memory_space<hbm>>
    tpu.wait_dma2 semaphore(%arg11 : memref<!tpu.dma_semaphore, #tpu.memory_space<semaphore_mem>>) src(%dma_wait3A_125 : memref<8x128xi32, #tpu.memory_space<hbm>>) dst(%dma_wait3A_121 : memref<8x128xi32, #tpu.memory_space<vmem>>)
    %dma_wait3A_126 = arith.constant 0 : i32
    %dma_wait3A_127 = arith.constant 0 : i32
    %dma_wait3A_128 = arith.constant 0 : i32
    %dma_wait3A_129 = tpu.memref_slice %arg5[%dma_wait3A_127, %dma_wait3A_128] : memref<200x128xi32, #tpu.memory_space<vmem>> -> memref<8x128xi32, #tpu.memory_space<vmem>>
    %dma_wait3A_130 = arith.constant 0 : i32
    %dma_wait3A_131 = arith.constant 0 : i32
    %dma_wait3A_132 = tpu.memref_slice %arg2[%dma_wait3A_126, %dma_wait3A_130, %dma_wait3A_131] : memref<800x8x128xi32, #tpu.memory_space<hbm>> -> memref<1x8x128xi32, #tpu.memory_space<hbm>>
    %dma_wait3A_133 = tpu.memref_squeeze %dma_wait3A_132 : memref<1x8x128xi32, #tpu.memory_space<hbm>> -> memref<8x128xi32, #tpu.memory_space<hbm>>
    %dma_wait3A_134 = arith.constant 0 : i32
    %dma_wait3A_135 = arith.constant 0 : i32
    %dma_wait3A_136 = tpu.memref_slice %arg5[%dma_wait3A_134, %dma_wait3A_135] : memref<200x128xi32, #tpu.memory_space<vmem>> -> memref<8x128xi32, #tpu.memory_space<vmem>>
    %dma_wait3A_137 = arith.constant 0 : i32
    %dma_wait3A_138 = arith.constant 0 : i32
    %dma_wait3A_139 = tpu.memref_slice %arg2[%dma_wait3A_126, %dma_wait3A_137, %dma_wait3A_138] : memref<800x8x128xi32, #tpu.memory_space<hbm>> -> memref<1x8x128xi32, #tpu.memory_space<hbm>>
    %dma_wait3A_140 = tpu.memref_squeeze %dma_wait3A_139 : memref<1x8x128xi32, #tpu.memory_space<hbm>> -> memref<8x128xi32, #tpu.memory_space<hbm>>
    tpu.wait_dma2 semaphore(%arg11 : memref<!tpu.dma_semaphore, #tpu.memory_space<semaphore_mem>>) src(%dma_wait3A_140 : memref<8x128xi32, #tpu.memory_space<hbm>>) dst(%dma_wait3A_136 : memref<8x128xi32, #tpu.memory_space<vmem>>)
    %dma_wait3A_141 = arith.constant 0 : i32
    %dma_wait3A_142 = arith.constant 0 : i32
    %dma_wait3A_143 = arith.constant 0 : i32
    %dma_wait3A_144 = tpu.memref_slice %arg5[%dma_wait3A_142, %dma_wait3A_143] : memref<200x128xi32, #tpu.memory_space<vmem>> -> memref<8x128xi32, #tpu.memory_space<vmem>>
    %dma_wait3A_145 = arith.constant 0 : i32
    %dma_wait3A_146 = arith.constant 0 : i32
    %dma_wait3A_147 = tpu.memref_slice %arg2[%dma_wait3A_141, %dma_wait3A_145, %dma_wait3A_146] : memref<800x8x128xi32, #tpu.memory_space<hbm>> -> memref<1x8x128xi32, #tpu.memory_space<hbm>>
    %dma_wait3A_148 = tpu.memref_squeeze %dma_wait3A_147 : memref<1x8x128xi32, #tpu.memory_space<hbm>> -> memref<8x128xi32, #tpu.memory_space<hbm>>
    %dma_wait3A_149 = arith.constant 0 : i32
    %dma_wait3A_150 = arith.constant 0 : i32
    %dma_wait3A_151 = tpu.memref_slice %arg5[%dma_wait3A_149, %dma_wait3A_150] : memref<200x128xi32, #tpu.memory_space<vmem>> -> memref<8x128xi32, #tpu.memory_space<vmem>>
    %dma_wait3A_152 = arith.constant 0 : i32
    %dma_wait3A_153 = arith.constant 0 : i32
    %dma_wait3A_154 = tpu.memref_slice %arg2[%dma_wait3A_141, %dma_wait3A_152, %dma_wait3A_153] : memref<800x8x128xi32, #tpu.memory_space<hbm>> -> memref<1x8x128xi32, #tpu.memory_space<hbm>>
    %dma_wait3A_155 = tpu.memref_squeeze %dma_wait3A_154 : memref<1x8x128xi32, #tpu.memory_space<hbm>> -> memref<8x128xi32, #tpu.memory_space<hbm>>
    tpu.wait_dma2 semaphore(%arg11 : memref<!tpu.dma_semaphore, #tpu.memory_space<semaphore_mem>>) src(%dma_wait3A_155 : memref<8x128xi32, #tpu.memory_space<hbm>>) dst(%dma_wait3A_151 : memref<8x128xi32, #tpu.memory_space<vmem>>)
    %dma_wait3A_156 = arith.constant 0 : i32
    %dma_wait3A_157 = arith.constant 0 : i32
    %dma_wait3A_158 = arith.constant 0 : i32
    %dma_wait3A_159 = tpu.memref_slice %arg5[%dma_wait3A_157, %dma_wait3A_158] : memref<200x128xi32, #tpu.memory_space<vmem>> -> memref<8x128xi32, #tpu.memory_space<vmem>>
    %dma_wait3A_160 = arith.constant 0 : i32
    %dma_wait3A_161 = arith.constant 0 : i32
    %dma_wait3A_162 = tpu.memref_slice %arg2[%dma_wait3A_156, %dma_wait3A_160, %dma_wait3A_161] : memref<800x8x128xi32, #tpu.memory_space<hbm>> -> memref<1x8x128xi32, #tpu.memory_space<hbm>>
    %dma_wait3A_163 = tpu.memref_squeeze %dma_wait3A_162 : memref<1x8x128xi32, #tpu.memory_space<hbm>> -> memref<8x128xi32, #tpu.memory_space<hbm>>
    %dma_wait3A_164 = arith.constant 0 : i32
    %dma_wait3A_165 = arith.constant 0 : i32
    %dma_wait3A_166 = tpu.memref_slice %arg5[%dma_wait3A_164, %dma_wait3A_165] : memref<200x128xi32, #tpu.memory_space<vmem>> -> memref<8x128xi32, #tpu.memory_space<vmem>>
    %dma_wait3A_167 = arith.constant 0 : i32
    %dma_wait3A_168 = arith.constant 0 : i32
    %dma_wait3A_169 = tpu.memref_slice %arg2[%dma_wait3A_156, %dma_wait3A_167, %dma_wait3A_168] : memref<800x8x128xi32, #tpu.memory_space<hbm>> -> memref<1x8x128xi32, #tpu.memory_space<hbm>>
    %dma_wait3A_170 = tpu.memref_squeeze %dma_wait3A_169 : memref<1x8x128xi32, #tpu.memory_space<hbm>> -> memref<8x128xi32, #tpu.memory_space<hbm>>
    tpu.wait_dma2 semaphore(%arg11 : memref<!tpu.dma_semaphore, #tpu.memory_space<semaphore_mem>>) src(%dma_wait3A_170 : memref<8x128xi32, #tpu.memory_space<hbm>>) dst(%dma_wait3A_166 : memref<8x128xi32, #tpu.memory_space<vmem>>)
    %dma_wait3A_171 = arith.constant 0 : i32
    %dma_wait3A_172 = arith.constant 0 : i32
    %dma_wait3A_173 = arith.constant 0 : i32
    %dma_wait3A_174 = tpu.memref_slice %arg5[%dma_wait3A_172, %dma_wait3A_173] : memref<200x128xi32, #tpu.memory_space<vmem>> -> memref<8x128xi32, #tpu.memory_space<vmem>>
    %dma_wait3A_175 = arith.constant 0 : i32
    %dma_wait3A_176 = arith.constant 0 : i32
    %dma_wait3A_177 = tpu.memref_slice %arg2[%dma_wait3A_171, %dma_wait3A_175, %dma_wait3A_176] : memref<800x8x128xi32, #tpu.memory_space<hbm>> -> memref<1x8x128xi32, #tpu.memory_space<hbm>>
    %dma_wait3A_178 = tpu.memref_squeeze %dma_wait3A_177 : memref<1x8x128xi32, #tpu.memory_space<hbm>> -> memref<8x128xi32, #tpu.memory_space<hbm>>
    %dma_wait3A_179 = arith.constant 0 : i32
    %dma_wait3A_180 = arith.constant 0 : i32
    %dma_wait3A_181 = tpu.memref_slice %arg5[%dma_wait3A_179, %dma_wait3A_180] : memref<200x128xi32, #tpu.memory_space<vmem>> -> memref<8x128xi32, #tpu.memory_space<vmem>>
    %dma_wait3A_182 = arith.constant 0 : i32
    %dma_wait3A_183 = arith.constant 0 : i32
    %dma_wait3A_184 = tpu.memref_slice %arg2[%dma_wait3A_171, %dma_wait3A_182, %dma_wait3A_183] : memref<800x8x128xi32, #tpu.memory_space<hbm>> -> memref<1x8x128xi32, #tpu.memory_space<hbm>>
    %dma_wait3A_185 = tpu.memref_squeeze %dma_wait3A_184 : memref<1x8x128xi32, #tpu.memory_space<hbm>> -> memref<8x128xi32, #tpu.memory_space<hbm>>
    tpu.wait_dma2 semaphore(%arg11 : memref<!tpu.dma_semaphore, #tpu.memory_space<semaphore_mem>>) src(%dma_wait3A_185 : memref<8x128xi32, #tpu.memory_space<hbm>>) dst(%dma_wait3A_181 : memref<8x128xi32, #tpu.memory_space<vmem>>)
    %dma_wait3A_186 = arith.constant 0 : i32
    %dma_wait3A_187 = arith.constant 0 : i32
    %dma_wait3A_188 = arith.constant 0 : i32
    %dma_wait3A_189 = tpu.memref_slice %arg5[%dma_wait3A_187, %dma_wait3A_188] : memref<200x128xi32, #tpu.memory_space<vmem>> -> memref<8x128xi32, #tpu.memory_space<vmem>>
    %dma_wait3A_190 = arith.constant 0 : i32
    %dma_wait3A_191 = arith.constant 0 : i32
    %dma_wait3A_192 = tpu.memref_slice %arg2[%dma_wait3A_186, %dma_wait3A_190, %dma_wait3A_191] : memref<800x8x128xi32, #tpu.memory_space<hbm>> -> memref<1x8x128xi32, #tpu.memory_space<hbm>>
    %dma_wait3A_193 = tpu.memref_squeeze %dma_wait3A_192 : memref<1x8x128xi32, #tpu.memory_space<hbm>> -> memref<8x128xi32, #tpu.memory_space<hbm>>
    %dma_wait3A_194 = arith.constant 0 : i32
    %dma_wait3A_195 = arith.constant 0 : i32
    %dma_wait3A_196 = tpu.memref_slice %arg5[%dma_wait3A_194, %dma_wait3A_195] : memref<200x128xi32, #tpu.memory_space<vmem>> -> memref<8x128xi32, #tpu.memory_space<vmem>>
    %dma_wait3A_197 = arith.constant 0 : i32
    %dma_wait3A_198 = arith.constant 0 : i32
    %dma_wait3A_199 = tpu.memref_slice %arg2[%dma_wait3A_186, %dma_wait3A_197, %dma_wait3A_198] : memref<800x8x128xi32, #tpu.memory_space<hbm>> -> memref<1x8x128xi32, #tpu.memory_space<hbm>>
    %dma_wait3A_200 = tpu.memref_squeeze %dma_wait3A_199 : memref<1x8x128xi32, #tpu.memory_space<hbm>> -> memref<8x128xi32, #tpu.memory_space<hbm>>
    tpu.wait_dma2 semaphore(%arg11 : memref<!tpu.dma_semaphore, #tpu.memory_space<semaphore_mem>>) src(%dma_wait3A_200 : memref<8x128xi32, #tpu.memory_space<hbm>>) dst(%dma_wait3A_196 : memref<8x128xi32, #tpu.memory_space<vmem>>)
    %dma_wait3A_201 = arith.constant 0 : i32
    %dma_wait3A_202 = arith.constant 0 : i32
    %dma_wait3A_203 = arith.constant 0 : i32
    %dma_wait3A_204 = tpu.memref_slice %arg5[%dma_wait3A_202, %dma_wait3A_203] : memref<200x128xi32, #tpu.memory_space<vmem>> -> memref<8x128xi32, #tpu.memory_space<vmem>>
    %dma_wait3A_205 = arith.constant 0 : i32
    %dma_wait3A_206 = arith.constant 0 : i32
    %dma_wait3A_207 = tpu.memref_slice %arg2[%dma_wait3A_201, %dma_wait3A_205, %dma_wait3A_206] : memref<800x8x128xi32, #tpu.memory_space<hbm>> -> memref<1x8x128xi32, #tpu.memory_space<hbm>>
    %dma_wait3A_208 = tpu.memref_squeeze %dma_wait3A_207 : memref<1x8x128xi32, #tpu.memory_space<hbm>> -> memref<8x128xi32, #tpu.memory_space<hbm>>
    %dma_wait3A_209 = arith.constant 0 : i32
    %dma_wait3A_210 = arith.constant 0 : i32
    %dma_wait3A_211 = tpu.memref_slice %arg5[%dma_wait3A_209, %dma_wait3A_210] : memref<200x128xi32, #tpu.memory_space<vmem>> -> memref<8x128xi32, #tpu.memory_space<vmem>>
    %dma_wait3A_212 = arith.constant 0 : i32
    %dma_wait3A_213 = arith.constant 0 : i32
    %dma_wait3A_214 = tpu.memref_slice %arg2[%dma_wait3A_201, %dma_wait3A_212, %dma_wait3A_213] : memref<800x8x128xi32, #tpu.memory_space<hbm>> -> memref<1x8x128xi32, #tpu.memory_space<hbm>>
    %dma_wait3A_215 = tpu.memref_squeeze %dma_wait3A_214 : memref<1x8x128xi32, #tpu.memory_space<hbm>> -> memref<8x128xi32, #tpu.memory_space<hbm>>
    tpu.wait_dma2 semaphore(%arg11 : memref<!tpu.dma_semaphore, #tpu.memory_space<semaphore_mem>>) src(%dma_wait3A_215 : memref<8x128xi32, #tpu.memory_space<hbm>>) dst(%dma_wait3A_211 : memref<8x128xi32, #tpu.memory_space<vmem>>)
    %dma_wait3A_216 = arith.constant 0 : i32
    %dma_wait3A_217 = arith.constant 0 : i32
    %dma_wait3A_218 = arith.constant 0 : i32
    %dma_wait3A_219 = tpu.memref_slice %arg5[%dma_wait3A_217, %dma_wait3A_218] : memref<200x128xi32, #tpu.memory_space<vmem>> -> memref<8x128xi32, #tpu.memory_space<vmem>>
    %dma_wait3A_220 = arith.constant 0 : i32
    %dma_wait3A_221 = arith.constant 0 : i32
    %dma_wait3A_222 = tpu.memref_slice %arg2[%dma_wait3A_216, %dma_wait3A_220, %dma_wait3A_221] : memref<800x8x128xi32, #tpu.memory_space<hbm>> -> memref<1x8x128xi32, #tpu.memory_space<hbm>>
    %dma_wait3A_223 = tpu.memref_squeeze %dma_wait3A_222 : memref<1x8x128xi32, #tpu.memory_space<hbm>> -> memref<8x128xi32, #tpu.memory_space<hbm>>
    %dma_wait3A_224 = arith.constant 0 : i32
    %dma_wait3A_225 = arith.constant 0 : i32
    %dma_wait3A_226 = tpu.memref_slice %arg5[%dma_wait3A_224, %dma_wait3A_225] : memref<200x128xi32, #tpu.memory_space<vmem>> -> memref<8x128xi32, #tpu.memory_space<vmem>>
    %dma_wait3A_227 = arith.constant 0 : i32
    %dma_wait3A_228 = arith.constant 0 : i32
    %dma_wait3A_229 = tpu.memref_slice %arg2[%dma_wait3A_216, %dma_wait3A_227, %dma_wait3A_228] : memref<800x8x128xi32, #tpu.memory_space<hbm>> -> memref<1x8x128xi32, #tpu.memory_space<hbm>>
    %dma_wait3A_230 = tpu.memref_squeeze %dma_wait3A_229 : memref<1x8x128xi32, #tpu.memory_space<hbm>> -> memref<8x128xi32, #tpu.memory_space<hbm>>
    tpu.wait_dma2 semaphore(%arg11 : memref<!tpu.dma_semaphore, #tpu.memory_space<semaphore_mem>>) src(%dma_wait3A_230 : memref<8x128xi32, #tpu.memory_space<hbm>>) dst(%dma_wait3A_226 : memref<8x128xi32, #tpu.memory_space<vmem>>)
    %dma_wait3A_231 = arith.constant 0 : i32
    %dma_wait3A_232 = arith.constant 0 : i32
    %dma_wait3A_233 = arith.constant 0 : i32
    %dma_wait3A_234 = tpu.memref_slice %arg5[%dma_wait3A_232, %dma_wait3A_233] : memref<200x128xi32, #tpu.memory_space<vmem>> -> memref<8x128xi32, #tpu.memory_space<vmem>>
    %dma_wait3A_235 = arith.constant 0 : i32
    %dma_wait3A_236 = arith.constant 0 : i32
    %dma_wait3A_237 = tpu.memref_slice %arg2[%dma_wait3A_231, %dma_wait3A_235, %dma_wait3A_236] : memref<800x8x128xi32, #tpu.memory_space<hbm>> -> memref<1x8x128xi32, #tpu.memory_space<hbm>>
    %dma_wait3A_238 = tpu.memref_squeeze %dma_wait3A_237 : memref<1x8x128xi32, #tpu.memory_space<hbm>> -> memref<8x128xi32, #tpu.memory_space<hbm>>
    %dma_wait3A_239 = arith.constant 0 : i32
    %dma_wait3A_240 = arith.constant 0 : i32
    %dma_wait3A_241 = tpu.memref_slice %arg5[%dma_wait3A_239, %dma_wait3A_240] : memref<200x128xi32, #tpu.memory_space<vmem>> -> memref<8x128xi32, #tpu.memory_space<vmem>>
    %dma_wait3A_242 = arith.constant 0 : i32
    %dma_wait3A_243 = arith.constant 0 : i32
    %dma_wait3A_244 = tpu.memref_slice %arg2[%dma_wait3A_231, %dma_wait3A_242, %dma_wait3A_243] : memref<800x8x128xi32, #tpu.memory_space<hbm>> -> memref<1x8x128xi32, #tpu.memory_space<hbm>>
    %dma_wait3A_245 = tpu.memref_squeeze %dma_wait3A_244 : memref<1x8x128xi32, #tpu.memory_space<hbm>> -> memref<8x128xi32, #tpu.memory_space<hbm>>
    tpu.wait_dma2 semaphore(%arg11 : memref<!tpu.dma_semaphore, #tpu.memory_space<semaphore_mem>>) src(%dma_wait3A_245 : memref<8x128xi32, #tpu.memory_space<hbm>>) dst(%dma_wait3A_241 : memref<8x128xi32, #tpu.memory_space<vmem>>)
    %dma_wait3A_246 = arith.constant 0 : i32
    %dma_wait3A_247 = arith.constant 0 : i32
    %dma_wait3A_248 = arith.constant 0 : i32
    %dma_wait3A_249 = tpu.memref_slice %arg5[%dma_wait3A_247, %dma_wait3A_248] : memref<200x128xi32, #tpu.memory_space<vmem>> -> memref<8x128xi32, #tpu.memory_space<vmem>>
    %dma_wait3A_250 = arith.constant 0 : i32
    %dma_wait3A_251 = arith.constant 0 : i32
    %dma_wait3A_252 = tpu.memref_slice %arg2[%dma_wait3A_246, %dma_wait3A_250, %dma_wait3A_251] : memref<800x8x128xi32, #tpu.memory_space<hbm>> -> memref<1x8x128xi32, #tpu.memory_space<hbm>>
    %dma_wait3A_253 = tpu.memref_squeeze %dma_wait3A_252 : memref<1x8x128xi32, #tpu.memory_space<hbm>> -> memref<8x128xi32, #tpu.memory_space<hbm>>
    %dma_wait3A_254 = arith.constant 0 : i32
    %dma_wait3A_255 = arith.constant 0 : i32
    %dma_wait3A_256 = tpu.memref_slice %arg5[%dma_wait3A_254, %dma_wait3A_255] : memref<200x128xi32, #tpu.memory_space<vmem>> -> memref<8x128xi32, #tpu.memory_space<vmem>>
    %dma_wait3A_257 = arith.constant 0 : i32
    %dma_wait3A_258 = arith.constant 0 : i32
    %dma_wait3A_259 = tpu.memref_slice %arg2[%dma_wait3A_246, %dma_wait3A_257, %dma_wait3A_258] : memref<800x8x128xi32, #tpu.memory_space<hbm>> -> memref<1x8x128xi32, #tpu.memory_space<hbm>>
    %dma_wait3A_260 = tpu.memref_squeeze %dma_wait3A_259 : memref<1x8x128xi32, #tpu.memory_space<hbm>> -> memref<8x128xi32, #tpu.memory_space<hbm>>
    tpu.wait_dma2 semaphore(%arg11 : memref<!tpu.dma_semaphore, #tpu.memory_space<semaphore_mem>>) src(%dma_wait3A_260 : memref<8x128xi32, #tpu.memory_space<hbm>>) dst(%dma_wait3A_256 : memref<8x128xi32, #tpu.memory_space<vmem>>)
    %dma_wait3A_261 = arith.constant 0 : i32
    %dma_wait3A_262 = arith.constant 0 : i32
    %dma_wait3A_263 = arith.constant 0 : i32
    %dma_wait3A_264 = tpu.memref_slice %arg5[%dma_wait3A_262, %dma_wait3A_263] : memref<200x128xi32, #tpu.memory_space<vmem>> -> memref<8x128xi32, #tpu.memory_space<vmem>>
    %dma_wait3A_265 = arith.constant 0 : i32
    %dma_wait3A_266 = arith.constant 0 : i32
    %dma_wait3A_267 = tpu.memref_slice %arg2[%dma_wait3A_261, %dma_wait3A_265, %dma_wait3A_266] : memref<800x8x128xi32, #tpu.memory_space<hbm>> -> memref<1x8x128xi32, #tpu.memory_space<hbm>>
    %dma_wait3A_268 = tpu.memref_squeeze %dma_wait3A_267 : memref<1x8x128xi32, #tpu.memory_space<hbm>> -> memref<8x128xi32, #tpu.memory_space<hbm>>
    %dma_wait3A_269 = arith.constant 0 : i32
    %dma_wait3A_270 = arith.constant 0 : i32
    %dma_wait3A_271 = tpu.memref_slice %arg5[%dma_wait3A_269, %dma_wait3A_270] : memref<200x128xi32, #tpu.memory_space<vmem>> -> memref<8x128xi32, #tpu.memory_space<vmem>>
    %dma_wait3A_272 = arith.constant 0 : i32
    %dma_wait3A_273 = arith.constant 0 : i32
    %dma_wait3A_274 = tpu.memref_slice %arg2[%dma_wait3A_261, %dma_wait3A_272, %dma_wait3A_273] : memref<800x8x128xi32, #tpu.memory_space<hbm>> -> memref<1x8x128xi32, #tpu.memory_space<hbm>>
    %dma_wait3A_275 = tpu.memref_squeeze %dma_wait3A_274 : memref<1x8x128xi32, #tpu.memory_space<hbm>> -> memref<8x128xi32, #tpu.memory_space<hbm>>
    tpu.wait_dma2 semaphore(%arg11 : memref<!tpu.dma_semaphore, #tpu.memory_space<semaphore_mem>>) src(%dma_wait3A_275 : memref<8x128xi32, #tpu.memory_space<hbm>>) dst(%dma_wait3A_271 : memref<8x128xi32, #tpu.memory_space<vmem>>)
    %dma_wait3A_276 = arith.constant 0 : i32
    %dma_wait3A_277 = arith.constant 0 : i32
    %dma_wait3A_278 = arith.constant 0 : i32
    %dma_wait3A_279 = tpu.memref_slice %arg5[%dma_wait3A_277, %dma_wait3A_278] : memref<200x128xi32, #tpu.memory_space<vmem>> -> memref<8x128xi32, #tpu.memory_space<vmem>>
    %dma_wait3A_280 = arith.constant 0 : i32
    %dma_wait3A_281 = arith.constant 0 : i32
    %dma_wait3A_282 = tpu.memref_slice %arg2[%dma_wait3A_276, %dma_wait3A_280, %dma_wait3A_281] : memref<800x8x128xi32, #tpu.memory_space<hbm>> -> memref<1x8x128xi32, #tpu.memory_space<hbm>>
    %dma_wait3A_283 = tpu.memref_squeeze %dma_wait3A_282 : memref<1x8x128xi32, #tpu.memory_space<hbm>> -> memref<8x128xi32, #tpu.memory_space<hbm>>
    %dma_wait3A_284 = arith.constant 0 : i32
    %dma_wait3A_285 = arith.constant 0 : i32
    %dma_wait3A_286 = tpu.memref_slice %arg5[%dma_wait3A_284, %dma_wait3A_285] : memref<200x128xi32, #tpu.memory_space<vmem>> -> memref<8x128xi32, #tpu.memory_space<vmem>>
    %dma_wait3A_287 = arith.constant 0 : i32
    %dma_wait3A_288 = arith.constant 0 : i32
    %dma_wait3A_289 = tpu.memref_slice %arg2[%dma_wait3A_276, %dma_wait3A_287, %dma_wait3A_288] : memref<800x8x128xi32, #tpu.memory_space<hbm>> -> memref<1x8x128xi32, #tpu.memory_space<hbm>>
    %dma_wait3A_290 = tpu.memref_squeeze %dma_wait3A_289 : memref<1x8x128xi32, #tpu.memory_space<hbm>> -> memref<8x128xi32, #tpu.memory_space<hbm>>
    tpu.wait_dma2 semaphore(%arg11 : memref<!tpu.dma_semaphore, #tpu.memory_space<semaphore_mem>>) src(%dma_wait3A_290 : memref<8x128xi32, #tpu.memory_space<hbm>>) dst(%dma_wait3A_286 : memref<8x128xi32, #tpu.memory_space<vmem>>)
    %dma_wait3A_291 = arith.constant 0 : i32
    %dma_wait3A_292 = arith.constant 0 : i32
    %dma_wait3A_293 = arith.constant 0 : i32
    %dma_wait3A_294 = tpu.memref_slice %arg5[%dma_wait3A_292, %dma_wait3A_293] : memref<200x128xi32, #tpu.memory_space<vmem>> -> memref<8x128xi32, #tpu.memory_space<vmem>>
    %dma_wait3A_295 = arith.constant 0 : i32
    %dma_wait3A_296 = arith.constant 0 : i32
    %dma_wait3A_297 = tpu.memref_slice %arg2[%dma_wait3A_291, %dma_wait3A_295, %dma_wait3A_296] : memref<800x8x128xi32, #tpu.memory_space<hbm>> -> memref<1x8x128xi32, #tpu.memory_space<hbm>>
    %dma_wait3A_298 = tpu.memref_squeeze %dma_wait3A_297 : memref<1x8x128xi32, #tpu.memory_space<hbm>> -> memref<8x128xi32, #tpu.memory_space<hbm>>
    %dma_wait3A_299 = arith.constant 0 : i32
    %dma_wait3A_300 = arith.constant 0 : i32
    %dma_wait3A_301 = tpu.memref_slice %arg5[%dma_wait3A_299, %dma_wait3A_300] : memref<200x128xi32, #tpu.memory_space<vmem>> -> memref<8x128xi32, #tpu.memory_space<vmem>>
    %dma_wait3A_302 = arith.constant 0 : i32
    %dma_wait3A_303 = arith.constant 0 : i32
    %dma_wait3A_304 = tpu.memref_slice %arg2[%dma_wait3A_291, %dma_wait3A_302, %dma_wait3A_303] : memref<800x8x128xi32, #tpu.memory_space<hbm>> -> memref<1x8x128xi32, #tpu.memory_space<hbm>>
    %dma_wait3A_305 = tpu.memref_squeeze %dma_wait3A_304 : memref<1x8x128xi32, #tpu.memory_space<hbm>> -> memref<8x128xi32, #tpu.memory_space<hbm>>
    tpu.wait_dma2 semaphore(%arg11 : memref<!tpu.dma_semaphore, #tpu.memory_space<semaphore_mem>>) src(%dma_wait3A_305 : memref<8x128xi32, #tpu.memory_space<hbm>>) dst(%dma_wait3A_301 : memref<8x128xi32, #tpu.memory_space<vmem>>)
    %dma_wait3A_306 = arith.constant 0 : i32
    %dma_wait3A_307 = arith.constant 0 : i32
    %dma_wait3A_308 = arith.constant 0 : i32
    %dma_wait3A_309 = tpu.memref_slice %arg5[%dma_wait3A_307, %dma_wait3A_308] : memref<200x128xi32, #tpu.memory_space<vmem>> -> memref<8x128xi32, #tpu.memory_space<vmem>>
    %dma_wait3A_310 = arith.constant 0 : i32
    %dma_wait3A_311 = arith.constant 0 : i32
    %dma_wait3A_312 = tpu.memref_slice %arg2[%dma_wait3A_306, %dma_wait3A_310, %dma_wait3A_311] : memref<800x8x128xi32, #tpu.memory_space<hbm>> -> memref<1x8x128xi32, #tpu.memory_space<hbm>>
    %dma_wait3A_313 = tpu.memref_squeeze %dma_wait3A_312 : memref<1x8x128xi32, #tpu.memory_space<hbm>> -> memref<8x128xi32, #tpu.memory_space<hbm>>
    %dma_wait3A_314 = arith.constant 0 : i32
    %dma_wait3A_315 = arith.constant 0 : i32
    %dma_wait3A_316 = tpu.memref_slice %arg5[%dma_wait3A_314, %dma_wait3A_315] : memref<200x128xi32, #tpu.memory_space<vmem>> -> memref<8x128xi32, #tpu.memory_space<vmem>>
    %dma_wait3A_317 = arith.constant 0 : i32
    %dma_wait3A_318 = arith.constant 0 : i32
    %dma_wait3A_319 = tpu.memref_slice %arg2[%dma_wait3A_306, %dma_wait3A_317, %dma_wait3A_318] : memref<800x8x128xi32, #tpu.memory_space<hbm>> -> memref<1x8x128xi32, #tpu.memory_space<hbm>>
    %dma_wait3A_320 = tpu.memref_squeeze %dma_wait3A_319 : memref<1x8x128xi32, #tpu.memory_space<hbm>> -> memref<8x128xi32, #tpu.memory_space<hbm>>
    tpu.wait_dma2 semaphore(%arg11 : memref<!tpu.dma_semaphore, #tpu.memory_space<semaphore_mem>>) src(%dma_wait3A_320 : memref<8x128xi32, #tpu.memory_space<hbm>>) dst(%dma_wait3A_316 : memref<8x128xi32, #tpu.memory_space<vmem>>)
    %dma_wait3A_321 = arith.constant 0 : i32
    %dma_wait3A_322 = arith.constant 0 : i32
    %dma_wait3A_323 = arith.constant 0 : i32
    %dma_wait3A_324 = tpu.memref_slice %arg5[%dma_wait3A_322, %dma_wait3A_323] : memref<200x128xi32, #tpu.memory_space<vmem>> -> memref<8x128xi32, #tpu.memory_space<vmem>>
    %dma_wait3A_325 = arith.constant 0 : i32
    %dma_wait3A_326 = arith.constant 0 : i32
    %dma_wait3A_327 = tpu.memref_slice %arg2[%dma_wait3A_321, %dma_wait3A_325, %dma_wait3A_326] : memref<800x8x128xi32, #tpu.memory_space<hbm>> -> memref<1x8x128xi32, #tpu.memory_space<hbm>>
    %dma_wait3A_328 = tpu.memref_squeeze %dma_wait3A_327 : memref<1x8x128xi32, #tpu.memory_space<hbm>> -> memref<8x128xi32, #tpu.memory_space<hbm>>
    %dma_wait3A_329 = arith.constant 0 : i32
    %dma_wait3A_330 = arith.constant 0 : i32
    %dma_wait3A_331 = tpu.memref_slice %arg5[%dma_wait3A_329, %dma_wait3A_330] : memref<200x128xi32, #tpu.memory_space<vmem>> -> memref<8x128xi32, #tpu.memory_space<vmem>>
    %dma_wait3A_332 = arith.constant 0 : i32
    %dma_wait3A_333 = arith.constant 0 : i32
    %dma_wait3A_334 = tpu.memref_slice %arg2[%dma_wait3A_321, %dma_wait3A_332, %dma_wait3A_333] : memref<800x8x128xi32, #tpu.memory_space<hbm>> -> memref<1x8x128xi32, #tpu.memory_space<hbm>>
    %dma_wait3A_335 = tpu.memref_squeeze %dma_wait3A_334 : memref<1x8x128xi32, #tpu.memory_space<hbm>> -> memref<8x128xi32, #tpu.memory_space<hbm>>
    tpu.wait_dma2 semaphore(%arg11 : memref<!tpu.dma_semaphore, #tpu.memory_space<semaphore_mem>>) src(%dma_wait3A_335 : memref<8x128xi32, #tpu.memory_space<hbm>>) dst(%dma_wait3A_331 : memref<8x128xi32, #tpu.memory_space<vmem>>)
    %dma_wait3A_336 = arith.constant 0 : i32
    %dma_wait3A_337 = arith.constant 0 : i32
    %dma_wait3A_338 = arith.constant 0 : i32
    %dma_wait3A_339 = tpu.memref_slice %arg5[%dma_wait3A_337, %dma_wait3A_338] : memref<200x128xi32, #tpu.memory_space<vmem>> -> memref<8x128xi32, #tpu.memory_space<vmem>>
    %dma_wait3A_340 = arith.constant 0 : i32
    %dma_wait3A_341 = arith.constant 0 : i32
    %dma_wait3A_342 = tpu.memref_slice %arg2[%dma_wait3A_336, %dma_wait3A_340, %dma_wait3A_341] : memref<800x8x128xi32, #tpu.memory_space<hbm>> -> memref<1x8x128xi32, #tpu.memory_space<hbm>>
    %dma_wait3A_343 = tpu.memref_squeeze %dma_wait3A_342 : memref<1x8x128xi32, #tpu.memory_space<hbm>> -> memref<8x128xi32, #tpu.memory_space<hbm>>
    %dma_wait3A_344 = arith.constant 0 : i32
    %dma_wait3A_345 = arith.constant 0 : i32
    %dma_wait3A_346 = tpu.memref_slice %arg5[%dma_wait3A_344, %dma_wait3A_345] : memref<200x128xi32, #tpu.memory_space<vmem>> -> memref<8x128xi32, #tpu.memory_space<vmem>>
    %dma_wait3A_347 = arith.constant 0 : i32
    %dma_wait3A_348 = arith.constant 0 : i32
    %dma_wait3A_349 = tpu.memref_slice %arg2[%dma_wait3A_336, %dma_wait3A_347, %dma_wait3A_348] : memref<800x8x128xi32, #tpu.memory_space<hbm>> -> memref<1x8x128xi32, #tpu.memory_space<hbm>>
    %dma_wait3A_350 = tpu.memref_squeeze %dma_wait3A_349 : memref<1x8x128xi32, #tpu.memory_space<hbm>> -> memref<8x128xi32, #tpu.memory_space<hbm>>
    tpu.wait_dma2 semaphore(%arg11 : memref<!tpu.dma_semaphore, #tpu.memory_space<semaphore_mem>>) src(%dma_wait3A_350 : memref<8x128xi32, #tpu.memory_space<hbm>>) dst(%dma_wait3A_346 : memref<8x128xi32, #tpu.memory_space<vmem>>)
    %dma_wait3A_351 = arith.constant 0 : i32
    %dma_wait3A_352 = arith.constant 0 : i32
    %dma_wait3A_353 = arith.constant 0 : i32
    %dma_wait3A_354 = tpu.memref_slice %arg5[%dma_wait3A_352, %dma_wait3A_353] : memref<200x128xi32, #tpu.memory_space<vmem>> -> memref<8x128xi32, #tpu.memory_space<vmem>>
    %dma_wait3A_355 = arith.constant 0 : i32
    %dma_wait3A_356 = arith.constant 0 : i32
    %dma_wait3A_357 = tpu.memref_slice %arg2[%dma_wait3A_351, %dma_wait3A_355, %dma_wait3A_356] : memref<800x8x128xi32, #tpu.memory_space<hbm>> -> memref<1x8x128xi32, #tpu.memory_space<hbm>>
    %dma_wait3A_358 = tpu.memref_squeeze %dma_wait3A_357 : memref<1x8x128xi32, #tpu.memory_space<hbm>> -> memref<8x128xi32, #tpu.memory_space<hbm>>
    %dma_wait3A_359 = arith.constant 0 : i32
    %dma_wait3A_360 = arith.constant 0 : i32
    %dma_wait3A_361 = tpu.memref_slice %arg5[%dma_wait3A_359, %dma_wait3A_360] : memref<200x128xi32, #tpu.memory_space<vmem>> -> memref<8x128xi32, #tpu.memory_space<vmem>>
    %dma_wait3A_362 = arith.constant 0 : i32
    %dma_wait3A_363 = arith.constant 0 : i32
    %dma_wait3A_364 = tpu.memref_slice %arg2[%dma_wait3A_351, %dma_wait3A_362, %dma_wait3A_363] : memref<800x8x128xi32, #tpu.memory_space<hbm>> -> memref<1x8x128xi32, #tpu.memory_space<hbm>>
    %dma_wait3A_365 = tpu.memref_squeeze %dma_wait3A_364 : memref<1x8x128xi32, #tpu.memory_space<hbm>> -> memref<8x128xi32, #tpu.memory_space<hbm>>
    tpu.wait_dma2 semaphore(%arg11 : memref<!tpu.dma_semaphore, #tpu.memory_space<semaphore_mem>>) src(%dma_wait3A_365 : memref<8x128xi32, #tpu.memory_space<hbm>>) dst(%dma_wait3A_361 : memref<8x128xi32, #tpu.memory_space<vmem>>)
    %dma_wait3A_366 = arith.constant 0 : i32
    %dma_wait3A_367 = arith.constant 0 : i32
    %dma_wait3A_368 = arith.constant 0 : i32
    %dma_wait3A_369 = tpu.memref_slice %arg5[%dma_wait3A_367, %dma_wait3A_368] : memref<200x128xi32, #tpu.memory_space<vmem>> -> memref<8x128xi32, #tpu.memory_space<vmem>>
    %dma_wait3A_370 = arith.constant 0 : i32
    %dma_wait3A_371 = arith.constant 0 : i32
    %dma_wait3A_372 = tpu.memref_slice %arg2[%dma_wait3A_366, %dma_wait3A_370, %dma_wait3A_371] : memref<800x8x128xi32, #tpu.memory_space<hbm>> -> memref<1x8x128xi32, #tpu.memory_space<hbm>>
    %dma_wait3A_373 = tpu.memref_squeeze %dma_wait3A_372 : memref<1x8x128xi32, #tpu.memory_space<hbm>> -> memref<8x128xi32, #tpu.memory_space<hbm>>
    %dma_wait3A_374 = arith.constant 0 : i32
    %dma_wait3A_375 = arith.constant 0 : i32
    %dma_wait3A_376 = tpu.memref_slice %arg5[%dma_wait3A_374, %dma_wait3A_375] : memref<200x128xi32, #tpu.memory_space<vmem>> -> memref<8x128xi32, #tpu.memory_space<vmem>>
    %dma_wait3A_377 = arith.constant 0 : i32
    %dma_wait3A_378 = arith.constant 0 : i32
    %dma_wait3A_379 = tpu.memref_slice %arg2[%dma_wait3A_366, %dma_wait3A_377, %dma_wait3A_378] : memref<800x8x128xi32, #tpu.memory_space<hbm>> -> memref<1x8x128xi32, #tpu.memory_space<hbm>>
    %dma_wait3A_380 = tpu.memref_squeeze %dma_wait3A_379 : memref<1x8x128xi32, #tpu.memory_space<hbm>> -> memref<8x128xi32, #tpu.memory_space<hbm>>
    tpu.wait_dma2 semaphore(%arg11 : memref<!tpu.dma_semaphore, #tpu.memory_space<semaphore_mem>>) src(%dma_wait3A_380 : memref<8x128xi32, #tpu.memory_space<hbm>>) dst(%dma_wait3A_376 : memref<8x128xi32, #tpu.memory_space<vmem>>)
    %dma_start3A = arith.constant 0 : i32
    %dma_start3A_381 = arith.constant 0 : i32
    %dma_start3A_382 = tpu.memref_slice %arg5[%dma_start3A, %dma_start3A_381] : memref<200x128xi32, #tpu.memory_space<vmem>> -> memref<1x128xi32, #tpu.memory_space<vmem>>
    %dma_start3A_383 = tpu.memref_squeeze %dma_start3A_382 : memref<1x128xi32, #tpu.memory_space<vmem>> -> memref<128xi32, #tpu.memory_space<vmem>>
    %dma_start3A_384 = arith.constant 0 : i32
    %dma_start3A_385 = arith.constant 0 : i32
    %dma_start3A_386 = tpu.memref_slice %arg3[%dma_start3A_384, %dma_start3A_385] : memref<100000x128xf32, #tpu.memory_space<hbm>> -> memref<100000x128xf32, #tpu.memory_space<hbm>>
    tpu.enqueue_indirect_dma source(%dma_start3A_386 : memref<100000x128xf32, #tpu.memory_space<hbm>>) target(%arg6 : memref<128x128xf32, #tpu.memory_space<vmem>>) offsets(%dma_start3A_383 : memref<128xi32, #tpu.memory_space<vmem>>) semaphore(%arg12 : memref<!tpu.dma_semaphore, #tpu.memory_space<semaphore_mem>>)
    %dma_start3A_387 = arith.constant 1 : i32
    %dma_start3A_388 = arith.constant 0 : i32
    %dma_start3A_389 = tpu.memref_slice %arg5[%dma_start3A_387, %dma_start3A_388] : memref<200x128xi32, #tpu.memory_space<vmem>> -> memref<1x128xi32, #tpu.memory_space<vmem>>
    %dma_start3A_390 = tpu.memref_squeeze %dma_start3A_389 : memref<1x128xi32, #tpu.memory_space<vmem>> -> memref<128xi32, #tpu.memory_space<vmem>>
    %dma_start3A_391 = arith.constant 0 : i32
    %dma_start3A_392 = arith.constant 0 : i32
    %dma_start3A_393 = tpu.memref_slice %arg3[%dma_start3A_391, %dma_start3A_392] : memref<100000x128xf32, #tpu.memory_space<hbm>> -> memref<100000x128xf32, #tpu.memory_space<hbm>>
    tpu.enqueue_indirect_dma source(%dma_start3A_393 : memref<100000x128xf32, #tpu.memory_space<hbm>>) target(%arg7 : memref<128x128xf32, #tpu.memory_space<vmem>>) offsets(%dma_start3A_390 : memref<128xi32, #tpu.memory_space<vmem>>) semaphore(%arg13 : memref<!tpu.dma_semaphore, #tpu.memory_space<semaphore_mem>>)
    %dma_start3A_394 = arith.constant 2 : i32
    %dma_start3A_395 = arith.constant 0 : i32
    %dma_start3A_396 = tpu.memref_slice %arg5[%dma_start3A_394, %dma_start3A_395] : memref<200x128xi32, #tpu.memory_space<vmem>> -> memref<1x128xi32, #tpu.memory_space<vmem>>
    %dma_start3A_397 = tpu.memref_squeeze %dma_start3A_396 : memref<1x128xi32, #tpu.memory_space<vmem>> -> memref<128xi32, #tpu.memory_space<vmem>>
    %dma_start3A_398 = arith.constant 0 : i32
    %dma_start3A_399 = arith.constant 0 : i32
    %dma_start3A_400 = tpu.memref_slice %arg3[%dma_start3A_398, %dma_start3A_399] : memref<100000x128xf32, #tpu.memory_space<hbm>> -> memref<100000x128xf32, #tpu.memory_space<hbm>>
    tpu.enqueue_indirect_dma source(%dma_start3A_400 : memref<100000x128xf32, #tpu.memory_space<hbm>>) target(%arg8 : memref<128x128xf32, #tpu.memory_space<vmem>>) offsets(%dma_start3A_397 : memref<128xi32, #tpu.memory_space<vmem>>) semaphore(%arg14 : memref<!tpu.dma_semaphore, #tpu.memory_space<semaphore_mem>>)
    %dma_start3A_401 = arith.constant 3 : i32
    %dma_start3A_402 = arith.constant 0 : i32
    %dma_start3A_403 = tpu.memref_slice %arg5[%dma_start3A_401, %dma_start3A_402] : memref<200x128xi32, #tpu.memory_space<vmem>> -> memref<1x128xi32, #tpu.memory_space<vmem>>
    %dma_start3A_404 = tpu.memref_squeeze %dma_start3A_403 : memref<1x128xi32, #tpu.memory_space<vmem>> -> memref<128xi32, #tpu.memory_space<vmem>>
    %dma_start3A_405 = arith.constant 0 : i32
    %dma_start3A_406 = arith.constant 0 : i32
    %dma_start3A_407 = tpu.memref_slice %arg3[%dma_start3A_405, %dma_start3A_406] : memref<100000x128xf32, #tpu.memory_space<hbm>> -> memref<100000x128xf32, #tpu.memory_space<hbm>>
    tpu.enqueue_indirect_dma source(%dma_start3A_407 : memref<100000x128xf32, #tpu.memory_space<hbm>>) target(%arg9 : memref<128x128xf32, #tpu.memory_space<vmem>>) offsets(%dma_start3A_404 : memref<128xi32, #tpu.memory_space<vmem>>) semaphore(%arg15 : memref<!tpu.dma_semaphore, #tpu.memory_space<semaphore_mem>>)
    %broadcast_in_dim3A = arith.constant 0.000000e+00 : f32
    %broadcast_in_dim3A_408 = vector.broadcast %broadcast_in_dim3A : f32 to vector<16xf32>
    %broadcast_in_dim3A_409 = arith.constant 0.000000e+00 : f32
    %broadcast_in_dim3A_410 = vector.broadcast %broadcast_in_dim3A_409 : f32 to vector<16xf32>
    %broadcast_in_dim3A_411 = arith.constant 0.000000e+00 : f32
    %broadcast_in_dim3A_412 = vector.broadcast %broadcast_in_dim3A_411 : f32 to vector<16xf32>
    %broadcast_in_dim3A_413 = arith.constant 0.000000e+00 : f32
    %broadcast_in_dim3A_414 = vector.broadcast %broadcast_in_dim3A_413 : f32 to vector<16xf32>
    %broadcast_in_dim3A_415 = arith.constant 0.000000e+00 : f32
    %broadcast_in_dim3A_416 = vector.broadcast %broadcast_in_dim3A_415 : f32 to vector<16xf32>
    %broadcast_in_dim3A_417 = arith.constant 0.000000e+00 : f32
    %broadcast_in_dim3A_418 = vector.broadcast %broadcast_in_dim3A_417 : f32 to vector<16xf32>
    %broadcast_in_dim3A_419 = arith.constant 0.000000e+00 : f32
    %broadcast_in_dim3A_420 = vector.broadcast %broadcast_in_dim3A_419 : f32 to vector<16xf32>
    %broadcast_in_dim3A_421 = arith.constant 0.000000e+00 : f32
    %broadcast_in_dim3A_422 = vector.broadcast %broadcast_in_dim3A_421 : f32 to vector<16xf32>
    %scan3A_423 = arith.constant 2.44140625E-4 : f32
    %scan3A_424 = arith.constant 0 : i32
    %scan3A_425 = arith.constant 50 : i32
    %scan3A_426 = arith.addi %scan3A_424, %scan3A_425 : i32
    %scan3A_427 = arith.constant 1 : i32
    %scan3A_428:8 = scf.for %scan3A_430 = %scan3A_424 to %scan3A_426 step %scan3A_427 iter_args(%scan3A_431 = %broadcast_in_dim3A_408, %scan3A_432 = %broadcast_in_dim3A_410, %scan3A_433 = %broadcast_in_dim3A_412, %scan3A_434 = %broadcast_in_dim3A_414, %scan3A_435 = %broadcast_in_dim3A_416, %scan3A_436 = %broadcast_in_dim3A_418, %scan3A_437 = %broadcast_in_dim3A_420, %scan3A_438 = %broadcast_in_dim3A_422) -> (vector<16xf32>, vector<16xf32>, vector<16xf32>, vector<16xf32>, vector<16xf32>, vector<16xf32>, vector<16xf32>, vector<16xf32>)  : i32 {
      %mul3A_439 = arith.constant 4 : i32
      %mul3A_440 = arith.muli %scan3A_430, %mul3A_439 : i32
      %add3A_441 = arith.constant 0 : i32
      %add3A_442 = arith.addi %mul3A_440, %add3A_441 : i32
      %dma_wait3A_443 = arith.constant 0 : i32
      %dma_wait3A_444 = arith.constant 0 : i32
      %dma_wait3A_445 = tpu.memref_slice %arg3[%dma_wait3A_443, %dma_wait3A_444] : memref<100000x128xf32, #tpu.memory_space<hbm>> -> memref<128x128xf32, #tpu.memory_space<hbm>>
      %dma_wait3A_446 = arith.constant 0 : i32
      %dma_wait3A_447 = arith.constant 0 : i32
      %dma_wait3A_448 = tpu.memref_slice %arg3[%dma_wait3A_446, %dma_wait3A_447] : memref<100000x128xf32, #tpu.memory_space<hbm>> -> memref<128x128xf32, #tpu.memory_space<hbm>>
      tpu.wait_dma2 semaphore(%arg12 : memref<!tpu.dma_semaphore, #tpu.memory_space<semaphore_mem>>) src(%dma_wait3A_448 : memref<128x128xf32, #tpu.memory_space<hbm>>) dst(%arg6 : memref<128x128xf32, #tpu.memory_space<vmem>>)
      %add3A_449 = arith.constant 4 : i32
      %add3A_450 = arith.addi %add3A_442, %add3A_449 : i32
      %lt3A = arith.constant 200 : i32
      %lt3A_451 = arith.cmpi slt, %add3A_450, %lt3A : i32
      %convert_element_type3A = arith.extui %lt3A_451 : i1 to i32
      %cond3A = arith.constant 0 : i32
      %cond3A_452 = arith.cmpi ne, %convert_element_type3A, %cond3A : i32
      scf.if %cond3A_452 {
        %add3A_702 = arith.constant 4 : i32
        %add3A_703 = arith.addi %add3A_442, %add3A_702 : i32
        %dma_start3A_704 = arith.constant 0 : i32
        %dma_start3A_705 = tpu.memref_slice %arg5[%add3A_703, %dma_start3A_704] : memref<200x128xi32, #tpu.memory_space<vmem>> -> memref<1x128xi32, #tpu.memory_space<vmem>>
        %dma_start3A_706 = tpu.memref_squeeze %dma_start3A_705 : memref<1x128xi32, #tpu.memory_space<vmem>> -> memref<128xi32, #tpu.memory_space<vmem>>
        %dma_start3A_707 = arith.constant 0 : i32
        %dma_start3A_708 = arith.constant 0 : i32
        %dma_start3A_709 = tpu.memref_slice %arg3[%dma_start3A_707, %dma_start3A_708] : memref<100000x128xf32, #tpu.memory_space<hbm>> -> memref<100000x128xf32, #tpu.memory_space<hbm>>
        tpu.enqueue_indirect_dma source(%dma_start3A_709 : memref<100000x128xf32, #tpu.memory_space<hbm>>) target(%arg6 : memref<128x128xf32, #tpu.memory_space<vmem>>) offsets(%dma_start3A_706 : memref<128xi32, #tpu.memory_space<vmem>>) semaphore(%arg12 : memref<!tpu.dma_semaphore, #tpu.memory_space<semaphore_mem>>)
      } else {
      }
      %scan3A_453 = arith.constant 0 : i32
      %scan3A_454 = arith.constant 16 : i32
      %scan3A_455 = arith.addi %scan3A_453, %scan3A_454 : i32
      %scan3A_456 = arith.constant 1 : i32
      %scan3A_457:8 = scf.for %scan3A_702 = %scan3A_453 to %scan3A_455 step %scan3A_456 iter_args(%scan3A_703 = %scan3A_431, %scan3A_704 = %scan3A_432, %scan3A_705 = %scan3A_433, %scan3A_706 = %scan3A_434, %scan3A_707 = %scan3A_435, %scan3A_708 = %scan3A_436, %scan3A_709 = %scan3A_437, %scan3A_710 = %scan3A_438) -> (vector<16xf32>, vector<16xf32>, vector<16xf32>, vector<16xf32>, vector<16xf32>, vector<16xf32>, vector<16xf32>, vector<16xf32>)  : i32 {
        %mul3A_711 = arith.constant 8 : i32
        %mul3A_712 = arith.muli %scan3A_702, %mul3A_711 : i32
        %add3A_713 = arith.constant 0 : i32
        %add3A_714 = arith.addi %mul3A_712, %add3A_713 : i32
        %get3A = arith.index_cast %add3A_714 : i32 to index
        %get3A_715 = arith.constant 0 : index
        %get3A_716 = tpu.vector_load %arg6[%get3A, %get3A_715] {strides = array<i32>} : memref<128x128xf32, #tpu.memory_space<vmem>>, vector<1x16xf32>,
        %get3A_717 = vector.shape_cast %get3A_716 : vector<1x16xf32> to vector<16xf32>
        %add3A_718 = arith.addf %scan3A_703, %get3A_717 : vector<16xf32>
        %get3A_719 = arith.index_cast %add3A_714 : i32 to index
        %get3A_720 = arith.constant 16 : index
        %get3A_721 = tpu.vector_load %arg6[%get3A_719, %get3A_720] {strides = array<i32>} : memref<128x128xf32, #tpu.memory_space<vmem>>, vector<1x16xf32>,
        %get3A_722 = vector.shape_cast %get3A_721 : vector<1x16xf32> to vector<16xf32>
        %add3A_723 = arith.addf %scan3A_704, %get3A_722 : vector<16xf32>
        %get3A_724 = arith.index_cast %add3A_714 : i32 to index
        %get3A_725 = arith.constant 32 : index
        %get3A_726 = tpu.vector_load %arg6[%get3A_724, %get3A_725] {strides = array<i32>} : memref<128x128xf32, #tpu.memory_space<vmem>>, vector<1x16xf32>,
        %get3A_727 = vector.shape_cast %get3A_726 : vector<1x16xf32> to vector<16xf32>
        %add3A_728 = arith.addf %scan3A_705, %get3A_727 : vector<16xf32>
        %get3A_729 = arith.index_cast %add3A_714 : i32 to index
        %get3A_730 = arith.constant 48 : index
        %get3A_731 = tpu.vector_load %arg6[%get3A_729, %get3A_730] {strides = array<i32>} : memref<128x128xf32, #tpu.memory_space<vmem>>, vector<1x16xf32>,
        %get3A_732 = vector.shape_cast %get3A_731 : vector<1x16xf32> to vector<16xf32>
        %add3A_733 = arith.addf %scan3A_706, %get3A_732 : vector<16xf32>
        %get3A_734 = arith.index_cast %add3A_714 : i32 to index
        %get3A_735 = arith.constant 64 : index
        %get3A_736 = tpu.vector_load %arg6[%get3A_734, %get3A_735] {strides = array<i32>} : memref<128x128xf32, #tpu.memory_space<vmem>>, vector<1x16xf32>,
        %get3A_737 = vector.shape_cast %get3A_736 : vector<1x16xf32> to vector<16xf32>
        %add3A_738 = arith.addf %scan3A_707, %get3A_737 : vector<16xf32>
        %get3A_739 = arith.index_cast %add3A_714 : i32 to index
        %get3A_740 = arith.constant 80 : index
        %get3A_741 = tpu.vector_load %arg6[%get3A_739, %get3A_740] {strides = array<i32>} : memref<128x128xf32, #tpu.memory_space<vmem>>, vector<1x16xf32>,
        %get3A_742 = vector.shape_cast %get3A_741 : vector<1x16xf32> to vector<16xf32>
        %add3A_743 = arith.addf %scan3A_708, %get3A_742 : vector<16xf32>
        %get3A_744 = arith.index_cast %add3A_714 : i32 to index
        %get3A_745 = arith.constant 96 : index
        %get3A_746 = tpu.vector_load %arg6[%get3A_744, %get3A_745] {strides = array<i32>} : memref<128x128xf32, #tpu.memory_space<vmem>>, vector<1x16xf32>,
        %get3A_747 = vector.shape_cast %get3A_746 : vector<1x16xf32> to vector<16xf32>
        %add3A_748 = arith.addf %scan3A_709, %get3A_747 : vector<16xf32>
        %get3A_749 = arith.index_cast %add3A_714 : i32 to index
        %get3A_750 = arith.constant 112 : index
        %get3A_751 = tpu.vector_load %arg6[%get3A_749, %get3A_750] {strides = array<i32>} : memref<128x128xf32, #tpu.memory_space<vmem>>, vector<1x16xf32>,
        %get3A_752 = vector.shape_cast %get3A_751 : vector<1x16xf32> to vector<16xf32>
        %add3A_753 = arith.addf %scan3A_710, %get3A_752 : vector<16xf32>
        %mul3A_754 = arith.constant 8 : i32
        %mul3A_755 = arith.muli %scan3A_702, %mul3A_754 : i32
        %add3A_756 = arith.constant 1 : i32
        %add3A_757 = arith.addi %mul3A_755, %add3A_756 : i32
        %get3A_758 = arith.index_cast %add3A_757 : i32 to index
        %get3A_759 = arith.constant 0 : index
        %get3A_760 = tpu.vector_load %arg6[%get3A_758, %get3A_759] {strides = array<i32>} : memref<128x128xf32, #tpu.memory_space<vmem>>, vector<1x16xf32>,
        %get3A_761 = vector.shape_cast %get3A_760 : vector<1x16xf32> to vector<16xf32>
        %add3A_762 = arith.addf %add3A_718, %get3A_761 : vector<16xf32>
        %get3A_763 = arith.index_cast %add3A_757 : i32 to index
        %get3A_764 = arith.constant 16 : index
        %get3A_765 = tpu.vector_load %arg6[%get3A_763, %get3A_764] {strides = array<i32>} : memref<128x128xf32, #tpu.memory_space<vmem>>, vector<1x16xf32>,
        %get3A_766 = vector.shape_cast %get3A_765 : vector<1x16xf32> to vector<16xf32>
        %add3A_767 = arith.addf %add3A_723, %get3A_766 : vector<16xf32>
        %get3A_768 = arith.index_cast %add3A_757 : i32 to index
        %get3A_769 = arith.constant 32 : index
        %get3A_770 = tpu.vector_load %arg6[%get3A_768, %get3A_769] {strides = array<i32>} : memref<128x128xf32, #tpu.memory_space<vmem>>, vector<1x16xf32>,
        %get3A_771 = vector.shape_cast %get3A_770 : vector<1x16xf32> to vector<16xf32>
        %add3A_772 = arith.addf %add3A_728, %get3A_771 : vector<16xf32>
        %get3A_773 = arith.index_cast %add3A_757 : i32 to index
        %get3A_774 = arith.constant 48 : index
        %get3A_775 = tpu.vector_load %arg6[%get3A_773, %get3A_774] {strides = array<i32>} : memref<128x128xf32, #tpu.memory_space<vmem>>, vector<1x16xf32>,
        %get3A_776 = vector.shape_cast %get3A_775 : vector<1x16xf32> to vector<16xf32>
        %add3A_777 = arith.addf %add3A_733, %get3A_776 : vector<16xf32>
        %get3A_778 = arith.index_cast %add3A_757 : i32 to index
        %get3A_779 = arith.constant 64 : index
        %get3A_780 = tpu.vector_load %arg6[%get3A_778, %get3A_779] {strides = array<i32>} : memref<128x128xf32, #tpu.memory_space<vmem>>, vector<1x16xf32>,
        %get3A_781 = vector.shape_cast %get3A_780 : vector<1x16xf32> to vector<16xf32>
        %add3A_782 = arith.addf %add3A_738, %get3A_781 : vector<16xf32>
        %get3A_783 = arith.index_cast %add3A_757 : i32 to index
        %get3A_784 = arith.constant 80 : index
        %get3A_785 = tpu.vector_load %arg6[%get3A_783, %get3A_784] {strides = array<i32>} : memref<128x128xf32, #tpu.memory_space<vmem>>, vector<1x16xf32>,
        %get3A_786 = vector.shape_cast %get3A_785 : vector<1x16xf32> to vector<16xf32>
        %add3A_787 = arith.addf %add3A_743, %get3A_786 : vector<16xf32>
        %get3A_788 = arith.index_cast %add3A_757 : i32 to index
        %get3A_789 = arith.constant 96 : index
        %get3A_790 = tpu.vector_load %arg6[%get3A_788, %get3A_789] {strides = array<i32>} : memref<128x128xf32, #tpu.memory_space<vmem>>, vector<1x16xf32>,
        %get3A_791 = vector.shape_cast %get3A_790 : vector<1x16xf32> to vector<16xf32>
        %add3A_792 = arith.addf %add3A_748, %get3A_791 : vector<16xf32>
        %get3A_793 = arith.index_cast %add3A_757 : i32 to index
        %get3A_794 = arith.constant 112 : index
        %get3A_795 = tpu.vector_load %arg6[%get3A_793, %get3A_794] {strides = array<i32>} : memref<128x128xf32, #tpu.memory_space<vmem>>, vector<1x16xf32>,
        %get3A_796 = vector.shape_cast %get3A_795 : vector<1x16xf32> to vector<16xf32>
        %add3A_797 = arith.addf %add3A_753, %get3A_796 : vector<16xf32>
        %mul3A_798 = arith.constant 8 : i32
        %mul3A_799 = arith.muli %scan3A_702, %mul3A_798 : i32
        %add3A_800 = arith.constant 2 : i32
        %add3A_801 = arith.addi %mul3A_799, %add3A_800 : i32
        %get3A_802 = arith.index_cast %add3A_801 : i32 to index
        %get3A_803 = arith.constant 0 : index
        %get3A_804 = tpu.vector_load %arg6[%get3A_802, %get3A_803] {strides = array<i32>} : memref<128x128xf32, #tpu.memory_space<vmem>>, vector<1x16xf32>,
        %get3A_805 = vector.shape_cast %get3A_804 : vector<1x16xf32> to vector<16xf32>
        %add3A_806 = arith.addf %add3A_762, %get3A_805 : vector<16xf32>
        %get3A_807 = arith.index_cast %add3A_801 : i32 to index
        %get3A_808 = arith.constant 16 : index
        %get3A_809 = tpu.vector_load %arg6[%get3A_807, %get3A_808] {strides = array<i32>} : memref<128x128xf32, #tpu.memory_space<vmem>>, vector<1x16xf32>,
        %get3A_810 = vector.shape_cast %get3A_809 : vector<1x16xf32> to vector<16xf32>
        %add3A_811 = arith.addf %add3A_767, %get3A_810 : vector<16xf32>
        %get3A_812 = arith.index_cast %add3A_801 : i32 to index
        %get3A_813 = arith.constant 32 : index
        %get3A_814 = tpu.vector_load %arg6[%get3A_812, %get3A_813] {strides = array<i32>} : memref<128x128xf32, #tpu.memory_space<vmem>>, vector<1x16xf32>,
        %get3A_815 = vector.shape_cast %get3A_814 : vector<1x16xf32> to vector<16xf32>
        %add3A_816 = arith.addf %add3A_772, %get3A_815 : vector<16xf32>
        %get3A_817 = arith.index_cast %add3A_801 : i32 to index
        %get3A_818 = arith.constant 48 : index
        %get3A_819 = tpu.vector_load %arg6[%get3A_817, %get3A_818] {strides = array<i32>} : memref<128x128xf32, #tpu.memory_space<vmem>>, vector<1x16xf32>,
        %get3A_820 = vector.shape_cast %get3A_819 : vector<1x16xf32> to vector<16xf32>
        %add3A_821 = arith.addf %add3A_777, %get3A_820 : vector<16xf32>
        %get3A_822 = arith.index_cast %add3A_801 : i32 to index
        %get3A_823 = arith.constant 64 : index
        %get3A_824 = tpu.vector_load %arg6[%get3A_822, %get3A_823] {strides = array<i32>} : memref<128x128xf32, #tpu.memory_space<vmem>>, vector<1x16xf32>,
        %get3A_825 = vector.shape_cast %get3A_824 : vector<1x16xf32> to vector<16xf32>
        %add3A_826 = arith.addf %add3A_782, %get3A_825 : vector<16xf32>
        %get3A_827 = arith.index_cast %add3A_801 : i32 to index
        %get3A_828 = arith.constant 80 : index
        %get3A_829 = tpu.vector_load %arg6[%get3A_827, %get3A_828] {strides = array<i32>} : memref<128x128xf32, #tpu.memory_space<vmem>>, vector<1x16xf32>,
        %get3A_830 = vector.shape_cast %get3A_829 : vector<1x16xf32> to vector<16xf32>
        %add3A_831 = arith.addf %add3A_787, %get3A_830 : vector<16xf32>
        %get3A_832 = arith.index_cast %add3A_801 : i32 to index
        %get3A_833 = arith.constant 96 : index
        %get3A_834 = tpu.vector_load %arg6[%get3A_832, %get3A_833] {strides = array<i32>} : memref<128x128xf32, #tpu.memory_space<vmem>>, vector<1x16xf32>,
        %get3A_835 = vector.shape_cast %get3A_834 : vector<1x16xf32> to vector<16xf32>
        %add3A_836 = arith.addf %add3A_792, %get3A_835 : vector<16xf32>
        %get3A_837 = arith.index_cast %add3A_801 : i32 to index
        %get3A_838 = arith.constant 112 : index
        %get3A_839 = tpu.vector_load %arg6[%get3A_837, %get3A_838] {strides = array<i32>} : memref<128x128xf32, #tpu.memory_space<vmem>>, vector<1x16xf32>,
        %get3A_840 = vector.shape_cast %get3A_839 : vector<1x16xf32> to vector<16xf32>
        %add3A_841 = arith.addf %add3A_797, %get3A_840 : vector<16xf32>
        %mul3A_842 = arith.constant 8 : i32
        %mul3A_843 = arith.muli %scan3A_702, %mul3A_842 : i32
        %add3A_844 = arith.constant 3 : i32
        %add3A_845 = arith.addi %mul3A_843, %add3A_844 : i32
        %get3A_846 = arith.index_cast %add3A_845 : i32 to index
        %get3A_847 = arith.constant 0 : index
        %get3A_848 = tpu.vector_load %arg6[%get3A_846, %get3A_847] {strides = array<i32>} : memref<128x128xf32, #tpu.memory_space<vmem>>, vector<1x16xf32>,
        %get3A_849 = vector.shape_cast %get3A_848 : vector<1x16xf32> to vector<16xf32>
        %add3A_850 = arith.addf %add3A_806, %get3A_849 : vector<16xf32>
        %get3A_851 = arith.index_cast %add3A_845 : i32 to index
        %get3A_852 = arith.constant 16 : index
        %get3A_853 = tpu.vector_load %arg6[%get3A_851, %get3A_852] {strides = array<i32>} : memref<128x128xf32, #tpu.memory_space<vmem>>, vector<1x16xf32>,
        %get3A_854 = vector.shape_cast %get3A_853 : vector<1x16xf32> to vector<16xf32>
        %add3A_855 = arith.addf %add3A_811, %get3A_854 : vector<16xf32>
        %get3A_856 = arith.index_cast %add3A_845 : i32 to index
        %get3A_857 = arith.constant 32 : index
        %get3A_858 = tpu.vector_load %arg6[%get3A_856, %get3A_857] {strides = array<i32>} : memref<128x128xf32, #tpu.memory_space<vmem>>, vector<1x16xf32>,
        %get3A_859 = vector.shape_cast %get3A_858 : vector<1x16xf32> to vector<16xf32>
        %add3A_860 = arith.addf %add3A_816, %get3A_859 : vector<16xf32>
        %get3A_861 = arith.index_cast %add3A_845 : i32 to index
        %get3A_862 = arith.constant 48 : index
        %get3A_863 = tpu.vector_load %arg6[%get3A_861, %get3A_862] {strides = array<i32>} : memref<128x128xf32, #tpu.memory_space<vmem>>, vector<1x16xf32>,
        %get3A_864 = vector.shape_cast %get3A_863 : vector<1x16xf32> to vector<16xf32>
        %add3A_865 = arith.addf %add3A_821, %get3A_864 : vector<16xf32>
        %get3A_866 = arith.index_cast %add3A_845 : i32 to index
        %get3A_867 = arith.constant 64 : index
        %get3A_868 = tpu.vector_load %arg6[%get3A_866, %get3A_867] {strides = array<i32>} : memref<128x128xf32, #tpu.memory_space<vmem>>, vector<1x16xf32>,
        %get3A_869 = vector.shape_cast %get3A_868 : vector<1x16xf32> to vector<16xf32>
        %add3A_870 = arith.addf %add3A_826, %get3A_869 : vector<16xf32>
        %get3A_871 = arith.index_cast %add3A_845 : i32 to index
        %get3A_872 = arith.constant 80 : index
        %get3A_873 = tpu.vector_load %arg6[%get3A_871, %get3A_872] {strides = array<i32>} : memref<128x128xf32, #tpu.memory_space<vmem>>, vector<1x16xf32>,
        %get3A_874 = vector.shape_cast %get3A_873 : vector<1x16xf32> to vector<16xf32>
        %add3A_875 = arith.addf %add3A_831, %get3A_874 : vector<16xf32>
        %get3A_876 = arith.index_cast %add3A_845 : i32 to index
        %get3A_877 = arith.constant 96 : index
        %get3A_878 = tpu.vector_load %arg6[%get3A_876, %get3A_877] {strides = array<i32>} : memref<128x128xf32, #tpu.memory_space<vmem>>, vector<1x16xf32>,
        %get3A_879 = vector.shape_cast %get3A_878 : vector<1x16xf32> to vector<16xf32>
        %add3A_880 = arith.addf %add3A_836, %get3A_879 : vector<16xf32>
        %get3A_881 = arith.index_cast %add3A_845 : i32 to index
        %get3A_882 = arith.constant 112 : index
        %get3A_883 = tpu.vector_load %arg6[%get3A_881, %get3A_882] {strides = array<i32>} : memref<128x128xf32, #tpu.memory_space<vmem>>, vector<1x16xf32>,
        %get3A_884 = vector.shape_cast %get3A_883 : vector<1x16xf32> to vector<16xf32>
        %add3A_885 = arith.addf %add3A_841, %get3A_884 : vector<16xf32>
        %mul3A_886 = arith.constant 8 : i32
        %mul3A_887 = arith.muli %scan3A_702, %mul3A_886 : i32
        %add3A_888 = arith.constant 4 : i32
        %add3A_889 = arith.addi %mul3A_887, %add3A_888 : i32
        %get3A_890 = arith.index_cast %add3A_889 : i32 to index
        %get3A_891 = arith.constant 0 : index
        %get3A_892 = tpu.vector_load %arg6[%get3A_890, %get3A_891] {strides = array<i32>} : memref<128x128xf32, #tpu.memory_space<vmem>>, vector<1x16xf32>,
        %get3A_893 = vector.shape_cast %get3A_892 : vector<1x16xf32> to vector<16xf32>
        %add3A_894 = arith.addf %add3A_850, %get3A_893 : vector<16xf32>
        %get3A_895 = arith.index_cast %add3A_889 : i32 to index
        %get3A_896 = arith.constant 16 : index
        %get3A_897 = tpu.vector_load %arg6[%get3A_895, %get3A_896] {strides = array<i32>} : memref<128x128xf32, #tpu.memory_space<vmem>>, vector<1x16xf32>,
        %get3A_898 = vector.shape_cast %get3A_897 : vector<1x16xf32> to vector<16xf32>
        %add3A_899 = arith.addf %add3A_855, %get3A_898 : vector<16xf32>
        %get3A_900 = arith.index_cast %add3A_889 : i32 to index
        %get3A_901 = arith.constant 32 : index
        %get3A_902 = tpu.vector_load %arg6[%get3A_900, %get3A_901] {strides = array<i32>} : memref<128x128xf32, #tpu.memory_space<vmem>>, vector<1x16xf32>,
        %get3A_903 = vector.shape_cast %get3A_902 : vector<1x16xf32> to vector<16xf32>
        %add3A_904 = arith.addf %add3A_860, %get3A_903 : vector<16xf32>
        %get3A_905 = arith.index_cast %add3A_889 : i32 to index
        %get3A_906 = arith.constant 48 : index
        %get3A_907 = tpu.vector_load %arg6[%get3A_905, %get3A_906] {strides = array<i32>} : memref<128x128xf32, #tpu.memory_space<vmem>>, vector<1x16xf32>,
        %get3A_908 = vector.shape_cast %get3A_907 : vector<1x16xf32> to vector<16xf32>
        %add3A_909 = arith.addf %add3A_865, %get3A_908 : vector<16xf32>
        %get3A_910 = arith.index_cast %add3A_889 : i32 to index
        %get3A_911 = arith.constant 64 : index
        %get3A_912 = tpu.vector_load %arg6[%get3A_910, %get3A_911] {strides = array<i32>} : memref<128x128xf32, #tpu.memory_space<vmem>>, vector<1x16xf32>,
        %get3A_913 = vector.shape_cast %get3A_912 : vector<1x16xf32> to vector<16xf32>
        %add3A_914 = arith.addf %add3A_870, %get3A_913 : vector<16xf32>
        %get3A_915 = arith.index_cast %add3A_889 : i32 to index
        %get3A_916 = arith.constant 80 : index
        %get3A_917 = tpu.vector_load %arg6[%get3A_915, %get3A_916] {strides = array<i32>} : memref<128x128xf32, #tpu.memory_space<vmem>>, vector<1x16xf32>,
        %get3A_918 = vector.shape_cast %get3A_917 : vector<1x16xf32> to vector<16xf32>
        %add3A_919 = arith.addf %add3A_875, %get3A_918 : vector<16xf32>
        %get3A_920 = arith.index_cast %add3A_889 : i32 to index
        %get3A_921 = arith.constant 96 : index
        %get3A_922 = tpu.vector_load %arg6[%get3A_920, %get3A_921] {strides = array<i32>} : memref<128x128xf32, #tpu.memory_space<vmem>>, vector<1x16xf32>,
        %get3A_923 = vector.shape_cast %get3A_922 : vector<1x16xf32> to vector<16xf32>
        %add3A_924 = arith.addf %add3A_880, %get3A_923 : vector<16xf32>
        %get3A_925 = arith.index_cast %add3A_889 : i32 to index
        %get3A_926 = arith.constant 112 : index
        %get3A_927 = tpu.vector_load %arg6[%get3A_925, %get3A_926] {strides = array<i32>} : memref<128x128xf32, #tpu.memory_space<vmem>>, vector<1x16xf32>,
        %get3A_928 = vector.shape_cast %get3A_927 : vector<1x16xf32> to vector<16xf32>
        %add3A_929 = arith.addf %add3A_885, %get3A_928 : vector<16xf32>
        %mul3A_930 = arith.constant 8 : i32
        %mul3A_931 = arith.muli %scan3A_702, %mul3A_930 : i32
        %add3A_932 = arith.constant 5 : i32
        %add3A_933 = arith.addi %mul3A_931, %add3A_932 : i32
        %get3A_934 = arith.index_cast %add3A_933 : i32 to index
        %get3A_935 = arith.constant 0 : index
        %get3A_936 = tpu.vector_load %arg6[%get3A_934, %get3A_935] {strides = array<i32>} : memref<128x128xf32, #tpu.memory_space<vmem>>, vector<1x16xf32>,
        %get3A_937 = vector.shape_cast %get3A_936 : vector<1x16xf32> to vector<16xf32>
        %add3A_938 = arith.addf %add3A_894, %get3A_937 : vector<16xf32>
        %get3A_939 = arith.index_cast %add3A_933 : i32 to index
        %get3A_940 = arith.constant 16 : index
        %get3A_941 = tpu.vector_load %arg6[%get3A_939, %get3A_940] {strides = array<i32>} : memref<128x128xf32, #tpu.memory_space<vmem>>, vector<1x16xf32>,
        %get3A_942 = vector.shape_cast %get3A_941 : vector<1x16xf32> to vector<16xf32>
        %add3A_943 = arith.addf %add3A_899, %get3A_942 : vector<16xf32>
        %get3A_944 = arith.index_cast %add3A_933 : i32 to index
        %get3A_945 = arith.constant 32 : index
        %get3A_946 = tpu.vector_load %arg6[%get3A_944, %get3A_945] {strides = array<i32>} : memref<128x128xf32, #tpu.memory_space<vmem>>, vector<1x16xf32>,
        %get3A_947 = vector.shape_cast %get3A_946 : vector<1x16xf32> to vector<16xf32>
        %add3A_948 = arith.addf %add3A_904, %get3A_947 : vector<16xf32>
        %get3A_949 = arith.index_cast %add3A_933 : i32 to index
        %get3A_950 = arith.constant 48 : index
        %get3A_951 = tpu.vector_load %arg6[%get3A_949, %get3A_950] {strides = array<i32>} : memref<128x128xf32, #tpu.memory_space<vmem>>, vector<1x16xf32>,
        %get3A_952 = vector.shape_cast %get3A_951 : vector<1x16xf32> to vector<16xf32>
        %add3A_953 = arith.addf %add3A_909, %get3A_952 : vector<16xf32>
        %get3A_954 = arith.index_cast %add3A_933 : i32 to index
        %get3A_955 = arith.constant 64 : index
        %get3A_956 = tpu.vector_load %arg6[%get3A_954, %get3A_955] {strides = array<i32>} : memref<128x128xf32, #tpu.memory_space<vmem>>, vector<1x16xf32>,
        %get3A_957 = vector.shape_cast %get3A_956 : vector<1x16xf32> to vector<16xf32>
        %add3A_958 = arith.addf %add3A_914, %get3A_957 : vector<16xf32>
        %get3A_959 = arith.index_cast %add3A_933 : i32 to index
        %get3A_960 = arith.constant 80 : index
        %get3A_961 = tpu.vector_load %arg6[%get3A_959, %get3A_960] {strides = array<i32>} : memref<128x128xf32, #tpu.memory_space<vmem>>, vector<1x16xf32>,
        %get3A_962 = vector.shape_cast %get3A_961 : vector<1x16xf32> to vector<16xf32>
        %add3A_963 = arith.addf %add3A_919, %get3A_962 : vector<16xf32>
        %get3A_964 = arith.index_cast %add3A_933 : i32 to index
        %get3A_965 = arith.constant 96 : index
        %get3A_966 = tpu.vector_load %arg6[%get3A_964, %get3A_965] {strides = array<i32>} : memref<128x128xf32, #tpu.memory_space<vmem>>, vector<1x16xf32>,
        %get3A_967 = vector.shape_cast %get3A_966 : vector<1x16xf32> to vector<16xf32>
        %add3A_968 = arith.addf %add3A_924, %get3A_967 : vector<16xf32>
        %get3A_969 = arith.index_cast %add3A_933 : i32 to index
        %get3A_970 = arith.constant 112 : index
        %get3A_971 = tpu.vector_load %arg6[%get3A_969, %get3A_970] {strides = array<i32>} : memref<128x128xf32, #tpu.memory_space<vmem>>, vector<1x16xf32>,
        %get3A_972 = vector.shape_cast %get3A_971 : vector<1x16xf32> to vector<16xf32>
        %add3A_973 = arith.addf %add3A_929, %get3A_972 : vector<16xf32>
        %mul3A_974 = arith.constant 8 : i32
        %mul3A_975 = arith.muli %scan3A_702, %mul3A_974 : i32
        %add3A_976 = arith.constant 6 : i32
        %add3A_977 = arith.addi %mul3A_975, %add3A_976 : i32
        %get3A_978 = arith.index_cast %add3A_977 : i32 to index
        %get3A_979 = arith.constant 0 : index
        %get3A_980 = tpu.vector_load %arg6[%get3A_978, %get3A_979] {strides = array<i32>} : memref<128x128xf32, #tpu.memory_space<vmem>>, vector<1x16xf32>,
        %get3A_981 = vector.shape_cast %get3A_980 : vector<1x16xf32> to vector<16xf32>
        %add3A_982 = arith.addf %add3A_938, %get3A_981 : vector<16xf32>
        %get3A_983 = arith.index_cast %add3A_977 : i32 to index
        %get3A_984 = arith.constant 16 : index
        %get3A_985 = tpu.vector_load %arg6[%get3A_983, %get3A_984] {strides = array<i32>} : memref<128x128xf32, #tpu.memory_space<vmem>>, vector<1x16xf32>,
        %get3A_986 = vector.shape_cast %get3A_985 : vector<1x16xf32> to vector<16xf32>
        %add3A_987 = arith.addf %add3A_943, %get3A_986 : vector<16xf32>
        %get3A_988 = arith.index_cast %add3A_977 : i32 to index
        %get3A_989 = arith.constant 32 : index
        %get3A_990 = tpu.vector_load %arg6[%get3A_988, %get3A_989] {strides = array<i32>} : memref<128x128xf32, #tpu.memory_space<vmem>>, vector<1x16xf32>,
        %get3A_991 = vector.shape_cast %get3A_990 : vector<1x16xf32> to vector<16xf32>
        %add3A_992 = arith.addf %add3A_948, %get3A_991 : vector<16xf32>
        %get3A_993 = arith.index_cast %add3A_977 : i32 to index
        %get3A_994 = arith.constant 48 : index
        %get3A_995 = tpu.vector_load %arg6[%get3A_993, %get3A_994] {strides = array<i32>} : memref<128x128xf32, #tpu.memory_space<vmem>>, vector<1x16xf32>,
        %get3A_996 = vector.shape_cast %get3A_995 : vector<1x16xf32> to vector<16xf32>
        %add3A_997 = arith.addf %add3A_953, %get3A_996 : vector<16xf32>
        %get3A_998 = arith.index_cast %add3A_977 : i32 to index
        %get3A_999 = arith.constant 64 : index
        %get3A_1000 = tpu.vector_load %arg6[%get3A_998, %get3A_999] {strides = array<i32>} : memref<128x128xf32, #tpu.memory_space<vmem>>, vector<1x16xf32>,
        %get3A_1001 = vector.shape_cast %get3A_1000 : vector<1x16xf32> to vector<16xf32>
        %add3A_1002 = arith.addf %add3A_958, %get3A_1001 : vector<16xf32>
        %get3A_1003 = arith.index_cast %add3A_977 : i32 to index
        %get3A_1004 = arith.constant 80 : index
        %get3A_1005 = tpu.vector_load %arg6[%get3A_1003, %get3A_1004] {strides = array<i32>} : memref<128x128xf32, #tpu.memory_space<vmem>>, vector<1x16xf32>,
        %get3A_1006 = vector.shape_cast %get3A_1005 : vector<1x16xf32> to vector<16xf32>
        %add3A_1007 = arith.addf %add3A_963, %get3A_1006 : vector<16xf32>
        %get3A_1008 = arith.index_cast %add3A_977 : i32 to index
        %get3A_1009 = arith.constant 96 : index
        %get3A_1010 = tpu.vector_load %arg6[%get3A_1008, %get3A_1009] {strides = array<i32>} : memref<128x128xf32, #tpu.memory_space<vmem>>, vector<1x16xf32>,
        %get3A_1011 = vector.shape_cast %get3A_1010 : vector<1x16xf32> to vector<16xf32>
        %add3A_1012 = arith.addf %add3A_968, %get3A_1011 : vector<16xf32>
        %get3A_1013 = arith.index_cast %add3A_977 : i32 to index
        %get3A_1014 = arith.constant 112 : index
        %get3A_1015 = tpu.vector_load %arg6[%get3A_1013, %get3A_1014] {strides = array<i32>} : memref<128x128xf32, #tpu.memory_space<vmem>>, vector<1x16xf32>,
        %get3A_1016 = vector.shape_cast %get3A_1015 : vector<1x16xf32> to vector<16xf32>
        %add3A_1017 = arith.addf %add3A_973, %get3A_1016 : vector<16xf32>
        %mul3A_1018 = arith.constant 8 : i32
        %mul3A_1019 = arith.muli %scan3A_702, %mul3A_1018 : i32
        %add3A_1020 = arith.constant 7 : i32
        %add3A_1021 = arith.addi %mul3A_1019, %add3A_1020 : i32
        %get3A_1022 = arith.index_cast %add3A_1021 : i32 to index
        %get3A_1023 = arith.constant 0 : index
        %get3A_1024 = tpu.vector_load %arg6[%get3A_1022, %get3A_1023] {strides = array<i32>} : memref<128x128xf32, #tpu.memory_space<vmem>>, vector<1x16xf32>,
        %get3A_1025 = vector.shape_cast %get3A_1024 : vector<1x16xf32> to vector<16xf32>
        %add3A_1026 = arith.addf %add3A_982, %get3A_1025 : vector<16xf32>
        %get3A_1027 = arith.index_cast %add3A_1021 : i32 to index
        %get3A_1028 = arith.constant 16 : index
        %get3A_1029 = tpu.vector_load %arg6[%get3A_1027, %get3A_1028] {strides = array<i32>} : memref<128x128xf32, #tpu.memory_space<vmem>>, vector<1x16xf32>,
        %get3A_1030 = vector.shape_cast %get3A_1029 : vector<1x16xf32> to vector<16xf32>
        %add3A_1031 = arith.addf %add3A_987, %get3A_1030 : vector<16xf32>
        %get3A_1032 = arith.index_cast %add3A_1021 : i32 to index
        %get3A_1033 = arith.constant 32 : index
        %get3A_1034 = tpu.vector_load %arg6[%get3A_1032, %get3A_1033] {strides = array<i32>} : memref<128x128xf32, #tpu.memory_space<vmem>>, vector<1x16xf32>,
        %get3A_1035 = vector.shape_cast %get3A_1034 : vector<1x16xf32> to vector<16xf32>
        %add3A_1036 = arith.addf %add3A_992, %get3A_1035 : vector<16xf32>
        %get3A_1037 = arith.index_cast %add3A_1021 : i32 to index
        %get3A_1038 = arith.constant 48 : index
        %get3A_1039 = tpu.vector_load %arg6[%get3A_1037, %get3A_1038] {strides = array<i32>} : memref<128x128xf32, #tpu.memory_space<vmem>>, vector<1x16xf32>,
        %get3A_1040 = vector.shape_cast %get3A_1039 : vector<1x16xf32> to vector<16xf32>
        %add3A_1041 = arith.addf %add3A_997, %get3A_1040 : vector<16xf32>
        %get3A_1042 = arith.index_cast %add3A_1021 : i32 to index
        %get3A_1043 = arith.constant 64 : index
        %get3A_1044 = tpu.vector_load %arg6[%get3A_1042, %get3A_1043] {strides = array<i32>} : memref<128x128xf32, #tpu.memory_space<vmem>>, vector<1x16xf32>,
        %get3A_1045 = vector.shape_cast %get3A_1044 : vector<1x16xf32> to vector<16xf32>
        %add3A_1046 = arith.addf %add3A_1002, %get3A_1045 : vector<16xf32>
        %get3A_1047 = arith.index_cast %add3A_1021 : i32 to index
        %get3A_1048 = arith.constant 80 : index
        %get3A_1049 = tpu.vector_load %arg6[%get3A_1047, %get3A_1048] {strides = array<i32>} : memref<128x128xf32, #tpu.memory_space<vmem>>, vector<1x16xf32>,
        %get3A_1050 = vector.shape_cast %get3A_1049 : vector<1x16xf32> to vector<16xf32>
        %add3A_1051 = arith.addf %add3A_1007, %get3A_1050 : vector<16xf32>
        %get3A_1052 = arith.index_cast %add3A_1021 : i32 to index
        %get3A_1053 = arith.constant 96 : index
        %get3A_1054 = tpu.vector_load %arg6[%get3A_1052, %get3A_1053] {strides = array<i32>} : memref<128x128xf32, #tpu.memory_space<vmem>>, vector<1x16xf32>,
        %get3A_1055 = vector.shape_cast %get3A_1054 : vector<1x16xf32> to vector<16xf32>
        %add3A_1056 = arith.addf %add3A_1012, %get3A_1055 : vector<16xf32>
        %get3A_1057 = arith.index_cast %add3A_1021 : i32 to index
        %get3A_1058 = arith.constant 112 : index
        %get3A_1059 = tpu.vector_load %arg6[%get3A_1057, %get3A_1058] {strides = array<i32>} : memref<128x128xf32, #tpu.memory_space<vmem>>, vector<1x16xf32>,
        %get3A_1060 = vector.shape_cast %get3A_1059 : vector<1x16xf32> to vector<16xf32>
        %add3A_1061 = arith.addf %add3A_1017, %get3A_1060 : vector<16xf32>
        scf.yield %add3A_1026, %add3A_1031, %add3A_1036, %add3A_1041, %add3A_1046, %add3A_1051, %add3A_1056, %add3A_1061 : vector<16xf32>, vector<16xf32>, vector<16xf32>, vector<16xf32>, vector<16xf32>, vector<16xf32>, vector<16xf32>, vector<16xf32>
      }
      %scan3A_458 = arith.constant 16 : i32
      %jit3A = arith.constant 8 : i32
      %eq3A = arith.constant 0 : i32
      %eq3A_459 = arith.cmpi eq, %jit3A, %eq3A : i32
      %jit3A_460 = arith.constant 1 : i32
      %select_n3A = arith.select %eq3A_459, %jit3A_460, %jit3A : i32
      %rem3A = arith.remsi %add3A_442, %select_n3A : i32
      %ne3A = arith.constant 0 : i32
      %ne3A_461 = arith.cmpi ne, %rem3A, %ne3A : i32
      %lt3A_462 = arith.constant 0 : i32
      %lt3A_463 = arith.cmpi slt, %rem3A, %lt3A_462 : i32
      %lt3A_464 = arith.constant 0 : i32
      %lt3A_465 = arith.cmpi slt, %select_n3A, %lt3A_464 : i32
      %ne3A_466 = arith.xori %lt3A_463, %lt3A_465 : i1
      %and3A = arith.andi %ne3A_466, %ne3A_461 : i1
      %add3A_467 = arith.addi %rem3A, %select_n3A : i32
      %select_n3A_468 = arith.select %and3A, %add3A_467, %rem3A : i32
      %eq3A_469 = arith.constant 7 : i32
      %eq3A_470 = arith.cmpi eq, %select_n3A_468, %eq3A_469 : i32
      %convert_element_type3A_471 = arith.extui %eq3A_470 : i1 to i32
      %cond3A_472 = arith.constant 0 : i32
      %cond3A_473 = arith.cmpi ne, %convert_element_type3A_471, %cond3A_472 : i32
      scf.if %cond3A_473 {
        %jit3A_702 = arith.constant 8 : i32
        %div3A = arith.divsi %add3A_442, %jit3A_702 : i32
        %sign3A = arith.constant 0 : i32
        %sign3A_703 = arith.cmpi sgt, %add3A_442, %sign3A : i32
        %sign3A_704 = arith.extui %sign3A_703 : i1 to i32
        %sign3A_705 = arith.constant 0 : i32
        %sign3A_706 = arith.cmpi slt, %add3A_442, %sign3A_705 : i32
        %sign3A_707 = arith.extui %sign3A_706 : i1 to i32
        %sign3A_708 = arith.subi %sign3A_704, %sign3A_707 : i32
        %sign3A_709 = arith.constant 0 : i32
        %sign3A_710 = arith.cmpi sgt, %jit3A_702, %sign3A_709 : i32
        %sign3A_711 = arith.extui %sign3A_710 : i1 to i32
        %sign3A_712 = arith.constant 0 : i32
        %sign3A_713 = arith.cmpi slt, %jit3A_702, %sign3A_712 : i32
        %sign3A_714 = arith.extui %sign3A_713 : i1 to i32
        %sign3A_715 = arith.subi %sign3A_711, %sign3A_714 : i32
        %ne3A_716 = arith.cmpi ne, %sign3A_708, %sign3A_715 : i32
        %rem3A_717 = arith.remsi %add3A_442, %jit3A_702 : i32
        %ne3A_718 = arith.constant 0 : i32
        %ne3A_719 = arith.cmpi ne, %rem3A_717, %ne3A_718 : i32
        %and3A_720 = arith.andi %ne3A_716, %ne3A_719 : i1
        %sub3A = arith.constant 1 : i32
        %sub3A_721 = arith.subi %div3A, %sub3A : i32
        %select_n3A_722 = arith.select %and3A_720, %sub3A_721, %div3A : i32
        %mul3A_723 = vector.broadcast %scan3A_423 : f32 to vector<16xf32>
        %mul3A_724 = arith.mulf %scan3A_457#0, %mul3A_723 : vector<16xf32>
        %swap3A = arith.index_cast %select_n3A_722 : i32 to index
        %swap3A_725 = arith.constant 0 : index
        %swap3A_726 = tpu.vector_load %arg10[%swap3A, %swap3A_725] {strides = array<i32>} : memref<25x128xf32, #tpu.memory_space<vmem>>, vector<1x16xf32>,
        %swap3A_727 = vector.shape_cast %swap3A_726 : vector<1x16xf32> to vector<16xf32>
        %swap3A_728 = vector.shape_cast %mul3A_724 : vector<16xf32> to vector<1x16xf32>
        tpu.vector_store %arg10[%swap3A, %swap3A_725], %swap3A_728 {strides = array<i32>} : memref<25x128xf32, #tpu.memory_space<vmem>>, vector<1x16xf32>,
        %mul3A_729 = vector.broadcast %scan3A_423 : f32 to vector<16xf32>
        %mul3A_730 = arith.mulf %scan3A_457#1, %mul3A_729 : vector<16xf32>
        %swap3A_731 = arith.index_cast %select_n3A_722 : i32 to index
        %swap3A_732 = arith.constant 16 : index
        %swap3A_733 = tpu.vector_load %arg10[%swap3A_731, %swap3A_732] {strides = array<i32>} : memref<25x128xf32, #tpu.memory_space<vmem>>, vector<1x16xf32>,
        %swap3A_734 = vector.shape_cast %swap3A_733 : vector<1x16xf32> to vector<16xf32>
        %swap3A_735 = vector.shape_cast %mul3A_730 : vector<16xf32> to vector<1x16xf32>
        tpu.vector_store %arg10[%swap3A_731, %swap3A_732], %swap3A_735 {strides = array<i32>} : memref<25x128xf32, #tpu.memory_space<vmem>>, vector<1x16xf32>,
        %mul3A_736 = vector.broadcast %scan3A_423 : f32 to vector<16xf32>
        %mul3A_737 = arith.mulf %scan3A_457#2, %mul3A_736 : vector<16xf32>
        %swap3A_738 = arith.index_cast %select_n3A_722 : i32 to index
        %swap3A_739 = arith.constant 32 : index
        %swap3A_740 = tpu.vector_load %arg10[%swap3A_738, %swap3A_739] {strides = array<i32>} : memref<25x128xf32, #tpu.memory_space<vmem>>, vector<1x16xf32>,
        %swap3A_741 = vector.shape_cast %swap3A_740 : vector<1x16xf32> to vector<16xf32>
        %swap3A_742 = vector.shape_cast %mul3A_737 : vector<16xf32> to vector<1x16xf32>
        tpu.vector_store %arg10[%swap3A_738, %swap3A_739], %swap3A_742 {strides = array<i32>} : memref<25x128xf32, #tpu.memory_space<vmem>>, vector<1x16xf32>,
        %mul3A_743 = vector.broadcast %scan3A_423 : f32 to vector<16xf32>
        %mul3A_744 = arith.mulf %scan3A_457#3, %mul3A_743 : vector<16xf32>
        %swap3A_745 = arith.index_cast %select_n3A_722 : i32 to index
        %swap3A_746 = arith.constant 48 : index
        %swap3A_747 = tpu.vector_load %arg10[%swap3A_745, %swap3A_746] {strides = array<i32>} : memref<25x128xf32, #tpu.memory_space<vmem>>, vector<1x16xf32>,
        %swap3A_748 = vector.shape_cast %swap3A_747 : vector<1x16xf32> to vector<16xf32>
        %swap3A_749 = vector.shape_cast %mul3A_744 : vector<16xf32> to vector<1x16xf32>
        tpu.vector_store %arg10[%swap3A_745, %swap3A_746], %swap3A_749 {strides = array<i32>} : memref<25x128xf32, #tpu.memory_space<vmem>>, vector<1x16xf32>,
        %mul3A_750 = vector.broadcast %scan3A_423 : f32 to vector<16xf32>
        %mul3A_751 = arith.mulf %scan3A_457#4, %mul3A_750 : vector<16xf32>
        %swap3A_752 = arith.index_cast %select_n3A_722 : i32 to index
        %swap3A_753 = arith.constant 64 : index
        %swap3A_754 = tpu.vector_load %arg10[%swap3A_752, %swap3A_753] {strides = array<i32>} : memref<25x128xf32, #tpu.memory_space<vmem>>, vector<1x16xf32>,
        %swap3A_755 = vector.shape_cast %swap3A_754 : vector<1x16xf32> to vector<16xf32>
        %swap3A_756 = vector.shape_cast %mul3A_751 : vector<16xf32> to vector<1x16xf32>
        tpu.vector_store %arg10[%swap3A_752, %swap3A_753], %swap3A_756 {strides = array<i32>} : memref<25x128xf32, #tpu.memory_space<vmem>>, vector<1x16xf32>,
        %mul3A_757 = vector.broadcast %scan3A_423 : f32 to vector<16xf32>
        %mul3A_758 = arith.mulf %scan3A_457#5, %mul3A_757 : vector<16xf32>
        %swap3A_759 = arith.index_cast %select_n3A_722 : i32 to index
        %swap3A_760 = arith.constant 80 : index
        %swap3A_761 = tpu.vector_load %arg10[%swap3A_759, %swap3A_760] {strides = array<i32>} : memref<25x128xf32, #tpu.memory_space<vmem>>, vector<1x16xf32>,
        %swap3A_762 = vector.shape_cast %swap3A_761 : vector<1x16xf32> to vector<16xf32>
        %swap3A_763 = vector.shape_cast %mul3A_758 : vector<16xf32> to vector<1x16xf32>
        tpu.vector_store %arg10[%swap3A_759, %swap3A_760], %swap3A_763 {strides = array<i32>} : memref<25x128xf32, #tpu.memory_space<vmem>>, vector<1x16xf32>,
        %mul3A_764 = vector.broadcast %scan3A_423 : f32 to vector<16xf32>
        %mul3A_765 = arith.mulf %scan3A_457#6, %mul3A_764 : vector<16xf32>
        %swap3A_766 = arith.index_cast %select_n3A_722 : i32 to index
        %swap3A_767 = arith.constant 96 : index
        %swap3A_768 = tpu.vector_load %arg10[%swap3A_766, %swap3A_767] {strides = array<i32>} : memref<25x128xf32, #tpu.memory_space<vmem>>, vector<1x16xf32>,
        %swap3A_769 = vector.shape_cast %swap3A_768 : vector<1x16xf32> to vector<16xf32>
        %swap3A_770 = vector.shape_cast %mul3A_765 : vector<16xf32> to vector<1x16xf32>
        tpu.vector_store %arg10[%swap3A_766, %swap3A_767], %swap3A_770 {strides = array<i32>} : memref<25x128xf32, #tpu.memory_space<vmem>>, vector<1x16xf32>,
        %mul3A_771 = vector.broadcast %scan3A_423 : f32 to vector<16xf32>
        %mul3A_772 = arith.mulf %scan3A_457#7, %mul3A_771 : vector<16xf32>
        %swap3A_773 = arith.index_cast %select_n3A_722 : i32 to index
        %swap3A_774 = arith.constant 112 : index
        %swap3A_775 = tpu.vector_load %arg10[%swap3A_773, %swap3A_774] {strides = array<i32>} : memref<25x128xf32, #tpu.memory_space<vmem>>, vector<1x16xf32>,
        %swap3A_776 = vector.shape_cast %swap3A_775 : vector<1x16xf32> to vector<16xf32>
        %swap3A_777 = vector.shape_cast %mul3A_772 : vector<16xf32> to vector<1x16xf32>
        tpu.vector_store %arg10[%swap3A_773, %swap3A_774], %swap3A_777 {strides = array<i32>} : memref<25x128xf32, #tpu.memory_space<vmem>>, vector<1x16xf32>,
      } else {
      }
      %broadcast_in_dim3A_474 = arith.constant 0.000000e+00 : f32
      %broadcast_in_dim3A_475 = vector.broadcast %broadcast_in_dim3A_474 : f32 to vector<16xf32>
      %select_n3A_476 = arith.select %eq3A_470, %broadcast_in_dim3A_475, %scan3A_457#0 : vector<16xf32>
      %broadcast_in_dim3A_477 = arith.constant 0.000000e+00 : f32
      %broadcast_in_dim3A_478 = vector.broadcast %broadcast_in_dim3A_477 : f32 to vector<16xf32>
      %select_n3A_479 = arith.select %eq3A_470, %broadcast_in_dim3A_478, %scan3A_457#1 : vector<16xf32>
      %broadcast_in_dim3A_480 = arith.constant 0.000000e+00 : f32
      %broadcast_in_dim3A_481 = vector.broadcast %broadcast_in_dim3A_480 : f32 to vector<16xf32>
      %select_n3A_482 = arith.select %eq3A_470, %broadcast_in_dim3A_481, %scan3A_457#2 : vector<16xf32>
      %broadcast_in_dim3A_483 = arith.constant 0.000000e+00 : f32
      %broadcast_in_dim3A_484 = vector.broadcast %broadcast_in_dim3A_483 : f32 to vector<16xf32>
      %select_n3A_485 = arith.select %eq3A_470, %broadcast_in_dim3A_484, %scan3A_457#3 : vector<16xf32>
      %broadcast_in_dim3A_486 = arith.constant 0.000000e+00 : f32
      %broadcast_in_dim3A_487 = vector.broadcast %broadcast_in_dim3A_486 : f32 to vector<16xf32>
      %select_n3A_488 = arith.select %eq3A_470, %broadcast_in_dim3A_487, %scan3A_457#4 : vector<16xf32>
      %broadcast_in_dim3A_489 = arith.constant 0.000000e+00 : f32
      %broadcast_in_dim3A_490 = vector.broadcast %broadcast_in_dim3A_489 : f32 to vector<16xf32>
      %select_n3A_491 = arith.select %eq3A_470, %broadcast_in_dim3A_490, %scan3A_457#5 : vector<16xf32>
      %broadcast_in_dim3A_492 = arith.constant 0.000000e+00 : f32
      %broadcast_in_dim3A_493 = vector.broadcast %broadcast_in_dim3A_492 : f32 to vector<16xf32>
      %select_n3A_494 = arith.select %eq3A_470, %broadcast_in_dim3A_493, %scan3A_457#6 : vector<16xf32>
      %broadcast_in_dim3A_495 = arith.constant 0.000000e+00 : f32
      %broadcast_in_dim3A_496 = vector.broadcast %broadcast_in_dim3A_495 : f32 to vector<16xf32>
      %select_n3A_497 = arith.select %eq3A_470, %broadcast_in_dim3A_496, %scan3A_457#7 : vector<16xf32>
      %mul3A_498 = arith.constant 4 : i32
      %mul3A_499 = arith.muli %scan3A_430, %mul3A_498 : i32
      %add3A_500 = arith.constant 1 : i32
      %add3A_501 = arith.addi %mul3A_499, %add3A_500 : i32
      %dma_wait3A_502 = arith.constant 0 : i32
      %dma_wait3A_503 = arith.constant 0 : i32
      %dma_wait3A_504 = tpu.memref_slice %arg3[%dma_wait3A_502, %dma_wait3A_503] : memref<100000x128xf32, #tpu.memory_space<hbm>> -> memref<128x128xf32, #tpu.memory_space<hbm>>
      %dma_wait3A_505 = arith.constant 0 : i32
      %dma_wait3A_506 = arith.constant 0 : i32
      %dma_wait3A_507 = tpu.memref_slice %arg3[%dma_wait3A_505, %dma_wait3A_506] : memref<100000x128xf32, #tpu.memory_space<hbm>> -> memref<128x128xf32, #tpu.memory_space<hbm>>
      tpu.wait_dma2 semaphore(%arg13 : memref<!tpu.dma_semaphore, #tpu.memory_space<semaphore_mem>>) src(%dma_wait3A_507 : memref<128x128xf32, #tpu.memory_space<hbm>>) dst(%arg7 : memref<128x128xf32, #tpu.memory_space<vmem>>)
      %add3A_508 = arith.constant 4 : i32
      %add3A_509 = arith.addi %add3A_501, %add3A_508 : i32
      %lt3A_510 = arith.constant 200 : i32
      %lt3A_511 = arith.cmpi slt, %add3A_509, %lt3A_510 : i32
      %convert_element_type3A_512 = arith.extui %lt3A_511 : i1 to i32
      %cond3A_513 = arith.constant 0 : i32
      %cond3A_514 = arith.cmpi ne, %convert_element_type3A_512, %cond3A_513 : i32
      scf.if %cond3A_514 {
        %add3A_702 = arith.constant 4 : i32
        %add3A_703 = arith.addi %add3A_501, %add3A_702 : i32
        %dma_start3A_704 = arith.constant 0 : i32
        %dma_start3A_705 = tpu.memref_slice %arg5[%add3A_703, %dma_start3A_704] : memref<200x128xi32, #tpu.memory_space<vmem>> -> memref<1x128xi32, #tpu.memory_space<vmem>>
        %dma_start3A_706 = tpu.memref_squeeze %dma_start3A_705 : memref<1x128xi32, #tpu.memory_space<vmem>> -> memref<128xi32, #tpu.memory_space<vmem>>
        %dma_start3A_707 = arith.constant 0 : i32
        %dma_start3A_708 = arith.constant 0 : i32
        %dma_start3A_709 = tpu.memref_slice %arg3[%dma_start3A_707, %dma_start3A_708] : memref<100000x128xf32, #tpu.memory_space<hbm>> -> memref<100000x128xf32, #tpu.memory_space<hbm>>
        tpu.enqueue_indirect_dma source(%dma_start3A_709 : memref<100000x128xf32, #tpu.memory_space<hbm>>) target(%arg7 : memref<128x128xf32, #tpu.memory_space<vmem>>) offsets(%dma_start3A_706 : memref<128xi32, #tpu.memory_space<vmem>>) semaphore(%arg13 : memref<!tpu.dma_semaphore, #tpu.memory_space<semaphore_mem>>)
      } else {
      }
      %scan3A_515 = arith.constant 0 : i32
      %scan3A_516 = arith.constant 16 : i32
      %scan3A_517 = arith.addi %scan3A_515, %scan3A_516 : i32
      %scan3A_518 = arith.constant 1 : i32
      %scan3A_519:8 = scf.for %scan3A_702 = %scan3A_515 to %scan3A_517 step %scan3A_518 iter_args(%scan3A_703 = %select_n3A_476, %scan3A_704 = %select_n3A_479, %scan3A_705 = %select_n3A_482, %scan3A_706 = %select_n3A_485, %scan3A_707 = %select_n3A_488, %scan3A_708 = %select_n3A_491, %scan3A_709 = %select_n3A_494, %scan3A_710 = %select_n3A_497) -> (vector<16xf32>, vector<16xf32>, vector<16xf32>, vector<16xf32>, vector<16xf32>, vector<16xf32>, vector<16xf32>, vector<16xf32>)  : i32 {
        %mul3A_711 = arith.constant 8 : i32
        %mul3A_712 = arith.muli %scan3A_702, %mul3A_711 : i32
        %add3A_713 = arith.constant 0 : i32
        %add3A_714 = arith.addi %mul3A_712, %add3A_713 : i32
        %get3A = arith.index_cast %add3A_714 : i32 to index
        %get3A_715 = arith.constant 0 : index
        %get3A_716 = tpu.vector_load %arg7[%get3A, %get3A_715] {strides = array<i32>} : memref<128x128xf32, #tpu.memory_space<vmem>>, vector<1x16xf32>,
        %get3A_717 = vector.shape_cast %get3A_716 : vector<1x16xf32> to vector<16xf32>
        %add3A_718 = arith.addf %scan3A_703, %get3A_717 : vector<16xf32>
        %get3A_719 = arith.index_cast %add3A_714 : i32 to index
        %get3A_720 = arith.constant 16 : index
        %get3A_721 = tpu.vector_load %arg7[%get3A_719, %get3A_720] {strides = array<i32>} : memref<128x128xf32, #tpu.memory_space<vmem>>, vector<1x16xf32>,
        %get3A_722 = vector.shape_cast %get3A_721 : vector<1x16xf32> to vector<16xf32>
        %add3A_723 = arith.addf %scan3A_704, %get3A_722 : vector<16xf32>
        %get3A_724 = arith.index_cast %add3A_714 : i32 to index
        %get3A_725 = arith.constant 32 : index
        %get3A_726 = tpu.vector_load %arg7[%get3A_724, %get3A_725] {strides = array<i32>} : memref<128x128xf32, #tpu.memory_space<vmem>>, vector<1x16xf32>,
        %get3A_727 = vector.shape_cast %get3A_726 : vector<1x16xf32> to vector<16xf32>
        %add3A_728 = arith.addf %scan3A_705, %get3A_727 : vector<16xf32>
        %get3A_729 = arith.index_cast %add3A_714 : i32 to index
        %get3A_730 = arith.constant 48 : index
        %get3A_731 = tpu.vector_load %arg7[%get3A_729, %get3A_730] {strides = array<i32>} : memref<128x128xf32, #tpu.memory_space<vmem>>, vector<1x16xf32>,
        %get3A_732 = vector.shape_cast %get3A_731 : vector<1x16xf32> to vector<16xf32>
        %add3A_733 = arith.addf %scan3A_706, %get3A_732 : vector<16xf32>
        %get3A_734 = arith.index_cast %add3A_714 : i32 to index
        %get3A_735 = arith.constant 64 : index
        %get3A_736 = tpu.vector_load %arg7[%get3A_734, %get3A_735] {strides = array<i32>} : memref<128x128xf32, #tpu.memory_space<vmem>>, vector<1x16xf32>,
        %get3A_737 = vector.shape_cast %get3A_736 : vector<1x16xf32> to vector<16xf32>
        %add3A_738 = arith.addf %scan3A_707, %get3A_737 : vector<16xf32>
        %get3A_739 = arith.index_cast %add3A_714 : i32 to index
        %get3A_740 = arith.constant 80 : index
        %get3A_741 = tpu.vector_load %arg7[%get3A_739, %get3A_740] {strides = array<i32>} : memref<128x128xf32, #tpu.memory_space<vmem>>, vector<1x16xf32>,
        %get3A_742 = vector.shape_cast %get3A_741 : vector<1x16xf32> to vector<16xf32>
        %add3A_743 = arith.addf %scan3A_708, %get3A_742 : vector<16xf32>
        %get3A_744 = arith.index_cast %add3A_714 : i32 to index
        %get3A_745 = arith.constant 96 : index
        %get3A_746 = tpu.vector_load %arg7[%get3A_744, %get3A_745] {strides = array<i32>} : memref<128x128xf32, #tpu.memory_space<vmem>>, vector<1x16xf32>,
        %get3A_747 = vector.shape_cast %get3A_746 : vector<1x16xf32> to vector<16xf32>
        %add3A_748 = arith.addf %scan3A_709, %get3A_747 : vector<16xf32>
        %get3A_749 = arith.index_cast %add3A_714 : i32 to index
        %get3A_750 = arith.constant 112 : index
        %get3A_751 = tpu.vector_load %arg7[%get3A_749, %get3A_750] {strides = array<i32>} : memref<128x128xf32, #tpu.memory_space<vmem>>, vector<1x16xf32>,
        %get3A_752 = vector.shape_cast %get3A_751 : vector<1x16xf32> to vector<16xf32>
        %add3A_753 = arith.addf %scan3A_710, %get3A_752 : vector<16xf32>
        %mul3A_754 = arith.constant 8 : i32
        %mul3A_755 = arith.muli %scan3A_702, %mul3A_754 : i32
        %add3A_756 = arith.constant 1 : i32
        %add3A_757 = arith.addi %mul3A_755, %add3A_756 : i32
        %get3A_758 = arith.index_cast %add3A_757 : i32 to index
        %get3A_759 = arith.constant 0 : index
        %get3A_760 = tpu.vector_load %arg7[%get3A_758, %get3A_759] {strides = array<i32>} : memref<128x128xf32, #tpu.memory_space<vmem>>, vector<1x16xf32>,
        %get3A_761 = vector.shape_cast %get3A_760 : vector<1x16xf32> to vector<16xf32>
        %add3A_762 = arith.addf %add3A_718, %get3A_761 : vector<16xf32>
        %get3A_763 = arith.index_cast %add3A_757 : i32 to index
        %get3A_764 = arith.constant 16 : index
        %get3A_765 = tpu.vector_load %arg7[%get3A_763, %get3A_764] {strides = array<i32>} : memref<128x128xf32, #tpu.memory_space<vmem>>, vector<1x16xf32>,
        %get3A_766 = vector.shape_cast %get3A_765 : vector<1x16xf32> to vector<16xf32>
        %add3A_767 = arith.addf %add3A_723, %get3A_766 : vector<16xf32>
        %get3A_768 = arith.index_cast %add3A_757 : i32 to index
        %get3A_769 = arith.constant 32 : index
        %get3A_770 = tpu.vector_load %arg7[%get3A_768, %get3A_769] {strides = array<i32>} : memref<128x128xf32, #tpu.memory_space<vmem>>, vector<1x16xf32>,
        %get3A_771 = vector.shape_cast %get3A_770 : vector<1x16xf32> to vector<16xf32>
        %add3A_772 = arith.addf %add3A_728, %get3A_771 : vector<16xf32>
        %get3A_773 = arith.index_cast %add3A_757 : i32 to index
        %get3A_774 = arith.constant 48 : index
        %get3A_775 = tpu.vector_load %arg7[%get3A_773, %get3A_774] {strides = array<i32>} : memref<128x128xf32, #tpu.memory_space<vmem>>, vector<1x16xf32>,
        %get3A_776 = vector.shape_cast %get3A_775 : vector<1x16xf32> to vector<16xf32>
        %add3A_777 = arith.addf %add3A_733, %get3A_776 : vector<16xf32>
        %get3A_778 = arith.index_cast %add3A_757 : i32 to index
        %get3A_779 = arith.constant 64 : index
        %get3A_780 = tpu.vector_load %arg7[%get3A_778, %get3A_779] {strides = array<i32>} : memref<128x128xf32, #tpu.memory_space<vmem>>, vector<1x16xf32>,
        %get3A_781 = vector.shape_cast %get3A_780 : vector<1x16xf32> to vector<16xf32>
        %add3A_782 = arith.addf %add3A_738, %get3A_781 : vector<16xf32>
        %get3A_783 = arith.index_cast %add3A_757 : i32 to index
        %get3A_784 = arith.constant 80 : index
        %get3A_785 = tpu.vector_load %arg7[%get3A_783, %get3A_784] {strides = array<i32>} : memref<128x128xf32, #tpu.memory_space<vmem>>, vector<1x16xf32>,
        %get3A_786 = vector.shape_cast %get3A_785 : vector<1x16xf32> to vector<16xf32>
        %add3A_787 = arith.addf %add3A_743, %get3A_786 : vector<16xf32>
        %get3A_788 = arith.index_cast %add3A_757 : i32 to index
        %get3A_789 = arith.constant 96 : index
        %get3A_790 = tpu.vector_load %arg7[%get3A_788, %get3A_789] {strides = array<i32>} : memref<128x128xf32, #tpu.memory_space<vmem>>, vector<1x16xf32>,
        %get3A_791 = vector.shape_cast %get3A_790 : vector<1x16xf32> to vector<16xf32>
        %add3A_792 = arith.addf %add3A_748, %get3A_791 : vector<16xf32>
        %get3A_793 = arith.index_cast %add3A_757 : i32 to index
        %get3A_794 = arith.constant 112 : index
        %get3A_795 = tpu.vector_load %arg7[%get3A_793, %get3A_794] {strides = array<i32>} : memref<128x128xf32, #tpu.memory_space<vmem>>, vector<1x16xf32>,
        %get3A_796 = vector.shape_cast %get3A_795 : vector<1x16xf32> to vector<16xf32>
        %add3A_797 = arith.addf %add3A_753, %get3A_796 : vector<16xf32>
        %mul3A_798 = arith.constant 8 : i32
        %mul3A_799 = arith.muli %scan3A_702, %mul3A_798 : i32
        %add3A_800 = arith.constant 2 : i32
        %add3A_801 = arith.addi %mul3A_799, %add3A_800 : i32
        %get3A_802 = arith.index_cast %add3A_801 : i32 to index
        %get3A_803 = arith.constant 0 : index
        %get3A_804 = tpu.vector_load %arg7[%get3A_802, %get3A_803] {strides = array<i32>} : memref<128x128xf32, #tpu.memory_space<vmem>>, vector<1x16xf32>,
        %get3A_805 = vector.shape_cast %get3A_804 : vector<1x16xf32> to vector<16xf32>
        %add3A_806 = arith.addf %add3A_762, %get3A_805 : vector<16xf32>
        %get3A_807 = arith.index_cast %add3A_801 : i32 to index
        %get3A_808 = arith.constant 16 : index
        %get3A_809 = tpu.vector_load %arg7[%get3A_807, %get3A_808] {strides = array<i32>} : memref<128x128xf32, #tpu.memory_space<vmem>>, vector<1x16xf32>,
        %get3A_810 = vector.shape_cast %get3A_809 : vector<1x16xf32> to vector<16xf32>
        %add3A_811 = arith.addf %add3A_767, %get3A_810 : vector<16xf32>
        %get3A_812 = arith.index_cast %add3A_801 : i32 to index
        %get3A_813 = arith.constant 32 : index
        %get3A_814 = tpu.vector_load %arg7[%get3A_812, %get3A_813] {strides = array<i32>} : memref<128x128xf32, #tpu.memory_space<vmem>>, vector<1x16xf32>,
        %get3A_815 = vector.shape_cast %get3A_814 : vector<1x16xf32> to vector<16xf32>
        %add3A_816 = arith.addf %add3A_772, %get3A_815 : vector<16xf32>
        %get3A_817 = arith.index_cast %add3A_801 : i32 to index
        %get3A_818 = arith.constant 48 : index
        %get3A_819 = tpu.vector_load %arg7[%get3A_817, %get3A_818] {strides = array<i32>} : memref<128x128xf32, #tpu.memory_space<vmem>>, vector<1x16xf32>,
        %get3A_820 = vector.shape_cast %get3A_819 : vector<1x16xf32> to vector<16xf32>
        %add3A_821 = arith.addf %add3A_777, %get3A_820 : vector<16xf32>
        %get3A_822 = arith.index_cast %add3A_801 : i32 to index
        %get3A_823 = arith.constant 64 : index
        %get3A_824 = tpu.vector_load %arg7[%get3A_822, %get3A_823] {strides = array<i32>} : memref<128x128xf32, #tpu.memory_space<vmem>>, vector<1x16xf32>,
        %get3A_825 = vector.shape_cast %get3A_824 : vector<1x16xf32> to vector<16xf32>
        %add3A_826 = arith.addf %add3A_782, %get3A_825 : vector<16xf32>
        %get3A_827 = arith.index_cast %add3A_801 : i32 to index
        %get3A_828 = arith.constant 80 : index
        %get3A_829 = tpu.vector_load %arg7[%get3A_827, %get3A_828] {strides = array<i32>} : memref<128x128xf32, #tpu.memory_space<vmem>>, vector<1x16xf32>,
        %get3A_830 = vector.shape_cast %get3A_829 : vector<1x16xf32> to vector<16xf32>
        %add3A_831 = arith.addf %add3A_787, %get3A_830 : vector<16xf32>
        %get3A_832 = arith.index_cast %add3A_801 : i32 to index
        %get3A_833 = arith.constant 96 : index
        %get3A_834 = tpu.vector_load %arg7[%get3A_832, %get3A_833] {strides = array<i32>} : memref<128x128xf32, #tpu.memory_space<vmem>>, vector<1x16xf32>,
        %get3A_835 = vector.shape_cast %get3A_834 : vector<1x16xf32> to vector<16xf32>
        %add3A_836 = arith.addf %add3A_792, %get3A_835 : vector<16xf32>
        %get3A_837 = arith.index_cast %add3A_801 : i32 to index
        %get3A_838 = arith.constant 112 : index
        %get3A_839 = tpu.vector_load %arg7[%get3A_837, %get3A_838] {strides = array<i32>} : memref<128x128xf32, #tpu.memory_space<vmem>>, vector<1x16xf32>,
        %get3A_840 = vector.shape_cast %get3A_839 : vector<1x16xf32> to vector<16xf32>
        %add3A_841 = arith.addf %add3A_797, %get3A_840 : vector<16xf32>
        %mul3A_842 = arith.constant 8 : i32
        %mul3A_843 = arith.muli %scan3A_702, %mul3A_842 : i32
        %add3A_844 = arith.constant 3 : i32
        %add3A_845 = arith.addi %mul3A_843, %add3A_844 : i32
        %get3A_846 = arith.index_cast %add3A_845 : i32 to index
        %get3A_847 = arith.constant 0 : index
        %get3A_848 = tpu.vector_load %arg7[%get3A_846, %get3A_847] {strides = array<i32>} : memref<128x128xf32, #tpu.memory_space<vmem>>, vector<1x16xf32>,
        %get3A_849 = vector.shape_cast %get3A_848 : vector<1x16xf32> to vector<16xf32>
        %add3A_850 = arith.addf %add3A_806, %get3A_849 : vector<16xf32>
        %get3A_851 = arith.index_cast %add3A_845 : i32 to index
        %get3A_852 = arith.constant 16 : index
        %get3A_853 = tpu.vector_load %arg7[%get3A_851, %get3A_852] {strides = array<i32>} : memref<128x128xf32, #tpu.memory_space<vmem>>, vector<1x16xf32>,
        %get3A_854 = vector.shape_cast %get3A_853 : vector<1x16xf32> to vector<16xf32>
        %add3A_855 = arith.addf %add3A_811, %get3A_854 : vector<16xf32>
        %get3A_856 = arith.index_cast %add3A_845 : i32 to index
        %get3A_857 = arith.constant 32 : index
        %get3A_858 = tpu.vector_load %arg7[%get3A_856, %get3A_857] {strides = array<i32>} : memref<128x128xf32, #tpu.memory_space<vmem>>, vector<1x16xf32>,
        %get3A_859 = vector.shape_cast %get3A_858 : vector<1x16xf32> to vector<16xf32>
        %add3A_860 = arith.addf %add3A_816, %get3A_859 : vector<16xf32>
        %get3A_861 = arith.index_cast %add3A_845 : i32 to index
        %get3A_862 = arith.constant 48 : index
        %get3A_863 = tpu.vector_load %arg7[%get3A_861, %get3A_862] {strides = array<i32>} : memref<128x128xf32, #tpu.memory_space<vmem>>, vector<1x16xf32>,
        %get3A_864 = vector.shape_cast %get3A_863 : vector<1x16xf32> to vector<16xf32>
        %add3A_865 = arith.addf %add3A_821, %get3A_864 : vector<16xf32>
        %get3A_866 = arith.index_cast %add3A_845 : i32 to index
        %get3A_867 = arith.constant 64 : index
        %get3A_868 = tpu.vector_load %arg7[%get3A_866, %get3A_867] {strides = array<i32>} : memref<128x128xf32, #tpu.memory_space<vmem>>, vector<1x16xf32>,
        %get3A_869 = vector.shape_cast %get3A_868 : vector<1x16xf32> to vector<16xf32>
        %add3A_870 = arith.addf %add3A_826, %get3A_869 : vector<16xf32>
        %get3A_871 = arith.index_cast %add3A_845 : i32 to index
        %get3A_872 = arith.constant 80 : index
        %get3A_873 = tpu.vector_load %arg7[%get3A_871, %get3A_872] {strides = array<i32>} : memref<128x128xf32, #tpu.memory_space<vmem>>, vector<1x16xf32>,
        %get3A_874 = vector.shape_cast %get3A_873 : vector<1x16xf32> to vector<16xf32>
        %add3A_875 = arith.addf %add3A_831, %get3A_874 : vector<16xf32>
        %get3A_876 = arith.index_cast %add3A_845 : i32 to index
        %get3A_877 = arith.constant 96 : index
        %get3A_878 = tpu.vector_load %arg7[%get3A_876, %get3A_877] {strides = array<i32>} : memref<128x128xf32, #tpu.memory_space<vmem>>, vector<1x16xf32>,
        %get3A_879 = vector.shape_cast %get3A_878 : vector<1x16xf32> to vector<16xf32>
        %add3A_880 = arith.addf %add3A_836, %get3A_879 : vector<16xf32>
        %get3A_881 = arith.index_cast %add3A_845 : i32 to index
        %get3A_882 = arith.constant 112 : index
        %get3A_883 = tpu.vector_load %arg7[%get3A_881, %get3A_882] {strides = array<i32>} : memref<128x128xf32, #tpu.memory_space<vmem>>, vector<1x16xf32>,
        %get3A_884 = vector.shape_cast %get3A_883 : vector<1x16xf32> to vector<16xf32>
        %add3A_885 = arith.addf %add3A_841, %get3A_884 : vector<16xf32>
        %mul3A_886 = arith.constant 8 : i32
        %mul3A_887 = arith.muli %scan3A_702, %mul3A_886 : i32
        %add3A_888 = arith.constant 4 : i32
        %add3A_889 = arith.addi %mul3A_887, %add3A_888 : i32
        %get3A_890 = arith.index_cast %add3A_889 : i32 to index
        %get3A_891 = arith.constant 0 : index
        %get3A_892 = tpu.vector_load %arg7[%get3A_890, %get3A_891] {strides = array<i32>} : memref<128x128xf32, #tpu.memory_space<vmem>>, vector<1x16xf32>,
        %get3A_893 = vector.shape_cast %get3A_892 : vector<1x16xf32> to vector<16xf32>
        %add3A_894 = arith.addf %add3A_850, %get3A_893 : vector<16xf32>
        %get3A_895 = arith.index_cast %add3A_889 : i32 to index
        %get3A_896 = arith.constant 16 : index
        %get3A_897 = tpu.vector_load %arg7[%get3A_895, %get3A_896] {strides = array<i32>} : memref<128x128xf32, #tpu.memory_space<vmem>>, vector<1x16xf32>,
        %get3A_898 = vector.shape_cast %get3A_897 : vector<1x16xf32> to vector<16xf32>
        %add3A_899 = arith.addf %add3A_855, %get3A_898 : vector<16xf32>
        %get3A_900 = arith.index_cast %add3A_889 : i32 to index
        %get3A_901 = arith.constant 32 : index
        %get3A_902 = tpu.vector_load %arg7[%get3A_900, %get3A_901] {strides = array<i32>} : memref<128x128xf32, #tpu.memory_space<vmem>>, vector<1x16xf32>,
        %get3A_903 = vector.shape_cast %get3A_902 : vector<1x16xf32> to vector<16xf32>
        %add3A_904 = arith.addf %add3A_860, %get3A_903 : vector<16xf32>
        %get3A_905 = arith.index_cast %add3A_889 : i32 to index
        %get3A_906 = arith.constant 48 : index
        %get3A_907 = tpu.vector_load %arg7[%get3A_905, %get3A_906] {strides = array<i32>} : memref<128x128xf32, #tpu.memory_space<vmem>>, vector<1x16xf32>,
        %get3A_908 = vector.shape_cast %get3A_907 : vector<1x16xf32> to vector<16xf32>
        %add3A_909 = arith.addf %add3A_865, %get3A_908 : vector<16xf32>
        %get3A_910 = arith.index_cast %add3A_889 : i32 to index
        %get3A_911 = arith.constant 64 : index
        %get3A_912 = tpu.vector_load %arg7[%get3A_910, %get3A_911] {strides = array<i32>} : memref<128x128xf32, #tpu.memory_space<vmem>>, vector<1x16xf32>,
        %get3A_913 = vector.shape_cast %get3A_912 : vector<1x16xf32> to vector<16xf32>
        %add3A_914 = arith.addf %add3A_870, %get3A_913 : vector<16xf32>
        %get3A_915 = arith.index_cast %add3A_889 : i32 to index
        %get3A_916 = arith.constant 80 : index
        %get3A_917 = tpu.vector_load %arg7[%get3A_915, %get3A_916] {strides = array<i32>} : memref<128x128xf32, #tpu.memory_space<vmem>>, vector<1x16xf32>,
        %get3A_918 = vector.shape_cast %get3A_917 : vector<1x16xf32> to vector<16xf32>
        %add3A_919 = arith.addf %add3A_875, %get3A_918 : vector<16xf32>
        %get3A_920 = arith.index_cast %add3A_889 : i32 to index
        %get3A_921 = arith.constant 96 : index
        %get3A_922 = tpu.vector_load %arg7[%get3A_920, %get3A_921] {strides = array<i32>} : memref<128x128xf32, #tpu.memory_space<vmem>>, vector<1x16xf32>,
        %get3A_923 = vector.shape_cast %get3A_922 : vector<1x16xf32> to vector<16xf32>
        %add3A_924 = arith.addf %add3A_880, %get3A_923 : vector<16xf32>
        %get3A_925 = arith.index_cast %add3A_889 : i32 to index
        %get3A_926 = arith.constant 112 : index
        %get3A_927 = tpu.vector_load %arg7[%get3A_925, %get3A_926] {strides = array<i32>} : memref<128x128xf32, #tpu.memory_space<vmem>>, vector<1x16xf32>,
        %get3A_928 = vector.shape_cast %get3A_927 : vector<1x16xf32> to vector<16xf32>
        %add3A_929 = arith.addf %add3A_885, %get3A_928 : vector<16xf32>
        %mul3A_930 = arith.constant 8 : i32
        %mul3A_931 = arith.muli %scan3A_702, %mul3A_930 : i32
        %add3A_932 = arith.constant 5 : i32
        %add3A_933 = arith.addi %mul3A_931, %add3A_932 : i32
        %get3A_934 = arith.index_cast %add3A_933 : i32 to index
        %get3A_935 = arith.constant 0 : index
        %get3A_936 = tpu.vector_load %arg7[%get3A_934, %get3A_935] {strides = array<i32>} : memref<128x128xf32, #tpu.memory_space<vmem>>, vector<1x16xf32>,
        %get3A_937 = vector.shape_cast %get3A_936 : vector<1x16xf32> to vector<16xf32>
        %add3A_938 = arith.addf %add3A_894, %get3A_937 : vector<16xf32>
        %get3A_939 = arith.index_cast %add3A_933 : i32 to index
        %get3A_940 = arith.constant 16 : index
        %get3A_941 = tpu.vector_load %arg7[%get3A_939, %get3A_940] {strides = array<i32>} : memref<128x128xf32, #tpu.memory_space<vmem>>, vector<1x16xf32>,
        %get3A_942 = vector.shape_cast %get3A_941 : vector<1x16xf32> to vector<16xf32>
        %add3A_943 = arith.addf %add3A_899, %get3A_942 : vector<16xf32>
        %get3A_944 = arith.index_cast %add3A_933 : i32 to index
        %get3A_945 = arith.constant 32 : index
        %get3A_946 = tpu.vector_load %arg7[%get3A_944, %get3A_945] {strides = array<i32>} : memref<128x128xf32, #tpu.memory_space<vmem>>, vector<1x16xf32>,
        %get3A_947 = vector.shape_cast %get3A_946 : vector<1x16xf32> to vector<16xf32>
        %add3A_948 = arith.addf %add3A_904, %get3A_947 : vector<16xf32>
        %get3A_949 = arith.index_cast %add3A_933 : i32 to index
        %get3A_950 = arith.constant 48 : index
        %get3A_951 = tpu.vector_load %arg7[%get3A_949, %get3A_950] {strides = array<i32>} : memref<128x128xf32, #tpu.memory_space<vmem>>, vector<1x16xf32>,
        %get3A_952 = vector.shape_cast %get3A_951 : vector<1x16xf32> to vector<16xf32>
        %add3A_953 = arith.addf %add3A_909, %get3A_952 : vector<16xf32>
        %get3A_954 = arith.index_cast %add3A_933 : i32 to index
        %get3A_955 = arith.constant 64 : index
        %get3A_956 = tpu.vector_load %arg7[%get3A_954, %get3A_955] {strides = array<i32>} : memref<128x128xf32, #tpu.memory_space<vmem>>, vector<1x16xf32>,
        %get3A_957 = vector.shape_cast %get3A_956 : vector<1x16xf32> to vector<16xf32>
        %add3A_958 = arith.addf %add3A_914, %get3A_957 : vector<16xf32>
        %get3A_959 = arith.index_cast %add3A_933 : i32 to index
        %get3A_960 = arith.constant 80 : index
        %get3A_961 = tpu.vector_load %arg7[%get3A_959, %get3A_960] {strides = array<i32>} : memref<128x128xf32, #tpu.memory_space<vmem>>, vector<1x16xf32>,
        %get3A_962 = vector.shape_cast %get3A_961 : vector<1x16xf32> to vector<16xf32>
        %add3A_963 = arith.addf %add3A_919, %get3A_962 : vector<16xf32>
        %get3A_964 = arith.index_cast %add3A_933 : i32 to index
        %get3A_965 = arith.constant 96 : index
        %get3A_966 = tpu.vector_load %arg7[%get3A_964, %get3A_965] {strides = array<i32>} : memref<128x128xf32, #tpu.memory_space<vmem>>, vector<1x16xf32>,
        %get3A_967 = vector.shape_cast %get3A_966 : vector<1x16xf32> to vector<16xf32>
        %add3A_968 = arith.addf %add3A_924, %get3A_967 : vector<16xf32>
        %get3A_969 = arith.index_cast %add3A_933 : i32 to index
        %get3A_970 = arith.constant 112 : index
        %get3A_971 = tpu.vector_load %arg7[%get3A_969, %get3A_970] {strides = array<i32>} : memref<128x128xf32, #tpu.memory_space<vmem>>, vector<1x16xf32>,
        %get3A_972 = vector.shape_cast %get3A_971 : vector<1x16xf32> to vector<16xf32>
        %add3A_973 = arith.addf %add3A_929, %get3A_972 : vector<16xf32>
        %mul3A_974 = arith.constant 8 : i32
        %mul3A_975 = arith.muli %scan3A_702, %mul3A_974 : i32
        %add3A_976 = arith.constant 6 : i32
        %add3A_977 = arith.addi %mul3A_975, %add3A_976 : i32
        %get3A_978 = arith.index_cast %add3A_977 : i32 to index
        %get3A_979 = arith.constant 0 : index
        %get3A_980 = tpu.vector_load %arg7[%get3A_978, %get3A_979] {strides = array<i32>} : memref<128x128xf32, #tpu.memory_space<vmem>>, vector<1x16xf32>,
        %get3A_981 = vector.shape_cast %get3A_980 : vector<1x16xf32> to vector<16xf32>
        %add3A_982 = arith.addf %add3A_938, %get3A_981 : vector<16xf32>
        %get3A_983 = arith.index_cast %add3A_977 : i32 to index
        %get3A_984 = arith.constant 16 : index
        %get3A_985 = tpu.vector_load %arg7[%get3A_983, %get3A_984] {strides = array<i32>} : memref<128x128xf32, #tpu.memory_space<vmem>>, vector<1x16xf32>,
        %get3A_986 = vector.shape_cast %get3A_985 : vector<1x16xf32> to vector<16xf32>
        %add3A_987 = arith.addf %add3A_943, %get3A_986 : vector<16xf32>
        %get3A_988 = arith.index_cast %add3A_977 : i32 to index
        %get3A_989 = arith.constant 32 : index
        %get3A_990 = tpu.vector_load %arg7[%get3A_988, %get3A_989] {strides = array<i32>} : memref<128x128xf32, #tpu.memory_space<vmem>>, vector<1x16xf32>,
        %get3A_991 = vector.shape_cast %get3A_990 : vector<1x16xf32> to vector<16xf32>
        %add3A_992 = arith.addf %add3A_948, %get3A_991 : vector<16xf32>
        %get3A_993 = arith.index_cast %add3A_977 : i32 to index
        %get3A_994 = arith.constant 48 : index
        %get3A_995 = tpu.vector_load %arg7[%get3A_993, %get3A_994] {strides = array<i32>} : memref<128x128xf32, #tpu.memory_space<vmem>>, vector<1x16xf32>,
        %get3A_996 = vector.shape_cast %get3A_995 : vector<1x16xf32> to vector<16xf32>
        %add3A_997 = arith.addf %add3A_953, %get3A_996 : vector<16xf32>
        %get3A_998 = arith.index_cast %add3A_977 : i32 to index
        %get3A_999 = arith.constant 64 : index
        %get3A_1000 = tpu.vector_load %arg7[%get3A_998, %get3A_999] {strides = array<i32>} : memref<128x128xf32, #tpu.memory_space<vmem>>, vector<1x16xf32>,
        %get3A_1001 = vector.shape_cast %get3A_1000 : vector<1x16xf32> to vector<16xf32>
        %add3A_1002 = arith.addf %add3A_958, %get3A_1001 : vector<16xf32>
        %get3A_1003 = arith.index_cast %add3A_977 : i32 to index
        %get3A_1004 = arith.constant 80 : index
        %get3A_1005 = tpu.vector_load %arg7[%get3A_1003, %get3A_1004] {strides = array<i32>} : memref<128x128xf32, #tpu.memory_space<vmem>>, vector<1x16xf32>,
        %get3A_1006 = vector.shape_cast %get3A_1005 : vector<1x16xf32> to vector<16xf32>
        %add3A_1007 = arith.addf %add3A_963, %get3A_1006 : vector<16xf32>
        %get3A_1008 = arith.index_cast %add3A_977 : i32 to index
        %get3A_1009 = arith.constant 96 : index
        %get3A_1010 = tpu.vector_load %arg7[%get3A_1008, %get3A_1009] {strides = array<i32>} : memref<128x128xf32, #tpu.memory_space<vmem>>, vector<1x16xf32>,
        %get3A_1011 = vector.shape_cast %get3A_1010 : vector<1x16xf32> to vector<16xf32>
        %add3A_1012 = arith.addf %add3A_968, %get3A_1011 : vector<16xf32>
        %get3A_1013 = arith.index_cast %add3A_977 : i32 to index
        %get3A_1014 = arith.constant 112 : index
        %get3A_1015 = tpu.vector_load %arg7[%get3A_1013, %get3A_1014] {strides = array<i32>} : memref<128x128xf32, #tpu.memory_space<vmem>>, vector<1x16xf32>,
        %get3A_1016 = vector.shape_cast %get3A_1015 : vector<1x16xf32> to vector<16xf32>
        %add3A_1017 = arith.addf %add3A_973, %get3A_1016 : vector<16xf32>
        %mul3A_1018 = arith.constant 8 : i32
        %mul3A_1019 = arith.muli %scan3A_702, %mul3A_1018 : i32
        %add3A_1020 = arith.constant 7 : i32
        %add3A_1021 = arith.addi %mul3A_1019, %add3A_1020 : i32
        %get3A_1022 = arith.index_cast %add3A_1021 : i32 to index
        %get3A_1023 = arith.constant 0 : index
        %get3A_1024 = tpu.vector_load %arg7[%get3A_1022, %get3A_1023] {strides = array<i32>} : memref<128x128xf32, #tpu.memory_space<vmem>>, vector<1x16xf32>,
        %get3A_1025 = vector.shape_cast %get3A_1024 : vector<1x16xf32> to vector<16xf32>
        %add3A_1026 = arith.addf %add3A_982, %get3A_1025 : vector<16xf32>
        %get3A_1027 = arith.index_cast %add3A_1021 : i32 to index
        %get3A_1028 = arith.constant 16 : index
        %get3A_1029 = tpu.vector_load %arg7[%get3A_1027, %get3A_1028] {strides = array<i32>} : memref<128x128xf32, #tpu.memory_space<vmem>>, vector<1x16xf32>,
        %get3A_1030 = vector.shape_cast %get3A_1029 : vector<1x16xf32> to vector<16xf32>
        %add3A_1031 = arith.addf %add3A_987, %get3A_1030 : vector<16xf32>
        %get3A_1032 = arith.index_cast %add3A_1021 : i32 to index
        %get3A_1033 = arith.constant 32 : index
        %get3A_1034 = tpu.vector_load %arg7[%get3A_1032, %get3A_1033] {strides = array<i32>} : memref<128x128xf32, #tpu.memory_space<vmem>>, vector<1x16xf32>,
        %get3A_1035 = vector.shape_cast %get3A_1034 : vector<1x16xf32> to vector<16xf32>
        %add3A_1036 = arith.addf %add3A_992, %get3A_1035 : vector<16xf32>
        %get3A_1037 = arith.index_cast %add3A_1021 : i32 to index
        %get3A_1038 = arith.constant 48 : index
        %get3A_1039 = tpu.vector_load %arg7[%get3A_1037, %get3A_1038] {strides = array<i32>} : memref<128x128xf32, #tpu.memory_space<vmem>>, vector<1x16xf32>,
        %get3A_1040 = vector.shape_cast %get3A_1039 : vector<1x16xf32> to vector<16xf32>
        %add3A_1041 = arith.addf %add3A_997, %get3A_1040 : vector<16xf32>
        %get3A_1042 = arith.index_cast %add3A_1021 : i32 to index
        %get3A_1043 = arith.constant 64 : index
        %get3A_1044 = tpu.vector_load %arg7[%get3A_1042, %get3A_1043] {strides = array<i32>} : memref<128x128xf32, #tpu.memory_space<vmem>>, vector<1x16xf32>,
        %get3A_1045 = vector.shape_cast %get3A_1044 : vector<1x16xf32> to vector<16xf32>
        %add3A_1046 = arith.addf %add3A_1002, %get3A_1045 : vector<16xf32>
        %get3A_1047 = arith.index_cast %add3A_1021 : i32 to index
        %get3A_1048 = arith.constant 80 : index
        %get3A_1049 = tpu.vector_load %arg7[%get3A_1047, %get3A_1048] {strides = array<i32>} : memref<128x128xf32, #tpu.memory_space<vmem>>, vector<1x16xf32>,
        %get3A_1050 = vector.shape_cast %get3A_1049 : vector<1x16xf32> to vector<16xf32>
        %add3A_1051 = arith.addf %add3A_1007, %get3A_1050 : vector<16xf32>
        %get3A_1052 = arith.index_cast %add3A_1021 : i32 to index
        %get3A_1053 = arith.constant 96 : index
        %get3A_1054 = tpu.vector_load %arg7[%get3A_1052, %get3A_1053] {strides = array<i32>} : memref<128x128xf32, #tpu.memory_space<vmem>>, vector<1x16xf32>,
        %get3A_1055 = vector.shape_cast %get3A_1054 : vector<1x16xf32> to vector<16xf32>
        %add3A_1056 = arith.addf %add3A_1012, %get3A_1055 : vector<16xf32>
        %get3A_1057 = arith.index_cast %add3A_1021 : i32 to index
        %get3A_1058 = arith.constant 112 : index
        %get3A_1059 = tpu.vector_load %arg7[%get3A_1057, %get3A_1058] {strides = array<i32>} : memref<128x128xf32, #tpu.memory_space<vmem>>, vector<1x16xf32>,
        %get3A_1060 = vector.shape_cast %get3A_1059 : vector<1x16xf32> to vector<16xf32>
        %add3A_1061 = arith.addf %add3A_1017, %get3A_1060 : vector<16xf32>
        scf.yield %add3A_1026, %add3A_1031, %add3A_1036, %add3A_1041, %add3A_1046, %add3A_1051, %add3A_1056, %add3A_1061 : vector<16xf32>, vector<16xf32>, vector<16xf32>, vector<16xf32>, vector<16xf32>, vector<16xf32>, vector<16xf32>, vector<16xf32>
      }
      %scan3A_520 = arith.constant 16 : i32
      %jit3A_521 = arith.constant 8 : i32
      %eq3A_522 = arith.constant 0 : i32
      %eq3A_523 = arith.cmpi eq, %jit3A_521, %eq3A_522 : i32
      %jit3A_524 = arith.constant 1 : i32
      %select_n3A_525 = arith.select %eq3A_523, %jit3A_524, %jit3A_521 : i32
      %rem3A_526 = arith.remsi %add3A_501, %select_n3A_525 : i32
      %ne3A_527 = arith.constant 0 : i32
      %ne3A_528 = arith.cmpi ne, %rem3A_526, %ne3A_527 : i32
      %lt3A_529 = arith.constant 0 : i32
      %lt3A_530 = arith.cmpi slt, %rem3A_526, %lt3A_529 : i32
      %lt3A_531 = arith.constant 0 : i32
      %lt3A_532 = arith.cmpi slt, %select_n3A_525, %lt3A_531 : i32
      %ne3A_533 = arith.xori %lt3A_530, %lt3A_532 : i1
      %and3A_534 = arith.andi %ne3A_533, %ne3A_528 : i1
      %add3A_535 = arith.addi %rem3A_526, %select_n3A_525 : i32
      %select_n3A_536 = arith.select %and3A_534, %add3A_535, %rem3A_526 : i32
      %eq3A_537 = arith.constant 7 : i32
      %eq3A_538 = arith.cmpi eq, %select_n3A_536, %eq3A_537 : i32
      %convert_element_type3A_539 = arith.extui %eq3A_538 : i1 to i32
      %cond3A_540 = arith.constant 0 : i32
      %cond3A_541 = arith.cmpi ne, %convert_element_type3A_539, %cond3A_540 : i32
      scf.if %cond3A_541 {
        %jit3A_702 = arith.constant 8 : i32
        %div3A = arith.divsi %add3A_501, %jit3A_702 : i32
        %sign3A = arith.constant 0 : i32
        %sign3A_703 = arith.cmpi sgt, %add3A_501, %sign3A : i32
        %sign3A_704 = arith.extui %sign3A_703 : i1 to i32
        %sign3A_705 = arith.constant 0 : i32
        %sign3A_706 = arith.cmpi slt, %add3A_501, %sign3A_705 : i32
        %sign3A_707 = arith.extui %sign3A_706 : i1 to i32
        %sign3A_708 = arith.subi %sign3A_704, %sign3A_707 : i32
        %sign3A_709 = arith.constant 0 : i32
        %sign3A_710 = arith.cmpi sgt, %jit3A_702, %sign3A_709 : i32
        %sign3A_711 = arith.extui %sign3A_710 : i1 to i32
        %sign3A_712 = arith.constant 0 : i32
        %sign3A_713 = arith.cmpi slt, %jit3A_702, %sign3A_712 : i32
        %sign3A_714 = arith.extui %sign3A_713 : i1 to i32
        %sign3A_715 = arith.subi %sign3A_711, %sign3A_714 : i32
        %ne3A_716 = arith.cmpi ne, %sign3A_708, %sign3A_715 : i32
        %rem3A_717 = arith.remsi %add3A_501, %jit3A_702 : i32
        %ne3A_718 = arith.constant 0 : i32
        %ne3A_719 = arith.cmpi ne, %rem3A_717, %ne3A_718 : i32
        %and3A_720 = arith.andi %ne3A_716, %ne3A_719 : i1
        %sub3A = arith.constant 1 : i32
        %sub3A_721 = arith.subi %div3A, %sub3A : i32
        %select_n3A_722 = arith.select %and3A_720, %sub3A_721, %div3A : i32
        %mul3A_723 = vector.broadcast %scan3A_423 : f32 to vector<16xf32>
        %mul3A_724 = arith.mulf %scan3A_519#0, %mul3A_723 : vector<16xf32>
        %swap3A = arith.index_cast %select_n3A_722 : i32 to index
        %swap3A_725 = arith.constant 0 : index
        %swap3A_726 = tpu.vector_load %arg10[%swap3A, %swap3A_725] {strides = array<i32>} : memref<25x128xf32, #tpu.memory_space<vmem>>, vector<1x16xf32>,
        %swap3A_727 = vector.shape_cast %swap3A_726 : vector<1x16xf32> to vector<16xf32>
        %swap3A_728 = vector.shape_cast %mul3A_724 : vector<16xf32> to vector<1x16xf32>
        tpu.vector_store %arg10[%swap3A, %swap3A_725], %swap3A_728 {strides = array<i32>} : memref<25x128xf32, #tpu.memory_space<vmem>>, vector<1x16xf32>,
        %mul3A_729 = vector.broadcast %scan3A_423 : f32 to vector<16xf32>
        %mul3A_730 = arith.mulf %scan3A_519#1, %mul3A_729 : vector<16xf32>
        %swap3A_731 = arith.index_cast %select_n3A_722 : i32 to index
        %swap3A_732 = arith.constant 16 : index
        %swap3A_733 = tpu.vector_load %arg10[%swap3A_731, %swap3A_732] {strides = array<i32>} : memref<25x128xf32, #tpu.memory_space<vmem>>, vector<1x16xf32>,
        %swap3A_734 = vector.shape_cast %swap3A_733 : vector<1x16xf32> to vector<16xf32>
        %swap3A_735 = vector.shape_cast %mul3A_730 : vector<16xf32> to vector<1x16xf32>
        tpu.vector_store %arg10[%swap3A_731, %swap3A_732], %swap3A_735 {strides = array<i32>} : memref<25x128xf32, #tpu.memory_space<vmem>>, vector<1x16xf32>,
        %mul3A_736 = vector.broadcast %scan3A_423 : f32 to vector<16xf32>
        %mul3A_737 = arith.mulf %scan3A_519#2, %mul3A_736 : vector<16xf32>
        %swap3A_738 = arith.index_cast %select_n3A_722 : i32 to index
        %swap3A_739 = arith.constant 32 : index
        %swap3A_740 = tpu.vector_load %arg10[%swap3A_738, %swap3A_739] {strides = array<i32>} : memref<25x128xf32, #tpu.memory_space<vmem>>, vector<1x16xf32>,
        %swap3A_741 = vector.shape_cast %swap3A_740 : vector<1x16xf32> to vector<16xf32>
        %swap3A_742 = vector.shape_cast %mul3A_737 : vector<16xf32> to vector<1x16xf32>
        tpu.vector_store %arg10[%swap3A_738, %swap3A_739], %swap3A_742 {strides = array<i32>} : memref<25x128xf32, #tpu.memory_space<vmem>>, vector<1x16xf32>,
        %mul3A_743 = vector.broadcast %scan3A_423 : f32 to vector<16xf32>
        %mul3A_744 = arith.mulf %scan3A_519#3, %mul3A_743 : vector<16xf32>
        %swap3A_745 = arith.index_cast %select_n3A_722 : i32 to index
        %swap3A_746 = arith.constant 48 : index
        %swap3A_747 = tpu.vector_load %arg10[%swap3A_745, %swap3A_746] {strides = array<i32>} : memref<25x128xf32, #tpu.memory_space<vmem>>, vector<1x16xf32>,
        %swap3A_748 = vector.shape_cast %swap3A_747 : vector<1x16xf32> to vector<16xf32>
        %swap3A_749 = vector.shape_cast %mul3A_744 : vector<16xf32> to vector<1x16xf32>
        tpu.vector_store %arg10[%swap3A_745, %swap3A_746], %swap3A_749 {strides = array<i32>} : memref<25x128xf32, #tpu.memory_space<vmem>>, vector<1x16xf32>,
        %mul3A_750 = vector.broadcast %scan3A_423 : f32 to vector<16xf32>
        %mul3A_751 = arith.mulf %scan3A_519#4, %mul3A_750 : vector<16xf32>
        %swap3A_752 = arith.index_cast %select_n3A_722 : i32 to index
        %swap3A_753 = arith.constant 64 : index
        %swap3A_754 = tpu.vector_load %arg10[%swap3A_752, %swap3A_753] {strides = array<i32>} : memref<25x128xf32, #tpu.memory_space<vmem>>, vector<1x16xf32>,
        %swap3A_755 = vector.shape_cast %swap3A_754 : vector<1x16xf32> to vector<16xf32>
        %swap3A_756 = vector.shape_cast %mul3A_751 : vector<16xf32> to vector<1x16xf32>
        tpu.vector_store %arg10[%swap3A_752, %swap3A_753], %swap3A_756 {strides = array<i32>} : memref<25x128xf32, #tpu.memory_space<vmem>>, vector<1x16xf32>,
        %mul3A_757 = vector.broadcast %scan3A_423 : f32 to vector<16xf32>
        %mul3A_758 = arith.mulf %scan3A_519#5, %mul3A_757 : vector<16xf32>
        %swap3A_759 = arith.index_cast %select_n3A_722 : i32 to index
        %swap3A_760 = arith.constant 80 : index
        %swap3A_761 = tpu.vector_load %arg10[%swap3A_759, %swap3A_760] {strides = array<i32>} : memref<25x128xf32, #tpu.memory_space<vmem>>, vector<1x16xf32>,
        %swap3A_762 = vector.shape_cast %swap3A_761 : vector<1x16xf32> to vector<16xf32>
        %swap3A_763 = vector.shape_cast %mul3A_758 : vector<16xf32> to vector<1x16xf32>
        tpu.vector_store %arg10[%swap3A_759, %swap3A_760], %swap3A_763 {strides = array<i32>} : memref<25x128xf32, #tpu.memory_space<vmem>>, vector<1x16xf32>,
        %mul3A_764 = vector.broadcast %scan3A_423 : f32 to vector<16xf32>
        %mul3A_765 = arith.mulf %scan3A_519#6, %mul3A_764 : vector<16xf32>
        %swap3A_766 = arith.index_cast %select_n3A_722 : i32 to index
        %swap3A_767 = arith.constant 96 : index
        %swap3A_768 = tpu.vector_load %arg10[%swap3A_766, %swap3A_767] {strides = array<i32>} : memref<25x128xf32, #tpu.memory_space<vmem>>, vector<1x16xf32>,
        %swap3A_769 = vector.shape_cast %swap3A_768 : vector<1x16xf32> to vector<16xf32>
        %swap3A_770 = vector.shape_cast %mul3A_765 : vector<16xf32> to vector<1x16xf32>
        tpu.vector_store %arg10[%swap3A_766, %swap3A_767], %swap3A_770 {strides = array<i32>} : memref<25x128xf32, #tpu.memory_space<vmem>>, vector<1x16xf32>,
        %mul3A_771 = vector.broadcast %scan3A_423 : f32 to vector<16xf32>
        %mul3A_772 = arith.mulf %scan3A_519#7, %mul3A_771 : vector<16xf32>
        %swap3A_773 = arith.index_cast %select_n3A_722 : i32 to index
        %swap3A_774 = arith.constant 112 : index
        %swap3A_775 = tpu.vector_load %arg10[%swap3A_773, %swap3A_774] {strides = array<i32>} : memref<25x128xf32, #tpu.memory_space<vmem>>, vector<1x16xf32>,
        %swap3A_776 = vector.shape_cast %swap3A_775 : vector<1x16xf32> to vector<16xf32>
        %swap3A_777 = vector.shape_cast %mul3A_772 : vector<16xf32> to vector<1x16xf32>
        tpu.vector_store %arg10[%swap3A_773, %swap3A_774], %swap3A_777 {strides = array<i32>} : memref<25x128xf32, #tpu.memory_space<vmem>>, vector<1x16xf32>,
      } else {
      }
      %broadcast_in_dim3A_542 = arith.constant 0.000000e+00 : f32
      %broadcast_in_dim3A_543 = vector.broadcast %broadcast_in_dim3A_542 : f32 to vector<16xf32>
      %select_n3A_544 = arith.select %eq3A_538, %broadcast_in_dim3A_543, %scan3A_519#0 : vector<16xf32>
      %broadcast_in_dim3A_545 = arith.constant 0.000000e+00 : f32
      %broadcast_in_dim3A_546 = vector.broadcast %broadcast_in_dim3A_545 : f32 to vector<16xf32>
      %select_n3A_547 = arith.select %eq3A_538, %broadcast_in_dim3A_546, %scan3A_519#1 : vector<16xf32>
      %broadcast_in_dim3A_548 = arith.constant 0.000000e+00 : f32
      %broadcast_in_dim3A_549 = vector.broadcast %broadcast_in_dim3A_548 : f32 to vector<16xf32>
      %select_n3A_550 = arith.select %eq3A_538, %broadcast_in_dim3A_549, %scan3A_519#2 : vector<16xf32>
      %broadcast_in_dim3A_551 = arith.constant 0.000000e+00 : f32
      %broadcast_in_dim3A_552 = vector.broadcast %broadcast_in_dim3A_551 : f32 to vector<16xf32>
      %select_n3A_553 = arith.select %eq3A_538, %broadcast_in_dim3A_552, %scan3A_519#3 : vector<16xf32>
      %broadcast_in_dim3A_554 = arith.constant 0.000000e+00 : f32
      %broadcast_in_dim3A_555 = vector.broadcast %broadcast_in_dim3A_554 : f32 to vector<16xf32>
      %select_n3A_556 = arith.select %eq3A_538, %broadcast_in_dim3A_555, %scan3A_519#4 : vector<16xf32>
      %broadcast_in_dim3A_557 = arith.constant 0.000000e+00 : f32
      %broadcast_in_dim3A_558 = vector.broadcast %broadcast_in_dim3A_557 : f32 to vector<16xf32>
      %select_n3A_559 = arith.select %eq3A_538, %broadcast_in_dim3A_558, %scan3A_519#5 : vector<16xf32>
      %broadcast_in_dim3A_560 = arith.constant 0.000000e+00 : f32
      %broadcast_in_dim3A_561 = vector.broadcast %broadcast_in_dim3A_560 : f32 to vector<16xf32>
      %select_n3A_562 = arith.select %eq3A_538, %broadcast_in_dim3A_561, %scan3A_519#6 : vector<16xf32>
      %broadcast_in_dim3A_563 = arith.constant 0.000000e+00 : f32
      %broadcast_in_dim3A_564 = vector.broadcast %broadcast_in_dim3A_563 : f32 to vector<16xf32>
      %select_n3A_565 = arith.select %eq3A_538, %broadcast_in_dim3A_564, %scan3A_519#7 : vector<16xf32>
      %mul3A_566 = arith.constant 4 : i32
      %mul3A_567 = arith.muli %scan3A_430, %mul3A_566 : i32
      %add3A_568 = arith.constant 2 : i32
      %add3A_569 = arith.addi %mul3A_567, %add3A_568 : i32
      %dma_wait3A_570 = arith.constant 0 : i32
      %dma_wait3A_571 = arith.constant 0 : i32
      %dma_wait3A_572 = tpu.memref_slice %arg3[%dma_wait3A_570, %dma_wait3A_571] : memref<100000x128xf32, #tpu.memory_space<hbm>> -> memref<128x128xf32, #tpu.memory_space<hbm>>
      %dma_wait3A_573 = arith.constant 0 : i32
      %dma_wait3A_574 = arith.constant 0 : i32
      %dma_wait3A_575 = tpu.memref_slice %arg3[%dma_wait3A_573, %dma_wait3A_574] : memref<100000x128xf32, #tpu.memory_space<hbm>> -> memref<128x128xf32, #tpu.memory_space<hbm>>
      tpu.wait_dma2 semaphore(%arg14 : memref<!tpu.dma_semaphore, #tpu.memory_space<semaphore_mem>>) src(%dma_wait3A_575 : memref<128x128xf32, #tpu.memory_space<hbm>>) dst(%arg8 : memref<128x128xf32, #tpu.memory_space<vmem>>)
      %add3A_576 = arith.constant 4 : i32
      %add3A_577 = arith.addi %add3A_569, %add3A_576 : i32
      %lt3A_578 = arith.constant 200 : i32
      %lt3A_579 = arith.cmpi slt, %add3A_577, %lt3A_578 : i32
      %convert_element_type3A_580 = arith.extui %lt3A_579 : i1 to i32
      %cond3A_581 = arith.constant 0 : i32
      %cond3A_582 = arith.cmpi ne, %convert_element_type3A_580, %cond3A_581 : i32
      scf.if %cond3A_582 {
        %add3A_702 = arith.constant 4 : i32
        %add3A_703 = arith.addi %add3A_569, %add3A_702 : i32
        %dma_start3A_704 = arith.constant 0 : i32
        %dma_start3A_705 = tpu.memref_slice %arg5[%add3A_703, %dma_start3A_704] : memref<200x128xi32, #tpu.memory_space<vmem>> -> memref<1x128xi32, #tpu.memory_space<vmem>>
        %dma_start3A_706 = tpu.memref_squeeze %dma_start3A_705 : memref<1x128xi32, #tpu.memory_space<vmem>> -> memref<128xi32, #tpu.memory_space<vmem>>
        %dma_start3A_707 = arith.constant 0 : i32
        %dma_start3A_708 = arith.constant 0 : i32
        %dma_start3A_709 = tpu.memref_slice %arg3[%dma_start3A_707, %dma_start3A_708] : memref<100000x128xf32, #tpu.memory_space<hbm>> -> memref<100000x128xf32, #tpu.memory_space<hbm>>
        tpu.enqueue_indirect_dma source(%dma_start3A_709 : memref<100000x128xf32, #tpu.memory_space<hbm>>) target(%arg8 : memref<128x128xf32, #tpu.memory_space<vmem>>) offsets(%dma_start3A_706 : memref<128xi32, #tpu.memory_space<vmem>>) semaphore(%arg14 : memref<!tpu.dma_semaphore, #tpu.memory_space<semaphore_mem>>)
      } else {
      }
      %scan3A_583 = arith.constant 0 : i32
      %scan3A_584 = arith.constant 16 : i32
      %scan3A_585 = arith.addi %scan3A_583, %scan3A_584 : i32
      %scan3A_586 = arith.constant 1 : i32
      %scan3A_587:8 = scf.for %scan3A_702 = %scan3A_583 to %scan3A_585 step %scan3A_586 iter_args(%scan3A_703 = %select_n3A_544, %scan3A_704 = %select_n3A_547, %scan3A_705 = %select_n3A_550, %scan3A_706 = %select_n3A_553, %scan3A_707 = %select_n3A_556, %scan3A_708 = %select_n3A_559, %scan3A_709 = %select_n3A_562, %scan3A_710 = %select_n3A_565) -> (vector<16xf32>, vector<16xf32>, vector<16xf32>, vector<16xf32>, vector<16xf32>, vector<16xf32>, vector<16xf32>, vector<16xf32>)  : i32 {
        %mul3A_711 = arith.constant 8 : i32
        %mul3A_712 = arith.muli %scan3A_702, %mul3A_711 : i32
        %add3A_713 = arith.constant 0 : i32
        %add3A_714 = arith.addi %mul3A_712, %add3A_713 : i32
        %get3A = arith.index_cast %add3A_714 : i32 to index
        %get3A_715 = arith.constant 0 : index
        %get3A_716 = tpu.vector_load %arg8[%get3A, %get3A_715] {strides = array<i32>} : memref<128x128xf32, #tpu.memory_space<vmem>>, vector<1x16xf32>,
        %get3A_717 = vector.shape_cast %get3A_716 : vector<1x16xf32> to vector<16xf32>
        %add3A_718 = arith.addf %scan3A_703, %get3A_717 : vector<16xf32>
        %get3A_719 = arith.index_cast %add3A_714 : i32 to index
        %get3A_720 = arith.constant 16 : index
        %get3A_721 = tpu.vector_load %arg8[%get3A_719, %get3A_720] {strides = array<i32>} : memref<128x128xf32, #tpu.memory_space<vmem>>, vector<1x16xf32>,
        %get3A_722 = vector.shape_cast %get3A_721 : vector<1x16xf32> to vector<16xf32>
        %add3A_723 = arith.addf %scan3A_704, %get3A_722 : vector<16xf32>
        %get3A_724 = arith.index_cast %add3A_714 : i32 to index
        %get3A_725 = arith.constant 32 : index
        %get3A_726 = tpu.vector_load %arg8[%get3A_724, %get3A_725] {strides = array<i32>} : memref<128x128xf32, #tpu.memory_space<vmem>>, vector<1x16xf32>,
        %get3A_727 = vector.shape_cast %get3A_726 : vector<1x16xf32> to vector<16xf32>
        %add3A_728 = arith.addf %scan3A_705, %get3A_727 : vector<16xf32>
        %get3A_729 = arith.index_cast %add3A_714 : i32 to index
        %get3A_730 = arith.constant 48 : index
        %get3A_731 = tpu.vector_load %arg8[%get3A_729, %get3A_730] {strides = array<i32>} : memref<128x128xf32, #tpu.memory_space<vmem>>, vector<1x16xf32>,
        %get3A_732 = vector.shape_cast %get3A_731 : vector<1x16xf32> to vector<16xf32>
        %add3A_733 = arith.addf %scan3A_706, %get3A_732 : vector<16xf32>
        %get3A_734 = arith.index_cast %add3A_714 : i32 to index
        %get3A_735 = arith.constant 64 : index
        %get3A_736 = tpu.vector_load %arg8[%get3A_734, %get3A_735] {strides = array<i32>} : memref<128x128xf32, #tpu.memory_space<vmem>>, vector<1x16xf32>,
        %get3A_737 = vector.shape_cast %get3A_736 : vector<1x16xf32> to vector<16xf32>
        %add3A_738 = arith.addf %scan3A_707, %get3A_737 : vector<16xf32>
        %get3A_739 = arith.index_cast %add3A_714 : i32 to index
        %get3A_740 = arith.constant 80 : index
        %get3A_741 = tpu.vector_load %arg8[%get3A_739, %get3A_740] {strides = array<i32>} : memref<128x128xf32, #tpu.memory_space<vmem>>, vector<1x16xf32>,
        %get3A_742 = vector.shape_cast %get3A_741 : vector<1x16xf32> to vector<16xf32>
        %add3A_743 = arith.addf %scan3A_708, %get3A_742 : vector<16xf32>
        %get3A_744 = arith.index_cast %add3A_714 : i32 to index
        %get3A_745 = arith.constant 96 : index
        %get3A_746 = tpu.vector_load %arg8[%get3A_744, %get3A_745] {strides = array<i32>} : memref<128x128xf32, #tpu.memory_space<vmem>>, vector<1x16xf32>,
        %get3A_747 = vector.shape_cast %get3A_746 : vector<1x16xf32> to vector<16xf32>
        %add3A_748 = arith.addf %scan3A_709, %get3A_747 : vector<16xf32>
        %get3A_749 = arith.index_cast %add3A_714 : i32 to index
        %get3A_750 = arith.constant 112 : index
        %get3A_751 = tpu.vector_load %arg8[%get3A_749, %get3A_750] {strides = array<i32>} : memref<128x128xf32, #tpu.memory_space<vmem>>, vector<1x16xf32>,
        %get3A_752 = vector.shape_cast %get3A_751 : vector<1x16xf32> to vector<16xf32>
        %add3A_753 = arith.addf %scan3A_710, %get3A_752 : vector<16xf32>
        %mul3A_754 = arith.constant 8 : i32
        %mul3A_755 = arith.muli %scan3A_702, %mul3A_754 : i32
        %add3A_756 = arith.constant 1 : i32
        %add3A_757 = arith.addi %mul3A_755, %add3A_756 : i32
        %get3A_758 = arith.index_cast %add3A_757 : i32 to index
        %get3A_759 = arith.constant 0 : index
        %get3A_760 = tpu.vector_load %arg8[%get3A_758, %get3A_759] {strides = array<i32>} : memref<128x128xf32, #tpu.memory_space<vmem>>, vector<1x16xf32>,
        %get3A_761 = vector.shape_cast %get3A_760 : vector<1x16xf32> to vector<16xf32>
        %add3A_762 = arith.addf %add3A_718, %get3A_761 : vector<16xf32>
        %get3A_763 = arith.index_cast %add3A_757 : i32 to index
        %get3A_764 = arith.constant 16 : index
        %get3A_765 = tpu.vector_load %arg8[%get3A_763, %get3A_764] {strides = array<i32>} : memref<128x128xf32, #tpu.memory_space<vmem>>, vector<1x16xf32>,
        %get3A_766 = vector.shape_cast %get3A_765 : vector<1x16xf32> to vector<16xf32>
        %add3A_767 = arith.addf %add3A_723, %get3A_766 : vector<16xf32>
        %get3A_768 = arith.index_cast %add3A_757 : i32 to index
        %get3A_769 = arith.constant 32 : index
        %get3A_770 = tpu.vector_load %arg8[%get3A_768, %get3A_769] {strides = array<i32>} : memref<128x128xf32, #tpu.memory_space<vmem>>, vector<1x16xf32>,
        %get3A_771 = vector.shape_cast %get3A_770 : vector<1x16xf32> to vector<16xf32>
        %add3A_772 = arith.addf %add3A_728, %get3A_771 : vector<16xf32>
        %get3A_773 = arith.index_cast %add3A_757 : i32 to index
        %get3A_774 = arith.constant 48 : index
        %get3A_775 = tpu.vector_load %arg8[%get3A_773, %get3A_774] {strides = array<i32>} : memref<128x128xf32, #tpu.memory_space<vmem>>, vector<1x16xf32>,
        %get3A_776 = vector.shape_cast %get3A_775 : vector<1x16xf32> to vector<16xf32>
        %add3A_777 = arith.addf %add3A_733, %get3A_776 : vector<16xf32>
        %get3A_778 = arith.index_cast %add3A_757 : i32 to index
        %get3A_779 = arith.constant 64 : index
        %get3A_780 = tpu.vector_load %arg8[%get3A_778, %get3A_779] {strides = array<i32>} : memref<128x128xf32, #tpu.memory_space<vmem>>, vector<1x16xf32>,
        %get3A_781 = vector.shape_cast %get3A_780 : vector<1x16xf32> to vector<16xf32>
        %add3A_782 = arith.addf %add3A_738, %get3A_781 : vector<16xf32>
        %get3A_783 = arith.index_cast %add3A_757 : i32 to index
        %get3A_784 = arith.constant 80 : index
        %get3A_785 = tpu.vector_load %arg8[%get3A_783, %get3A_784] {strides = array<i32>} : memref<128x128xf32, #tpu.memory_space<vmem>>, vector<1x16xf32>,
        %get3A_786 = vector.shape_cast %get3A_785 : vector<1x16xf32> to vector<16xf32>
        %add3A_787 = arith.addf %add3A_743, %get3A_786 : vector<16xf32>
        %get3A_788 = arith.index_cast %add3A_757 : i32 to index
        %get3A_789 = arith.constant 96 : index
        %get3A_790 = tpu.vector_load %arg8[%get3A_788, %get3A_789] {strides = array<i32>} : memref<128x128xf32, #tpu.memory_space<vmem>>, vector<1x16xf32>,
        %get3A_791 = vector.shape_cast %get3A_790 : vector<1x16xf32> to vector<16xf32>
        %add3A_792 = arith.addf %add3A_748, %get3A_791 : vector<16xf32>
        %get3A_793 = arith.index_cast %add3A_757 : i32 to index
        %get3A_794 = arith.constant 112 : index
        %get3A_795 = tpu.vector_load %arg8[%get3A_793, %get3A_794] {strides = array<i32>} : memref<128x128xf32, #tpu.memory_space<vmem>>, vector<1x16xf32>,
        %get3A_796 = vector.shape_cast %get3A_795 : vector<1x16xf32> to vector<16xf32>
        %add3A_797 = arith.addf %add3A_753, %get3A_796 : vector<16xf32>
        %mul3A_798 = arith.constant 8 : i32
        %mul3A_799 = arith.muli %scan3A_702, %mul3A_798 : i32
        %add3A_800 = arith.constant 2 : i32
        %add3A_801 = arith.addi %mul3A_799, %add3A_800 : i32
        %get3A_802 = arith.index_cast %add3A_801 : i32 to index
        %get3A_803 = arith.constant 0 : index
        %get3A_804 = tpu.vector_load %arg8[%get3A_802, %get3A_803] {strides = array<i32>} : memref<128x128xf32, #tpu.memory_space<vmem>>, vector<1x16xf32>,
        %get3A_805 = vector.shape_cast %get3A_804 : vector<1x16xf32> to vector<16xf32>
        %add3A_806 = arith.addf %add3A_762, %get3A_805 : vector<16xf32>
        %get3A_807 = arith.index_cast %add3A_801 : i32 to index
        %get3A_808 = arith.constant 16 : index
        %get3A_809 = tpu.vector_load %arg8[%get3A_807, %get3A_808] {strides = array<i32>} : memref<128x128xf32, #tpu.memory_space<vmem>>, vector<1x16xf32>,
        %get3A_810 = vector.shape_cast %get3A_809 : vector<1x16xf32> to vector<16xf32>
        %add3A_811 = arith.addf %add3A_767, %get3A_810 : vector<16xf32>
        %get3A_812 = arith.index_cast %add3A_801 : i32 to index
        %get3A_813 = arith.constant 32 : index
        %get3A_814 = tpu.vector_load %arg8[%get3A_812, %get3A_813] {strides = array<i32>} : memref<128x128xf32, #tpu.memory_space<vmem>>, vector<1x16xf32>,
        %get3A_815 = vector.shape_cast %get3A_814 : vector<1x16xf32> to vector<16xf32>
        %add3A_816 = arith.addf %add3A_772, %get3A_815 : vector<16xf32>
        %get3A_817 = arith.index_cast %add3A_801 : i32 to index
        %get3A_818 = arith.constant 48 : index
        %get3A_819 = tpu.vector_load %arg8[%get3A_817, %get3A_818] {strides = array<i32>} : memref<128x128xf32, #tpu.memory_space<vmem>>, vector<1x16xf32>,
        %get3A_820 = vector.shape_cast %get3A_819 : vector<1x16xf32> to vector<16xf32>
        %add3A_821 = arith.addf %add3A_777, %get3A_820 : vector<16xf32>
        %get3A_822 = arith.index_cast %add3A_801 : i32 to index
        %get3A_823 = arith.constant 64 : index
        %get3A_824 = tpu.vector_load %arg8[%get3A_822, %get3A_823] {strides = array<i32>} : memref<128x128xf32, #tpu.memory_space<vmem>>, vector<1x16xf32>,
        %get3A_825 = vector.shape_cast %get3A_824 : vector<1x16xf32> to vector<16xf32>
        %add3A_826 = arith.addf %add3A_782, %get3A_825 : vector<16xf32>
        %get3A_827 = arith.index_cast %add3A_801 : i32 to index
        %get3A_828 = arith.constant 80 : index
        %get3A_829 = tpu.vector_load %arg8[%get3A_827, %get3A_828] {strides = array<i32>} : memref<128x128xf32, #tpu.memory_space<vmem>>, vector<1x16xf32>,
        %get3A_830 = vector.shape_cast %get3A_829 : vector<1x16xf32> to vector<16xf32>
        %add3A_831 = arith.addf %add3A_787, %get3A_830 : vector<16xf32>
        %get3A_832 = arith.index_cast %add3A_801 : i32 to index
        %get3A_833 = arith.constant 96 : index
        %get3A_834 = tpu.vector_load %arg8[%get3A_832, %get3A_833] {strides = array<i32>} : memref<128x128xf32, #tpu.memory_space<vmem>>, vector<1x16xf32>,
        %get3A_835 = vector.shape_cast %get3A_834 : vector<1x16xf32> to vector<16xf32>
        %add3A_836 = arith.addf %add3A_792, %get3A_835 : vector<16xf32>
        %get3A_837 = arith.index_cast %add3A_801 : i32 to index
        %get3A_838 = arith.constant 112 : index
        %get3A_839 = tpu.vector_load %arg8[%get3A_837, %get3A_838] {strides = array<i32>} : memref<128x128xf32, #tpu.memory_space<vmem>>, vector<1x16xf32>,
        %get3A_840 = vector.shape_cast %get3A_839 : vector<1x16xf32> to vector<16xf32>
        %add3A_841 = arith.addf %add3A_797, %get3A_840 : vector<16xf32>
        %mul3A_842 = arith.constant 8 : i32
        %mul3A_843 = arith.muli %scan3A_702, %mul3A_842 : i32
        %add3A_844 = arith.constant 3 : i32
        %add3A_845 = arith.addi %mul3A_843, %add3A_844 : i32
        %get3A_846 = arith.index_cast %add3A_845 : i32 to index
        %get3A_847 = arith.constant 0 : index
        %get3A_848 = tpu.vector_load %arg8[%get3A_846, %get3A_847] {strides = array<i32>} : memref<128x128xf32, #tpu.memory_space<vmem>>, vector<1x16xf32>,
        %get3A_849 = vector.shape_cast %get3A_848 : vector<1x16xf32> to vector<16xf32>
        %add3A_850 = arith.addf %add3A_806, %get3A_849 : vector<16xf32>
        %get3A_851 = arith.index_cast %add3A_845 : i32 to index
        %get3A_852 = arith.constant 16 : index
        %get3A_853 = tpu.vector_load %arg8[%get3A_851, %get3A_852] {strides = array<i32>} : memref<128x128xf32, #tpu.memory_space<vmem>>, vector<1x16xf32>,
        %get3A_854 = vector.shape_cast %get3A_853 : vector<1x16xf32> to vector<16xf32>
        %add3A_855 = arith.addf %add3A_811, %get3A_854 : vector<16xf32>
        %get3A_856 = arith.index_cast %add3A_845 : i32 to index
        %get3A_857 = arith.constant 32 : index
        %get3A_858 = tpu.vector_load %arg8[%get3A_856, %get3A_857] {strides = array<i32>} : memref<128x128xf32, #tpu.memory_space<vmem>>, vector<1x16xf32>,
        %get3A_859 = vector.shape_cast %get3A_858 : vector<1x16xf32> to vector<16xf32>
        %add3A_860 = arith.addf %add3A_816, %get3A_859 : vector<16xf32>
        %get3A_861 = arith.index_cast %add3A_845 : i32 to index
        %get3A_862 = arith.constant 48 : index
        %get3A_863 = tpu.vector_load %arg8[%get3A_861, %get3A_862] {strides = array<i32>} : memref<128x128xf32, #tpu.memory_space<vmem>>, vector<1x16xf32>,
        %get3A_864 = vector.shape_cast %get3A_863 : vector<1x16xf32> to vector<16xf32>
        %add3A_865 = arith.addf %add3A_821, %get3A_864 : vector<16xf32>
        %get3A_866 = arith.index_cast %add3A_845 : i32 to index
        %get3A_867 = arith.constant 64 : index
        %get3A_868 = tpu.vector_load %arg8[%get3A_866, %get3A_867] {strides = array<i32>} : memref<128x128xf32, #tpu.memory_space<vmem>>, vector<1x16xf32>,
        %get3A_869 = vector.shape_cast %get3A_868 : vector<1x16xf32> to vector<16xf32>
        %add3A_870 = arith.addf %add3A_826, %get3A_869 : vector<16xf32>
        %get3A_871 = arith.index_cast %add3A_845 : i32 to index
        %get3A_872 = arith.constant 80 : index
        %get3A_873 = tpu.vector_load %arg8[%get3A_871, %get3A_872] {strides = array<i32>} : memref<128x128xf32, #tpu.memory_space<vmem>>, vector<1x16xf32>,
        %get3A_874 = vector.shape_cast %get3A_873 : vector<1x16xf32> to vector<16xf32>
        %add3A_875 = arith.addf %add3A_831, %get3A_874 : vector<16xf32>
        %get3A_876 = arith.index_cast %add3A_845 : i32 to index
        %get3A_877 = arith.constant 96 : index
        %get3A_878 = tpu.vector_load %arg8[%get3A_876, %get3A_877] {strides = array<i32>} : memref<128x128xf32, #tpu.memory_space<vmem>>, vector<1x16xf32>,
        %get3A_879 = vector.shape_cast %get3A_878 : vector<1x16xf32> to vector<16xf32>
        %add3A_880 = arith.addf %add3A_836, %get3A_879 : vector<16xf32>
        %get3A_881 = arith.index_cast %add3A_845 : i32 to index
        %get3A_882 = arith.constant 112 : index
        %get3A_883 = tpu.vector_load %arg8[%get3A_881, %get3A_882] {strides = array<i32>} : memref<128x128xf32, #tpu.memory_space<vmem>>, vector<1x16xf32>,
        %get3A_884 = vector.shape_cast %get3A_883 : vector<1x16xf32> to vector<16xf32>
        %add3A_885 = arith.addf %add3A_841, %get3A_884 : vector<16xf32>
        %mul3A_886 = arith.constant 8 : i32
        %mul3A_887 = arith.muli %scan3A_702, %mul3A_886 : i32
        %add3A_888 = arith.constant 4 : i32
        %add3A_889 = arith.addi %mul3A_887, %add3A_888 : i32
        %get3A_890 = arith.index_cast %add3A_889 : i32 to index
        %get3A_891 = arith.constant 0 : index
        %get3A_892 = tpu.vector_load %arg8[%get3A_890, %get3A_891] {strides = array<i32>} : memref<128x128xf32, #tpu.memory_space<vmem>>, vector<1x16xf32>,
        %get3A_893 = vector.shape_cast %get3A_892 : vector<1x16xf32> to vector<16xf32>
        %add3A_894 = arith.addf %add3A_850, %get3A_893 : vector<16xf32>
        %get3A_895 = arith.index_cast %add3A_889 : i32 to index
        %get3A_896 = arith.constant 16 : index
        %get3A_897 = tpu.vector_load %arg8[%get3A_895, %get3A_896] {strides = array<i32>} : memref<128x128xf32, #tpu.memory_space<vmem>>, vector<1x16xf32>,
        %get3A_898 = vector.shape_cast %get3A_897 : vector<1x16xf32> to vector<16xf32>
        %add3A_899 = arith.addf %add3A_855, %get3A_898 : vector<16xf32>
        %get3A_900 = arith.index_cast %add3A_889 : i32 to index
        %get3A_901 = arith.constant 32 : index
        %get3A_902 = tpu.vector_load %arg8[%get3A_900, %get3A_901] {strides = array<i32>} : memref<128x128xf32, #tpu.memory_space<vmem>>, vector<1x16xf32>,
        %get3A_903 = vector.shape_cast %get3A_902 : vector<1x16xf32> to vector<16xf32>
        %add3A_904 = arith.addf %add3A_860, %get3A_903 : vector<16xf32>
        %get3A_905 = arith.index_cast %add3A_889 : i32 to index
        %get3A_906 = arith.constant 48 : index
        %get3A_907 = tpu.vector_load %arg8[%get3A_905, %get3A_906] {strides = array<i32>} : memref<128x128xf32, #tpu.memory_space<vmem>>, vector<1x16xf32>,
        %get3A_908 = vector.shape_cast %get3A_907 : vector<1x16xf32> to vector<16xf32>
        %add3A_909 = arith.addf %add3A_865, %get3A_908 : vector<16xf32>
        %get3A_910 = arith.index_cast %add3A_889 : i32 to index
        %get3A_911 = arith.constant 64 : index
        %get3A_912 = tpu.vector_load %arg8[%get3A_910, %get3A_911] {strides = array<i32>} : memref<128x128xf32, #tpu.memory_space<vmem>>, vector<1x16xf32>,
        %get3A_913 = vector.shape_cast %get3A_912 : vector<1x16xf32> to vector<16xf32>
        %add3A_914 = arith.addf %add3A_870, %get3A_913 : vector<16xf32>
        %get3A_915 = arith.index_cast %add3A_889 : i32 to index
        %get3A_916 = arith.constant 80 : index
        %get3A_917 = tpu.vector_load %arg8[%get3A_915, %get3A_916] {strides = array<i32>} : memref<128x128xf32, #tpu.memory_space<vmem>>, vector<1x16xf32>,
        %get3A_918 = vector.shape_cast %get3A_917 : vector<1x16xf32> to vector<16xf32>
        %add3A_919 = arith.addf %add3A_875, %get3A_918 : vector<16xf32>
        %get3A_920 = arith.index_cast %add3A_889 : i32 to index
        %get3A_921 = arith.constant 96 : index
        %get3A_922 = tpu.vector_load %arg8[%get3A_920, %get3A_921] {strides = array<i32>} : memref<128x128xf32, #tpu.memory_space<vmem>>, vector<1x16xf32>,
        %get3A_923 = vector.shape_cast %get3A_922 : vector<1x16xf32> to vector<16xf32>
        %add3A_924 = arith.addf %add3A_880, %get3A_923 : vector<16xf32>
        %get3A_925 = arith.index_cast %add3A_889 : i32 to index
        %get3A_926 = arith.constant 112 : index
        %get3A_927 = tpu.vector_load %arg8[%get3A_925, %get3A_926] {strides = array<i32>} : memref<128x128xf32, #tpu.memory_space<vmem>>, vector<1x16xf32>,
        %get3A_928 = vector.shape_cast %get3A_927 : vector<1x16xf32> to vector<16xf32>
        %add3A_929 = arith.addf %add3A_885, %get3A_928 : vector<16xf32>
        %mul3A_930 = arith.constant 8 : i32
        %mul3A_931 = arith.muli %scan3A_702, %mul3A_930 : i32
        %add3A_932 = arith.constant 5 : i32
        %add3A_933 = arith.addi %mul3A_931, %add3A_932 : i32
        %get3A_934 = arith.index_cast %add3A_933 : i32 to index
        %get3A_935 = arith.constant 0 : index
        %get3A_936 = tpu.vector_load %arg8[%get3A_934, %get3A_935] {strides = array<i32>} : memref<128x128xf32, #tpu.memory_space<vmem>>, vector<1x16xf32>,
        %get3A_937 = vector.shape_cast %get3A_936 : vector<1x16xf32> to vector<16xf32>
        %add3A_938 = arith.addf %add3A_894, %get3A_937 : vector<16xf32>
        %get3A_939 = arith.index_cast %add3A_933 : i32 to index
        %get3A_940 = arith.constant 16 : index
        %get3A_941 = tpu.vector_load %arg8[%get3A_939, %get3A_940] {strides = array<i32>} : memref<128x128xf32, #tpu.memory_space<vmem>>, vector<1x16xf32>,
        %get3A_942 = vector.shape_cast %get3A_941 : vector<1x16xf32> to vector<16xf32>
        %add3A_943 = arith.addf %add3A_899, %get3A_942 : vector<16xf32>
        %get3A_944 = arith.index_cast %add3A_933 : i32 to index
        %get3A_945 = arith.constant 32 : index
        %get3A_946 = tpu.vector_load %arg8[%get3A_944, %get3A_945] {strides = array<i32>} : memref<128x128xf32, #tpu.memory_space<vmem>>, vector<1x16xf32>,
        %get3A_947 = vector.shape_cast %get3A_946 : vector<1x16xf32> to vector<16xf32>
        %add3A_948 = arith.addf %add3A_904, %get3A_947 : vector<16xf32>
        %get3A_949 = arith.index_cast %add3A_933 : i32 to index
        %get3A_950 = arith.constant 48 : index
        %get3A_951 = tpu.vector_load %arg8[%get3A_949, %get3A_950] {strides = array<i32>} : memref<128x128xf32, #tpu.memory_space<vmem>>, vector<1x16xf32>,
        %get3A_952 = vector.shape_cast %get3A_951 : vector<1x16xf32> to vector<16xf32>
        %add3A_953 = arith.addf %add3A_909, %get3A_952 : vector<16xf32>
        %get3A_954 = arith.index_cast %add3A_933 : i32 to index
        %get3A_955 = arith.constant 64 : index
        %get3A_956 = tpu.vector_load %arg8[%get3A_954, %get3A_955] {strides = array<i32>} : memref<128x128xf32, #tpu.memory_space<vmem>>, vector<1x16xf32>,
        %get3A_957 = vector.shape_cast %get3A_956 : vector<1x16xf32> to vector<16xf32>
        %add3A_958 = arith.addf %add3A_914, %get3A_957 : vector<16xf32>
        %get3A_959 = arith.index_cast %add3A_933 : i32 to index
        %get3A_960 = arith.constant 80 : index
        %get3A_961 = tpu.vector_load %arg8[%get3A_959, %get3A_960] {strides = array<i32>} : memref<128x128xf32, #tpu.memory_space<vmem>>, vector<1x16xf32>,
        %get3A_962 = vector.shape_cast %get3A_961 : vector<1x16xf32> to vector<16xf32>
        %add3A_963 = arith.addf %add3A_919, %get3A_962 : vector<16xf32>
        %get3A_964 = arith.index_cast %add3A_933 : i32 to index
        %get3A_965 = arith.constant 96 : index
        %get3A_966 = tpu.vector_load %arg8[%get3A_964, %get3A_965] {strides = array<i32>} : memref<128x128xf32, #tpu.memory_space<vmem>>, vector<1x16xf32>,
        %get3A_967 = vector.shape_cast %get3A_966 : vector<1x16xf32> to vector<16xf32>
        %add3A_968 = arith.addf %add3A_924, %get3A_967 : vector<16xf32>
        %get3A_969 = arith.index_cast %add3A_933 : i32 to index
        %get3A_970 = arith.constant 112 : index
        %get3A_971 = tpu.vector_load %arg8[%get3A_969, %get3A_970] {strides = array<i32>} : memref<128x128xf32, #tpu.memory_space<vmem>>, vector<1x16xf32>,
        %get3A_972 = vector.shape_cast %get3A_971 : vector<1x16xf32> to vector<16xf32>
        %add3A_973 = arith.addf %add3A_929, %get3A_972 : vector<16xf32>
        %mul3A_974 = arith.constant 8 : i32
        %mul3A_975 = arith.muli %scan3A_702, %mul3A_974 : i32
        %add3A_976 = arith.constant 6 : i32
        %add3A_977 = arith.addi %mul3A_975, %add3A_976 : i32
        %get3A_978 = arith.index_cast %add3A_977 : i32 to index
        %get3A_979 = arith.constant 0 : index
        %get3A_980 = tpu.vector_load %arg8[%get3A_978, %get3A_979] {strides = array<i32>} : memref<128x128xf32, #tpu.memory_space<vmem>>, vector<1x16xf32>,
        %get3A_981 = vector.shape_cast %get3A_980 : vector<1x16xf32> to vector<16xf32>
        %add3A_982 = arith.addf %add3A_938, %get3A_981 : vector<16xf32>
        %get3A_983 = arith.index_cast %add3A_977 : i32 to index
        %get3A_984 = arith.constant 16 : index
        %get3A_985 = tpu.vector_load %arg8[%get3A_983, %get3A_984] {strides = array<i32>} : memref<128x128xf32, #tpu.memory_space<vmem>>, vector<1x16xf32>,
        %get3A_986 = vector.shape_cast %get3A_985 : vector<1x16xf32> to vector<16xf32>
        %add3A_987 = arith.addf %add3A_943, %get3A_986 : vector<16xf32>
        %get3A_988 = arith.index_cast %add3A_977 : i32 to index
        %get3A_989 = arith.constant 32 : index
        %get3A_990 = tpu.vector_load %arg8[%get3A_988, %get3A_989] {strides = array<i32>} : memref<128x128xf32, #tpu.memory_space<vmem>>, vector<1x16xf32>,
        %get3A_991 = vector.shape_cast %get3A_990 : vector<1x16xf32> to vector<16xf32>
        %add3A_992 = arith.addf %add3A_948, %get3A_991 : vector<16xf32>
        %get3A_993 = arith.index_cast %add3A_977 : i32 to index
        %get3A_994 = arith.constant 48 : index
        %get3A_995 = tpu.vector_load %arg8[%get3A_993, %get3A_994] {strides = array<i32>} : memref<128x128xf32, #tpu.memory_space<vmem>>, vector<1x16xf32>,
        %get3A_996 = vector.shape_cast %get3A_995 : vector<1x16xf32> to vector<16xf32>
        %add3A_997 = arith.addf %add3A_953, %get3A_996 : vector<16xf32>
        %get3A_998 = arith.index_cast %add3A_977 : i32 to index
        %get3A_999 = arith.constant 64 : index
        %get3A_1000 = tpu.vector_load %arg8[%get3A_998, %get3A_999] {strides = array<i32>} : memref<128x128xf32, #tpu.memory_space<vmem>>, vector<1x16xf32>,
        %get3A_1001 = vector.shape_cast %get3A_1000 : vector<1x16xf32> to vector<16xf32>
        %add3A_1002 = arith.addf %add3A_958, %get3A_1001 : vector<16xf32>
        %get3A_1003 = arith.index_cast %add3A_977 : i32 to index
        %get3A_1004 = arith.constant 80 : index
        %get3A_1005 = tpu.vector_load %arg8[%get3A_1003, %get3A_1004] {strides = array<i32>} : memref<128x128xf32, #tpu.memory_space<vmem>>, vector<1x16xf32>,
        %get3A_1006 = vector.shape_cast %get3A_1005 : vector<1x16xf32> to vector<16xf32>
        %add3A_1007 = arith.addf %add3A_963, %get3A_1006 : vector<16xf32>
        %get3A_1008 = arith.index_cast %add3A_977 : i32 to index
        %get3A_1009 = arith.constant 96 : index
        %get3A_1010 = tpu.vector_load %arg8[%get3A_1008, %get3A_1009] {strides = array<i32>} : memref<128x128xf32, #tpu.memory_space<vmem>>, vector<1x16xf32>,
        %get3A_1011 = vector.shape_cast %get3A_1010 : vector<1x16xf32> to vector<16xf32>
        %add3A_1012 = arith.addf %add3A_968, %get3A_1011 : vector<16xf32>
        %get3A_1013 = arith.index_cast %add3A_977 : i32 to index
        %get3A_1014 = arith.constant 112 : index
        %get3A_1015 = tpu.vector_load %arg8[%get3A_1013, %get3A_1014] {strides = array<i32>} : memref<128x128xf32, #tpu.memory_space<vmem>>, vector<1x16xf32>,
        %get3A_1016 = vector.shape_cast %get3A_1015 : vector<1x16xf32> to vector<16xf32>
        %add3A_1017 = arith.addf %add3A_973, %get3A_1016 : vector<16xf32>
        %mul3A_1018 = arith.constant 8 : i32
        %mul3A_1019 = arith.muli %scan3A_702, %mul3A_1018 : i32
        %add3A_1020 = arith.constant 7 : i32
        %add3A_1021 = arith.addi %mul3A_1019, %add3A_1020 : i32
        %get3A_1022 = arith.index_cast %add3A_1021 : i32 to index
        %get3A_1023 = arith.constant 0 : index
        %get3A_1024 = tpu.vector_load %arg8[%get3A_1022, %get3A_1023] {strides = array<i32>} : memref<128x128xf32, #tpu.memory_space<vmem>>, vector<1x16xf32>,
        %get3A_1025 = vector.shape_cast %get3A_1024 : vector<1x16xf32> to vector<16xf32>
        %add3A_1026 = arith.addf %add3A_982, %get3A_1025 : vector<16xf32>
        %get3A_1027 = arith.index_cast %add3A_1021 : i32 to index
        %get3A_1028 = arith.constant 16 : index
        %get3A_1029 = tpu.vector_load %arg8[%get3A_1027, %get3A_1028] {strides = array<i32>} : memref<128x128xf32, #tpu.memory_space<vmem>>, vector<1x16xf32>,
        %get3A_1030 = vector.shape_cast %get3A_1029 : vector<1x16xf32> to vector<16xf32>
        %add3A_1031 = arith.addf %add3A_987, %get3A_1030 : vector<16xf32>
        %get3A_1032 = arith.index_cast %add3A_1021 : i32 to index
        %get3A_1033 = arith.constant 32 : index
        %get3A_1034 = tpu.vector_load %arg8[%get3A_1032, %get3A_1033] {strides = array<i32>} : memref<128x128xf32, #tpu.memory_space<vmem>>, vector<1x16xf32>,
        %get3A_1035 = vector.shape_cast %get3A_1034 : vector<1x16xf32> to vector<16xf32>
        %add3A_1036 = arith.addf %add3A_992, %get3A_1035 : vector<16xf32>
        %get3A_1037 = arith.index_cast %add3A_1021 : i32 to index
        %get3A_1038 = arith.constant 48 : index
        %get3A_1039 = tpu.vector_load %arg8[%get3A_1037, %get3A_1038] {strides = array<i32>} : memref<128x128xf32, #tpu.memory_space<vmem>>, vector<1x16xf32>,
        %get3A_1040 = vector.shape_cast %get3A_1039 : vector<1x16xf32> to vector<16xf32>
        %add3A_1041 = arith.addf %add3A_997, %get3A_1040 : vector<16xf32>
        %get3A_1042 = arith.index_cast %add3A_1021 : i32 to index
        %get3A_1043 = arith.constant 64 : index
        %get3A_1044 = tpu.vector_load %arg8[%get3A_1042, %get3A_1043] {strides = array<i32>} : memref<128x128xf32, #tpu.memory_space<vmem>>, vector<1x16xf32>,
        %get3A_1045 = vector.shape_cast %get3A_1044 : vector<1x16xf32> to vector<16xf32>
        %add3A_1046 = arith.addf %add3A_1002, %get3A_1045 : vector<16xf32>
        %get3A_1047 = arith.index_cast %add3A_1021 : i32 to index
        %get3A_1048 = arith.constant 80 : index
        %get3A_1049 = tpu.vector_load %arg8[%get3A_1047, %get3A_1048] {strides = array<i32>} : memref<128x128xf32, #tpu.memory_space<vmem>>, vector<1x16xf32>,
        %get3A_1050 = vector.shape_cast %get3A_1049 : vector<1x16xf32> to vector<16xf32>
        %add3A_1051 = arith.addf %add3A_1007, %get3A_1050 : vector<16xf32>
        %get3A_1052 = arith.index_cast %add3A_1021 : i32 to index
        %get3A_1053 = arith.constant 96 : index
        %get3A_1054 = tpu.vector_load %arg8[%get3A_1052, %get3A_1053] {strides = array<i32>} : memref<128x128xf32, #tpu.memory_space<vmem>>, vector<1x16xf32>,
        %get3A_1055 = vector.shape_cast %get3A_1054 : vector<1x16xf32> to vector<16xf32>
        %add3A_1056 = arith.addf %add3A_1012, %get3A_1055 : vector<16xf32>
        %get3A_1057 = arith.index_cast %add3A_1021 : i32 to index
        %get3A_1058 = arith.constant 112 : index
        %get3A_1059 = tpu.vector_load %arg8[%get3A_1057, %get3A_1058] {strides = array<i32>} : memref<128x128xf32, #tpu.memory_space<vmem>>, vector<1x16xf32>,
        %get3A_1060 = vector.shape_cast %get3A_1059 : vector<1x16xf32> to vector<16xf32>
        %add3A_1061 = arith.addf %add3A_1017, %get3A_1060 : vector<16xf32>
        scf.yield %add3A_1026, %add3A_1031, %add3A_1036, %add3A_1041, %add3A_1046, %add3A_1051, %add3A_1056, %add3A_1061 : vector<16xf32>, vector<16xf32>, vector<16xf32>, vector<16xf32>, vector<16xf32>, vector<16xf32>, vector<16xf32>, vector<16xf32>
      }
      %scan3A_588 = arith.constant 16 : i32
      %jit3A_589 = arith.constant 8 : i32
      %eq3A_590 = arith.constant 0 : i32
      %eq3A_591 = arith.cmpi eq, %jit3A_589, %eq3A_590 : i32
      %jit3A_592 = arith.constant 1 : i32
      %select_n3A_593 = arith.select %eq3A_591, %jit3A_592, %jit3A_589 : i32
      %rem3A_594 = arith.remsi %add3A_569, %select_n3A_593 : i32
      %ne3A_595 = arith.constant 0 : i32
      %ne3A_596 = arith.cmpi ne, %rem3A_594, %ne3A_595 : i32
      %lt3A_597 = arith.constant 0 : i32
      %lt3A_598 = arith.cmpi slt, %rem3A_594, %lt3A_597 : i32
      %lt3A_599 = arith.constant 0 : i32
      %lt3A_600 = arith.cmpi slt, %select_n3A_593, %lt3A_599 : i32
      %ne3A_601 = arith.xori %lt3A_598, %lt3A_600 : i1
      %and3A_602 = arith.andi %ne3A_601, %ne3A_596 : i1
      %add3A_603 = arith.addi %rem3A_594, %select_n3A_593 : i32
      %select_n3A_604 = arith.select %and3A_602, %add3A_603, %rem3A_594 : i32
      %eq3A_605 = arith.constant 7 : i32
      %eq3A_606 = arith.cmpi eq, %select_n3A_604, %eq3A_605 : i32
      %convert_element_type3A_607 = arith.extui %eq3A_606 : i1 to i32
      %cond3A_608 = arith.constant 0 : i32
      %cond3A_609 = arith.cmpi ne, %convert_element_type3A_607, %cond3A_608 : i32
      scf.if %cond3A_609 {
        %jit3A_702 = arith.constant 8 : i32
        %div3A = arith.divsi %add3A_569, %jit3A_702 : i32
        %sign3A = arith.constant 0 : i32
        %sign3A_703 = arith.cmpi sgt, %add3A_569, %sign3A : i32
        %sign3A_704 = arith.extui %sign3A_703 : i1 to i32
        %sign3A_705 = arith.constant 0 : i32
        %sign3A_706 = arith.cmpi slt, %add3A_569, %sign3A_705 : i32
        %sign3A_707 = arith.extui %sign3A_706 : i1 to i32
        %sign3A_708 = arith.subi %sign3A_704, %sign3A_707 : i32
        %sign3A_709 = arith.constant 0 : i32
        %sign3A_710 = arith.cmpi sgt, %jit3A_702, %sign3A_709 : i32
        %sign3A_711 = arith.extui %sign3A_710 : i1 to i32
        %sign3A_712 = arith.constant 0 : i32
        %sign3A_713 = arith.cmpi slt, %jit3A_702, %sign3A_712 : i32
        %sign3A_714 = arith.extui %sign3A_713 : i1 to i32
        %sign3A_715 = arith.subi %sign3A_711, %sign3A_714 : i32
        %ne3A_716 = arith.cmpi ne, %sign3A_708, %sign3A_715 : i32
        %rem3A_717 = arith.remsi %add3A_569, %jit3A_702 : i32
        %ne3A_718 = arith.constant 0 : i32
        %ne3A_719 = arith.cmpi ne, %rem3A_717, %ne3A_718 : i32
        %and3A_720 = arith.andi %ne3A_716, %ne3A_719 : i1
        %sub3A = arith.constant 1 : i32
        %sub3A_721 = arith.subi %div3A, %sub3A : i32
        %select_n3A_722 = arith.select %and3A_720, %sub3A_721, %div3A : i32
        %mul3A_723 = vector.broadcast %scan3A_423 : f32 to vector<16xf32>
        %mul3A_724 = arith.mulf %scan3A_587#0, %mul3A_723 : vector<16xf32>
        %swap3A = arith.index_cast %select_n3A_722 : i32 to index
        %swap3A_725 = arith.constant 0 : index
        %swap3A_726 = tpu.vector_load %arg10[%swap3A, %swap3A_725] {strides = array<i32>} : memref<25x128xf32, #tpu.memory_space<vmem>>, vector<1x16xf32>,
        %swap3A_727 = vector.shape_cast %swap3A_726 : vector<1x16xf32> to vector<16xf32>
        %swap3A_728 = vector.shape_cast %mul3A_724 : vector<16xf32> to vector<1x16xf32>
        tpu.vector_store %arg10[%swap3A, %swap3A_725], %swap3A_728 {strides = array<i32>} : memref<25x128xf32, #tpu.memory_space<vmem>>, vector<1x16xf32>,
        %mul3A_729 = vector.broadcast %scan3A_423 : f32 to vector<16xf32>
        %mul3A_730 = arith.mulf %scan3A_587#1, %mul3A_729 : vector<16xf32>
        %swap3A_731 = arith.index_cast %select_n3A_722 : i32 to index
        %swap3A_732 = arith.constant 16 : index
        %swap3A_733 = tpu.vector_load %arg10[%swap3A_731, %swap3A_732] {strides = array<i32>} : memref<25x128xf32, #tpu.memory_space<vmem>>, vector<1x16xf32>,
        %swap3A_734 = vector.shape_cast %swap3A_733 : vector<1x16xf32> to vector<16xf32>
        %swap3A_735 = vector.shape_cast %mul3A_730 : vector<16xf32> to vector<1x16xf32>
        tpu.vector_store %arg10[%swap3A_731, %swap3A_732], %swap3A_735 {strides = array<i32>} : memref<25x128xf32, #tpu.memory_space<vmem>>, vector<1x16xf32>,
        %mul3A_736 = vector.broadcast %scan3A_423 : f32 to vector<16xf32>
        %mul3A_737 = arith.mulf %scan3A_587#2, %mul3A_736 : vector<16xf32>
        %swap3A_738 = arith.index_cast %select_n3A_722 : i32 to index
        %swap3A_739 = arith.constant 32 : index
        %swap3A_740 = tpu.vector_load %arg10[%swap3A_738, %swap3A_739] {strides = array<i32>} : memref<25x128xf32, #tpu.memory_space<vmem>>, vector<1x16xf32>,
        %swap3A_741 = vector.shape_cast %swap3A_740 : vector<1x16xf32> to vector<16xf32>
        %swap3A_742 = vector.shape_cast %mul3A_737 : vector<16xf32> to vector<1x16xf32>
        tpu.vector_store %arg10[%swap3A_738, %swap3A_739], %swap3A_742 {strides = array<i32>} : memref<25x128xf32, #tpu.memory_space<vmem>>, vector<1x16xf32>,
        %mul3A_743 = vector.broadcast %scan3A_423 : f32 to vector<16xf32>
        %mul3A_744 = arith.mulf %scan3A_587#3, %mul3A_743 : vector<16xf32>
        %swap3A_745 = arith.index_cast %select_n3A_722 : i32 to index
        %swap3A_746 = arith.constant 48 : index
        %swap3A_747 = tpu.vector_load %arg10[%swap3A_745, %swap3A_746] {strides = array<i32>} : memref<25x128xf32, #tpu.memory_space<vmem>>, vector<1x16xf32>,
        %swap3A_748 = vector.shape_cast %swap3A_747 : vector<1x16xf32> to vector<16xf32>
        %swap3A_749 = vector.shape_cast %mul3A_744 : vector<16xf32> to vector<1x16xf32>
        tpu.vector_store %arg10[%swap3A_745, %swap3A_746], %swap3A_749 {strides = array<i32>} : memref<25x128xf32, #tpu.memory_space<vmem>>, vector<1x16xf32>,
        %mul3A_750 = vector.broadcast %scan3A_423 : f32 to vector<16xf32>
        %mul3A_751 = arith.mulf %scan3A_587#4, %mul3A_750 : vector<16xf32>
        %swap3A_752 = arith.index_cast %select_n3A_722 : i32 to index
        %swap3A_753 = arith.constant 64 : index
        %swap3A_754 = tpu.vector_load %arg10[%swap3A_752, %swap3A_753] {strides = array<i32>} : memref<25x128xf32, #tpu.memory_space<vmem>>, vector<1x16xf32>,
        %swap3A_755 = vector.shape_cast %swap3A_754 : vector<1x16xf32> to vector<16xf32>
        %swap3A_756 = vector.shape_cast %mul3A_751 : vector<16xf32> to vector<1x16xf32>
        tpu.vector_store %arg10[%swap3A_752, %swap3A_753], %swap3A_756 {strides = array<i32>} : memref<25x128xf32, #tpu.memory_space<vmem>>, vector<1x16xf32>,
        %mul3A_757 = vector.broadcast %scan3A_423 : f32 to vector<16xf32>
        %mul3A_758 = arith.mulf %scan3A_587#5, %mul3A_757 : vector<16xf32>
        %swap3A_759 = arith.index_cast %select_n3A_722 : i32 to index
        %swap3A_760 = arith.constant 80 : index
        %swap3A_761 = tpu.vector_load %arg10[%swap3A_759, %swap3A_760] {strides = array<i32>} : memref<25x128xf32, #tpu.memory_space<vmem>>, vector<1x16xf32>,
        %swap3A_762 = vector.shape_cast %swap3A_761 : vector<1x16xf32> to vector<16xf32>
        %swap3A_763 = vector.shape_cast %mul3A_758 : vector<16xf32> to vector<1x16xf32>
        tpu.vector_store %arg10[%swap3A_759, %swap3A_760], %swap3A_763 {strides = array<i32>} : memref<25x128xf32, #tpu.memory_space<vmem>>, vector<1x16xf32>,
        %mul3A_764 = vector.broadcast %scan3A_423 : f32 to vector<16xf32>
        %mul3A_765 = arith.mulf %scan3A_587#6, %mul3A_764 : vector<16xf32>
        %swap3A_766 = arith.index_cast %select_n3A_722 : i32 to index
        %swap3A_767 = arith.constant 96 : index
        %swap3A_768 = tpu.vector_load %arg10[%swap3A_766, %swap3A_767] {strides = array<i32>} : memref<25x128xf32, #tpu.memory_space<vmem>>, vector<1x16xf32>,
        %swap3A_769 = vector.shape_cast %swap3A_768 : vector<1x16xf32> to vector<16xf32>
        %swap3A_770 = vector.shape_cast %mul3A_765 : vector<16xf32> to vector<1x16xf32>
        tpu.vector_store %arg10[%swap3A_766, %swap3A_767], %swap3A_770 {strides = array<i32>} : memref<25x128xf32, #tpu.memory_space<vmem>>, vector<1x16xf32>,
        %mul3A_771 = vector.broadcast %scan3A_423 : f32 to vector<16xf32>
        %mul3A_772 = arith.mulf %scan3A_587#7, %mul3A_771 : vector<16xf32>
        %swap3A_773 = arith.index_cast %select_n3A_722 : i32 to index
        %swap3A_774 = arith.constant 112 : index
        %swap3A_775 = tpu.vector_load %arg10[%swap3A_773, %swap3A_774] {strides = array<i32>} : memref<25x128xf32, #tpu.memory_space<vmem>>, vector<1x16xf32>,
        %swap3A_776 = vector.shape_cast %swap3A_775 : vector<1x16xf32> to vector<16xf32>
        %swap3A_777 = vector.shape_cast %mul3A_772 : vector<16xf32> to vector<1x16xf32>
        tpu.vector_store %arg10[%swap3A_773, %swap3A_774], %swap3A_777 {strides = array<i32>} : memref<25x128xf32, #tpu.memory_space<vmem>>, vector<1x16xf32>,
      } else {
      }
      %broadcast_in_dim3A_610 = arith.constant 0.000000e+00 : f32
      %broadcast_in_dim3A_611 = vector.broadcast %broadcast_in_dim3A_610 : f32 to vector<16xf32>
      %select_n3A_612 = arith.select %eq3A_606, %broadcast_in_dim3A_611, %scan3A_587#0 : vector<16xf32>
      %broadcast_in_dim3A_613 = arith.constant 0.000000e+00 : f32
      %broadcast_in_dim3A_614 = vector.broadcast %broadcast_in_dim3A_613 : f32 to vector<16xf32>
      %select_n3A_615 = arith.select %eq3A_606, %broadcast_in_dim3A_614, %scan3A_587#1 : vector<16xf32>
      %broadcast_in_dim3A_616 = arith.constant 0.000000e+00 : f32
      %broadcast_in_dim3A_617 = vector.broadcast %broadcast_in_dim3A_616 : f32 to vector<16xf32>
      %select_n3A_618 = arith.select %eq3A_606, %broadcast_in_dim3A_617, %scan3A_587#2 : vector<16xf32>
      %broadcast_in_dim3A_619 = arith.constant 0.000000e+00 : f32
      %broadcast_in_dim3A_620 = vector.broadcast %broadcast_in_dim3A_619 : f32 to vector<16xf32>
      %select_n3A_621 = arith.select %eq3A_606, %broadcast_in_dim3A_620, %scan3A_587#3 : vector<16xf32>
      %broadcast_in_dim3A_622 = arith.constant 0.000000e+00 : f32
      %broadcast_in_dim3A_623 = vector.broadcast %broadcast_in_dim3A_622 : f32 to vector<16xf32>
      %select_n3A_624 = arith.select %eq3A_606, %broadcast_in_dim3A_623, %scan3A_587#4 : vector<16xf32>
      %broadcast_in_dim3A_625 = arith.constant 0.000000e+00 : f32
      %broadcast_in_dim3A_626 = vector.broadcast %broadcast_in_dim3A_625 : f32 to vector<16xf32>
      %select_n3A_627 = arith.select %eq3A_606, %broadcast_in_dim3A_626, %scan3A_587#5 : vector<16xf32>
      %broadcast_in_dim3A_628 = arith.constant 0.000000e+00 : f32
      %broadcast_in_dim3A_629 = vector.broadcast %broadcast_in_dim3A_628 : f32 to vector<16xf32>
      %select_n3A_630 = arith.select %eq3A_606, %broadcast_in_dim3A_629, %scan3A_587#6 : vector<16xf32>
      %broadcast_in_dim3A_631 = arith.constant 0.000000e+00 : f32
      %broadcast_in_dim3A_632 = vector.broadcast %broadcast_in_dim3A_631 : f32 to vector<16xf32>
      %select_n3A_633 = arith.select %eq3A_606, %broadcast_in_dim3A_632, %scan3A_587#7 : vector<16xf32>
      %mul3A_634 = arith.constant 4 : i32
      %mul3A_635 = arith.muli %scan3A_430, %mul3A_634 : i32
      %add3A_636 = arith.constant 3 : i32
      %add3A_637 = arith.addi %mul3A_635, %add3A_636 : i32
      %dma_wait3A_638 = arith.constant 0 : i32
      %dma_wait3A_639 = arith.constant 0 : i32
      %dma_wait3A_640 = tpu.memref_slice %arg3[%dma_wait3A_638, %dma_wait3A_639] : memref<100000x128xf32, #tpu.memory_space<hbm>> -> memref<128x128xf32, #tpu.memory_space<hbm>>
      %dma_wait3A_641 = arith.constant 0 : i32
      %dma_wait3A_642 = arith.constant 0 : i32
      %dma_wait3A_643 = tpu.memref_slice %arg3[%dma_wait3A_641, %dma_wait3A_642] : memref<100000x128xf32, #tpu.memory_space<hbm>> -> memref<128x128xf32, #tpu.memory_space<hbm>>
      tpu.wait_dma2 semaphore(%arg15 : memref<!tpu.dma_semaphore, #tpu.memory_space<semaphore_mem>>) src(%dma_wait3A_643 : memref<128x128xf32, #tpu.memory_space<hbm>>) dst(%arg9 : memref<128x128xf32, #tpu.memory_space<vmem>>)
      %add3A_644 = arith.constant 4 : i32
      %add3A_645 = arith.addi %add3A_637, %add3A_644 : i32
      %lt3A_646 = arith.constant 200 : i32
      %lt3A_647 = arith.cmpi slt, %add3A_645, %lt3A_646 : i32
      %convert_element_type3A_648 = arith.extui %lt3A_647 : i1 to i32
      %cond3A_649 = arith.constant 0 : i32
      %cond3A_650 = arith.cmpi ne, %convert_element_type3A_648, %cond3A_649 : i32
      scf.if %cond3A_650 {
        %add3A_702 = arith.constant 4 : i32
        %add3A_703 = arith.addi %add3A_637, %add3A_702 : i32
        %dma_start3A_704 = arith.constant 0 : i32
        %dma_start3A_705 = tpu.memref_slice %arg5[%add3A_703, %dma_start3A_704] : memref<200x128xi32, #tpu.memory_space<vmem>> -> memref<1x128xi32, #tpu.memory_space<vmem>>
        %dma_start3A_706 = tpu.memref_squeeze %dma_start3A_705 : memref<1x128xi32, #tpu.memory_space<vmem>> -> memref<128xi32, #tpu.memory_space<vmem>>
        %dma_start3A_707 = arith.constant 0 : i32
        %dma_start3A_708 = arith.constant 0 : i32
        %dma_start3A_709 = tpu.memref_slice %arg3[%dma_start3A_707, %dma_start3A_708] : memref<100000x128xf32, #tpu.memory_space<hbm>> -> memref<100000x128xf32, #tpu.memory_space<hbm>>
        tpu.enqueue_indirect_dma source(%dma_start3A_709 : memref<100000x128xf32, #tpu.memory_space<hbm>>) target(%arg9 : memref<128x128xf32, #tpu.memory_space<vmem>>) offsets(%dma_start3A_706 : memref<128xi32, #tpu.memory_space<vmem>>) semaphore(%arg15 : memref<!tpu.dma_semaphore, #tpu.memory_space<semaphore_mem>>)
      } else {
      }
      %scan3A_651 = arith.constant 0 : i32
      %scan3A_652 = arith.constant 16 : i32
      %scan3A_653 = arith.addi %scan3A_651, %scan3A_652 : i32
      %scan3A_654 = arith.constant 1 : i32
      %scan3A_655:8 = scf.for %scan3A_702 = %scan3A_651 to %scan3A_653 step %scan3A_654 iter_args(%scan3A_703 = %select_n3A_612, %scan3A_704 = %select_n3A_615, %scan3A_705 = %select_n3A_618, %scan3A_706 = %select_n3A_621, %scan3A_707 = %select_n3A_624, %scan3A_708 = %select_n3A_627, %scan3A_709 = %select_n3A_630, %scan3A_710 = %select_n3A_633) -> (vector<16xf32>, vector<16xf32>, vector<16xf32>, vector<16xf32>, vector<16xf32>, vector<16xf32>, vector<16xf32>, vector<16xf32>)  : i32 {
        %mul3A_711 = arith.constant 8 : i32
        %mul3A_712 = arith.muli %scan3A_702, %mul3A_711 : i32
        %add3A_713 = arith.constant 0 : i32
        %add3A_714 = arith.addi %mul3A_712, %add3A_713 : i32
        %get3A = arith.index_cast %add3A_714 : i32 to index
        %get3A_715 = arith.constant 0 : index
        %get3A_716 = tpu.vector_load %arg9[%get3A, %get3A_715] {strides = array<i32>} : memref<128x128xf32, #tpu.memory_space<vmem>>, vector<1x16xf32>,
        %get3A_717 = vector.shape_cast %get3A_716 : vector<1x16xf32> to vector<16xf32>
        %add3A_718 = arith.addf %scan3A_703, %get3A_717 : vector<16xf32>
        %get3A_719 = arith.index_cast %add3A_714 : i32 to index
        %get3A_720 = arith.constant 16 : index
        %get3A_721 = tpu.vector_load %arg9[%get3A_719, %get3A_720] {strides = array<i32>} : memref<128x128xf32, #tpu.memory_space<vmem>>, vector<1x16xf32>,
        %get3A_722 = vector.shape_cast %get3A_721 : vector<1x16xf32> to vector<16xf32>
        %add3A_723 = arith.addf %scan3A_704, %get3A_722 : vector<16xf32>
        %get3A_724 = arith.index_cast %add3A_714 : i32 to index
        %get3A_725 = arith.constant 32 : index
        %get3A_726 = tpu.vector_load %arg9[%get3A_724, %get3A_725] {strides = array<i32>} : memref<128x128xf32, #tpu.memory_space<vmem>>, vector<1x16xf32>,
        %get3A_727 = vector.shape_cast %get3A_726 : vector<1x16xf32> to vector<16xf32>
        %add3A_728 = arith.addf %scan3A_705, %get3A_727 : vector<16xf32>
        %get3A_729 = arith.index_cast %add3A_714 : i32 to index
        %get3A_730 = arith.constant 48 : index
        %get3A_731 = tpu.vector_load %arg9[%get3A_729, %get3A_730] {strides = array<i32>} : memref<128x128xf32, #tpu.memory_space<vmem>>, vector<1x16xf32>,
        %get3A_732 = vector.shape_cast %get3A_731 : vector<1x16xf32> to vector<16xf32>
        %add3A_733 = arith.addf %scan3A_706, %get3A_732 : vector<16xf32>
        %get3A_734 = arith.index_cast %add3A_714 : i32 to index
        %get3A_735 = arith.constant 64 : index
        %get3A_736 = tpu.vector_load %arg9[%get3A_734, %get3A_735] {strides = array<i32>} : memref<128x128xf32, #tpu.memory_space<vmem>>, vector<1x16xf32>,
        %get3A_737 = vector.shape_cast %get3A_736 : vector<1x16xf32> to vector<16xf32>
        %add3A_738 = arith.addf %scan3A_707, %get3A_737 : vector<16xf32>
        %get3A_739 = arith.index_cast %add3A_714 : i32 to index
        %get3A_740 = arith.constant 80 : index
        %get3A_741 = tpu.vector_load %arg9[%get3A_739, %get3A_740] {strides = array<i32>} : memref<128x128xf32, #tpu.memory_space<vmem>>, vector<1x16xf32>,
        %get3A_742 = vector.shape_cast %get3A_741 : vector<1x16xf32> to vector<16xf32>
        %add3A_743 = arith.addf %scan3A_708, %get3A_742 : vector<16xf32>
        %get3A_744 = arith.index_cast %add3A_714 : i32 to index
        %get3A_745 = arith.constant 96 : index
        %get3A_746 = tpu.vector_load %arg9[%get3A_744, %get3A_745] {strides = array<i32>} : memref<128x128xf32, #tpu.memory_space<vmem>>, vector<1x16xf32>,
        %get3A_747 = vector.shape_cast %get3A_746 : vector<1x16xf32> to vector<16xf32>
        %add3A_748 = arith.addf %scan3A_709, %get3A_747 : vector<16xf32>
        %get3A_749 = arith.index_cast %add3A_714 : i32 to index
        %get3A_750 = arith.constant 112 : index
        %get3A_751 = tpu.vector_load %arg9[%get3A_749, %get3A_750] {strides = array<i32>} : memref<128x128xf32, #tpu.memory_space<vmem>>, vector<1x16xf32>,
        %get3A_752 = vector.shape_cast %get3A_751 : vector<1x16xf32> to vector<16xf32>
        %add3A_753 = arith.addf %scan3A_710, %get3A_752 : vector<16xf32>
        %mul3A_754 = arith.constant 8 : i32
        %mul3A_755 = arith.muli %scan3A_702, %mul3A_754 : i32
        %add3A_756 = arith.constant 1 : i32
        %add3A_757 = arith.addi %mul3A_755, %add3A_756 : i32
        %get3A_758 = arith.index_cast %add3A_757 : i32 to index
        %get3A_759 = arith.constant 0 : index
        %get3A_760 = tpu.vector_load %arg9[%get3A_758, %get3A_759] {strides = array<i32>} : memref<128x128xf32, #tpu.memory_space<vmem>>, vector<1x16xf32>,
        %get3A_761 = vector.shape_cast %get3A_760 : vector<1x16xf32> to vector<16xf32>
        %add3A_762 = arith.addf %add3A_718, %get3A_761 : vector<16xf32>
        %get3A_763 = arith.index_cast %add3A_757 : i32 to index
        %get3A_764 = arith.constant 16 : index
        %get3A_765 = tpu.vector_load %arg9[%get3A_763, %get3A_764] {strides = array<i32>} : memref<128x128xf32, #tpu.memory_space<vmem>>, vector<1x16xf32>,
        %get3A_766 = vector.shape_cast %get3A_765 : vector<1x16xf32> to vector<16xf32>
        %add3A_767 = arith.addf %add3A_723, %get3A_766 : vector<16xf32>
        %get3A_768 = arith.index_cast %add3A_757 : i32 to index
        %get3A_769 = arith.constant 32 : index
        %get3A_770 = tpu.vector_load %arg9[%get3A_768, %get3A_769] {strides = array<i32>} : memref<128x128xf32, #tpu.memory_space<vmem>>, vector<1x16xf32>,
        %get3A_771 = vector.shape_cast %get3A_770 : vector<1x16xf32> to vector<16xf32>
        %add3A_772 = arith.addf %add3A_728, %get3A_771 : vector<16xf32>
        %get3A_773 = arith.index_cast %add3A_757 : i32 to index
        %get3A_774 = arith.constant 48 : index
        %get3A_775 = tpu.vector_load %arg9[%get3A_773, %get3A_774] {strides = array<i32>} : memref<128x128xf32, #tpu.memory_space<vmem>>, vector<1x16xf32>,
        %get3A_776 = vector.shape_cast %get3A_775 : vector<1x16xf32> to vector<16xf32>
        %add3A_777 = arith.addf %add3A_733, %get3A_776 : vector<16xf32>
        %get3A_778 = arith.index_cast %add3A_757 : i32 to index
        %get3A_779 = arith.constant 64 : index
        %get3A_780 = tpu.vector_load %arg9[%get3A_778, %get3A_779] {strides = array<i32>} : memref<128x128xf32, #tpu.memory_space<vmem>>, vector<1x16xf32>,
        %get3A_781 = vector.shape_cast %get3A_780 : vector<1x16xf32> to vector<16xf32>
        %add3A_782 = arith.addf %add3A_738, %get3A_781 : vector<16xf32>
        %get3A_783 = arith.index_cast %add3A_757 : i32 to index
        %get3A_784 = arith.constant 80 : index
        %get3A_785 = tpu.vector_load %arg9[%get3A_783, %get3A_784] {strides = array<i32>} : memref<128x128xf32, #tpu.memory_space<vmem>>, vector<1x16xf32>,
        %get3A_786 = vector.shape_cast %get3A_785 : vector<1x16xf32> to vector<16xf32>
        %add3A_787 = arith.addf %add3A_743, %get3A_786 : vector<16xf32>
        %get3A_788 = arith.index_cast %add3A_757 : i32 to index
        %get3A_789 = arith.constant 96 : index
        %get3A_790 = tpu.vector_load %arg9[%get3A_788, %get3A_789] {strides = array<i32>} : memref<128x128xf32, #tpu.memory_space<vmem>>, vector<1x16xf32>,
        %get3A_791 = vector.shape_cast %get3A_790 : vector<1x16xf32> to vector<16xf32>
        %add3A_792 = arith.addf %add3A_748, %get3A_791 : vector<16xf32>
        %get3A_793 = arith.index_cast %add3A_757 : i32 to index
        %get3A_794 = arith.constant 112 : index
        %get3A_795 = tpu.vector_load %arg9[%get3A_793, %get3A_794] {strides = array<i32>} : memref<128x128xf32, #tpu.memory_space<vmem>>, vector<1x16xf32>,
        %get3A_796 = vector.shape_cast %get3A_795 : vector<1x16xf32> to vector<16xf32>
        %add3A_797 = arith.addf %add3A_753, %get3A_796 : vector<16xf32>
        %mul3A_798 = arith.constant 8 : i32
        %mul3A_799 = arith.muli %scan3A_702, %mul3A_798 : i32
        %add3A_800 = arith.constant 2 : i32
        %add3A_801 = arith.addi %mul3A_799, %add3A_800 : i32
        %get3A_802 = arith.index_cast %add3A_801 : i32 to index
        %get3A_803 = arith.constant 0 : index
        %get3A_804 = tpu.vector_load %arg9[%get3A_802, %get3A_803] {strides = array<i32>} : memref<128x128xf32, #tpu.memory_space<vmem>>, vector<1x16xf32>,
        %get3A_805 = vector.shape_cast %get3A_804 : vector<1x16xf32> to vector<16xf32>
        %add3A_806 = arith.addf %add3A_762, %get3A_805 : vector<16xf32>
        %get3A_807 = arith.index_cast %add3A_801 : i32 to index
        %get3A_808 = arith.constant 16 : index
        %get3A_809 = tpu.vector_load %arg9[%get3A_807, %get3A_808] {strides = array<i32>} : memref<128x128xf32, #tpu.memory_space<vmem>>, vector<1x16xf32>,
        %get3A_810 = vector.shape_cast %get3A_809 : vector<1x16xf32> to vector<16xf32>
        %add3A_811 = arith.addf %add3A_767, %get3A_810 : vector<16xf32>
        %get3A_812 = arith.index_cast %add3A_801 : i32 to index
        %get3A_813 = arith.constant 32 : index
        %get3A_814 = tpu.vector_load %arg9[%get3A_812, %get3A_813] {strides = array<i32>} : memref<128x128xf32, #tpu.memory_space<vmem>>, vector<1x16xf32>,
        %get3A_815 = vector.shape_cast %get3A_814 : vector<1x16xf32> to vector<16xf32>
        %add3A_816 = arith.addf %add3A_772, %get3A_815 : vector<16xf32>
        %get3A_817 = arith.index_cast %add3A_801 : i32 to index
        %get3A_818 = arith.constant 48 : index
        %get3A_819 = tpu.vector_load %arg9[%get3A_817, %get3A_818] {strides = array<i32>} : memref<128x128xf32, #tpu.memory_space<vmem>>, vector<1x16xf32>,
        %get3A_820 = vector.shape_cast %get3A_819 : vector<1x16xf32> to vector<16xf32>
        %add3A_821 = arith.addf %add3A_777, %get3A_820 : vector<16xf32>
        %get3A_822 = arith.index_cast %add3A_801 : i32 to index
        %get3A_823 = arith.constant 64 : index
        %get3A_824 = tpu.vector_load %arg9[%get3A_822, %get3A_823] {strides = array<i32>} : memref<128x128xf32, #tpu.memory_space<vmem>>, vector<1x16xf32>,
        %get3A_825 = vector.shape_cast %get3A_824 : vector<1x16xf32> to vector<16xf32>
        %add3A_826 = arith.addf %add3A_782, %get3A_825 : vector<16xf32>
        %get3A_827 = arith.index_cast %add3A_801 : i32 to index
        %get3A_828 = arith.constant 80 : index
        %get3A_829 = tpu.vector_load %arg9[%get3A_827, %get3A_828] {strides = array<i32>} : memref<128x128xf32, #tpu.memory_space<vmem>>, vector<1x16xf32>,
        %get3A_830 = vector.shape_cast %get3A_829 : vector<1x16xf32> to vector<16xf32>
        %add3A_831 = arith.addf %add3A_787, %get3A_830 : vector<16xf32>
        %get3A_832 = arith.index_cast %add3A_801 : i32 to index
        %get3A_833 = arith.constant 96 : index
        %get3A_834 = tpu.vector_load %arg9[%get3A_832, %get3A_833] {strides = array<i32>} : memref<128x128xf32, #tpu.memory_space<vmem>>, vector<1x16xf32>,
        %get3A_835 = vector.shape_cast %get3A_834 : vector<1x16xf32> to vector<16xf32>
        %add3A_836 = arith.addf %add3A_792, %get3A_835 : vector<16xf32>
        %get3A_837 = arith.index_cast %add3A_801 : i32 to index
        %get3A_838 = arith.constant 112 : index
        %get3A_839 = tpu.vector_load %arg9[%get3A_837, %get3A_838] {strides = array<i32>} : memref<128x128xf32, #tpu.memory_space<vmem>>, vector<1x16xf32>,
        %get3A_840 = vector.shape_cast %get3A_839 : vector<1x16xf32> to vector<16xf32>
        %add3A_841 = arith.addf %add3A_797, %get3A_840 : vector<16xf32>
        %mul3A_842 = arith.constant 8 : i32
        %mul3A_843 = arith.muli %scan3A_702, %mul3A_842 : i32
        %add3A_844 = arith.constant 3 : i32
        %add3A_845 = arith.addi %mul3A_843, %add3A_844 : i32
        %get3A_846 = arith.index_cast %add3A_845 : i32 to index
        %get3A_847 = arith.constant 0 : index
        %get3A_848 = tpu.vector_load %arg9[%get3A_846, %get3A_847] {strides = array<i32>} : memref<128x128xf32, #tpu.memory_space<vmem>>, vector<1x16xf32>,
        %get3A_849 = vector.shape_cast %get3A_848 : vector<1x16xf32> to vector<16xf32>
        %add3A_850 = arith.addf %add3A_806, %get3A_849 : vector<16xf32>
        %get3A_851 = arith.index_cast %add3A_845 : i32 to index
        %get3A_852 = arith.constant 16 : index
        %get3A_853 = tpu.vector_load %arg9[%get3A_851, %get3A_852] {strides = array<i32>} : memref<128x128xf32, #tpu.memory_space<vmem>>, vector<1x16xf32>,
        %get3A_854 = vector.shape_cast %get3A_853 : vector<1x16xf32> to vector<16xf32>
        %add3A_855 = arith.addf %add3A_811, %get3A_854 : vector<16xf32>
        %get3A_856 = arith.index_cast %add3A_845 : i32 to index
        %get3A_857 = arith.constant 32 : index
        %get3A_858 = tpu.vector_load %arg9[%get3A_856, %get3A_857] {strides = array<i32>} : memref<128x128xf32, #tpu.memory_space<vmem>>, vector<1x16xf32>,
        %get3A_859 = vector.shape_cast %get3A_858 : vector<1x16xf32> to vector<16xf32>
        %add3A_860 = arith.addf %add3A_816, %get3A_859 : vector<16xf32>
        %get3A_861 = arith.index_cast %add3A_845 : i32 to index
        %get3A_862 = arith.constant 48 : index
        %get3A_863 = tpu.vector_load %arg9[%get3A_861, %get3A_862] {strides = array<i32>} : memref<128x128xf32, #tpu.memory_space<vmem>>, vector<1x16xf32>,
        %get3A_864 = vector.shape_cast %get3A_863 : vector<1x16xf32> to vector<16xf32>
        %add3A_865 = arith.addf %add3A_821, %get3A_864 : vector<16xf32>
        %get3A_866 = arith.index_cast %add3A_845 : i32 to index
        %get3A_867 = arith.constant 64 : index
        %get3A_868 = tpu.vector_load %arg9[%get3A_866, %get3A_867] {strides = array<i32>} : memref<128x128xf32, #tpu.memory_space<vmem>>, vector<1x16xf32>,
        %get3A_869 = vector.shape_cast %get3A_868 : vector<1x16xf32> to vector<16xf32>
        %add3A_870 = arith.addf %add3A_826, %get3A_869 : vector<16xf32>
        %get3A_871 = arith.index_cast %add3A_845 : i32 to index
        %get3A_872 = arith.constant 80 : index
        %get3A_873 = tpu.vector_load %arg9[%get3A_871, %get3A_872] {strides = array<i32>} : memref<128x128xf32, #tpu.memory_space<vmem>>, vector<1x16xf32>,
        %get3A_874 = vector.shape_cast %get3A_873 : vector<1x16xf32> to vector<16xf32>
        %add3A_875 = arith.addf %add3A_831, %get3A_874 : vector<16xf32>
        %get3A_876 = arith.index_cast %add3A_845 : i32 to index
        %get3A_877 = arith.constant 96 : index
        %get3A_878 = tpu.vector_load %arg9[%get3A_876, %get3A_877] {strides = array<i32>} : memref<128x128xf32, #tpu.memory_space<vmem>>, vector<1x16xf32>,
        %get3A_879 = vector.shape_cast %get3A_878 : vector<1x16xf32> to vector<16xf32>
        %add3A_880 = arith.addf %add3A_836, %get3A_879 : vector<16xf32>
        %get3A_881 = arith.index_cast %add3A_845 : i32 to index
        %get3A_882 = arith.constant 112 : index
        %get3A_883 = tpu.vector_load %arg9[%get3A_881, %get3A_882] {strides = array<i32>} : memref<128x128xf32, #tpu.memory_space<vmem>>, vector<1x16xf32>,
        %get3A_884 = vector.shape_cast %get3A_883 : vector<1x16xf32> to vector<16xf32>
        %add3A_885 = arith.addf %add3A_841, %get3A_884 : vector<16xf32>
        %mul3A_886 = arith.constant 8 : i32
        %mul3A_887 = arith.muli %scan3A_702, %mul3A_886 : i32
        %add3A_888 = arith.constant 4 : i32
        %add3A_889 = arith.addi %mul3A_887, %add3A_888 : i32
        %get3A_890 = arith.index_cast %add3A_889 : i32 to index
        %get3A_891 = arith.constant 0 : index
        %get3A_892 = tpu.vector_load %arg9[%get3A_890, %get3A_891] {strides = array<i32>} : memref<128x128xf32, #tpu.memory_space<vmem>>, vector<1x16xf32>,
        %get3A_893 = vector.shape_cast %get3A_892 : vector<1x16xf32> to vector<16xf32>
        %add3A_894 = arith.addf %add3A_850, %get3A_893 : vector<16xf32>
        %get3A_895 = arith.index_cast %add3A_889 : i32 to index
        %get3A_896 = arith.constant 16 : index
        %get3A_897 = tpu.vector_load %arg9[%get3A_895, %get3A_896] {strides = array<i32>} : memref<128x128xf32, #tpu.memory_space<vmem>>, vector<1x16xf32>,
        %get3A_898 = vector.shape_cast %get3A_897 : vector<1x16xf32> to vector<16xf32>
        %add3A_899 = arith.addf %add3A_855, %get3A_898 : vector<16xf32>
        %get3A_900 = arith.index_cast %add3A_889 : i32 to index
        %get3A_901 = arith.constant 32 : index
        %get3A_902 = tpu.vector_load %arg9[%get3A_900, %get3A_901] {strides = array<i32>} : memref<128x128xf32, #tpu.memory_space<vmem>>, vector<1x16xf32>,
        %get3A_903 = vector.shape_cast %get3A_902 : vector<1x16xf32> to vector<16xf32>
        %add3A_904 = arith.addf %add3A_860, %get3A_903 : vector<16xf32>
        %get3A_905 = arith.index_cast %add3A_889 : i32 to index
        %get3A_906 = arith.constant 48 : index
        %get3A_907 = tpu.vector_load %arg9[%get3A_905, %get3A_906] {strides = array<i32>} : memref<128x128xf32, #tpu.memory_space<vmem>>, vector<1x16xf32>,
        %get3A_908 = vector.shape_cast %get3A_907 : vector<1x16xf32> to vector<16xf32>
        %add3A_909 = arith.addf %add3A_865, %get3A_908 : vector<16xf32>
        %get3A_910 = arith.index_cast %add3A_889 : i32 to index
        %get3A_911 = arith.constant 64 : index
        %get3A_912 = tpu.vector_load %arg9[%get3A_910, %get3A_911] {strides = array<i32>} : memref<128x128xf32, #tpu.memory_space<vmem>>, vector<1x16xf32>,
        %get3A_913 = vector.shape_cast %get3A_912 : vector<1x16xf32> to vector<16xf32>
        %add3A_914 = arith.addf %add3A_870, %get3A_913 : vector<16xf32>
        %get3A_915 = arith.index_cast %add3A_889 : i32 to index
        %get3A_916 = arith.constant 80 : index
        %get3A_917 = tpu.vector_load %arg9[%get3A_915, %get3A_916] {strides = array<i32>} : memref<128x128xf32, #tpu.memory_space<vmem>>, vector<1x16xf32>,
        %get3A_918 = vector.shape_cast %get3A_917 : vector<1x16xf32> to vector<16xf32>
        %add3A_919 = arith.addf %add3A_875, %get3A_918 : vector<16xf32>
        %get3A_920 = arith.index_cast %add3A_889 : i32 to index
        %get3A_921 = arith.constant 96 : index
        %get3A_922 = tpu.vector_load %arg9[%get3A_920, %get3A_921] {strides = array<i32>} : memref<128x128xf32, #tpu.memory_space<vmem>>, vector<1x16xf32>,
        %get3A_923 = vector.shape_cast %get3A_922 : vector<1x16xf32> to vector<16xf32>
        %add3A_924 = arith.addf %add3A_880, %get3A_923 : vector<16xf32>
        %get3A_925 = arith.index_cast %add3A_889 : i32 to index
        %get3A_926 = arith.constant 112 : index
        %get3A_927 = tpu.vector_load %arg9[%get3A_925, %get3A_926] {strides = array<i32>} : memref<128x128xf32, #tpu.memory_space<vmem>>, vector<1x16xf32>,
        %get3A_928 = vector.shape_cast %get3A_927 : vector<1x16xf32> to vector<16xf32>
        %add3A_929 = arith.addf %add3A_885, %get3A_928 : vector<16xf32>
        %mul3A_930 = arith.constant 8 : i32
        %mul3A_931 = arith.muli %scan3A_702, %mul3A_930 : i32
        %add3A_932 = arith.constant 5 : i32
        %add3A_933 = arith.addi %mul3A_931, %add3A_932 : i32
        %get3A_934 = arith.index_cast %add3A_933 : i32 to index
        %get3A_935 = arith.constant 0 : index
        %get3A_936 = tpu.vector_load %arg9[%get3A_934, %get3A_935] {strides = array<i32>} : memref<128x128xf32, #tpu.memory_space<vmem>>, vector<1x16xf32>,
        %get3A_937 = vector.shape_cast %get3A_936 : vector<1x16xf32> to vector<16xf32>
        %add3A_938 = arith.addf %add3A_894, %get3A_937 : vector<16xf32>
        %get3A_939 = arith.index_cast %add3A_933 : i32 to index
        %get3A_940 = arith.constant 16 : index
        %get3A_941 = tpu.vector_load %arg9[%get3A_939, %get3A_940] {strides = array<i32>} : memref<128x128xf32, #tpu.memory_space<vmem>>, vector<1x16xf32>,
        %get3A_942 = vector.shape_cast %get3A_941 : vector<1x16xf32> to vector<16xf32>
        %add3A_943 = arith.addf %add3A_899, %get3A_942 : vector<16xf32>
        %get3A_944 = arith.index_cast %add3A_933 : i32 to index
        %get3A_945 = arith.constant 32 : index
        %get3A_946 = tpu.vector_load %arg9[%get3A_944, %get3A_945] {strides = array<i32>} : memref<128x128xf32, #tpu.memory_space<vmem>>, vector<1x16xf32>,
        %get3A_947 = vector.shape_cast %get3A_946 : vector<1x16xf32> to vector<16xf32>
        %add3A_948 = arith.addf %add3A_904, %get3A_947 : vector<16xf32>
        %get3A_949 = arith.index_cast %add3A_933 : i32 to index
        %get3A_950 = arith.constant 48 : index
        %get3A_951 = tpu.vector_load %arg9[%get3A_949, %get3A_950] {strides = array<i32>} : memref<128x128xf32, #tpu.memory_space<vmem>>, vector<1x16xf32>,
        %get3A_952 = vector.shape_cast %get3A_951 : vector<1x16xf32> to vector<16xf32>
        %add3A_953 = arith.addf %add3A_909, %get3A_952 : vector<16xf32>
        %get3A_954 = arith.index_cast %add3A_933 : i32 to index
        %get3A_955 = arith.constant 64 : index
        %get3A_956 = tpu.vector_load %arg9[%get3A_954, %get3A_955] {strides = array<i32>} : memref<128x128xf32, #tpu.memory_space<vmem>>, vector<1x16xf32>,
        %get3A_957 = vector.shape_cast %get3A_956 : vector<1x16xf32> to vector<16xf32>
        %add3A_958 = arith.addf %add3A_914, %get3A_957 : vector<16xf32>
        %get3A_959 = arith.index_cast %add3A_933 : i32 to index
        %get3A_960 = arith.constant 80 : index
        %get3A_961 = tpu.vector_load %arg9[%get3A_959, %get3A_960] {strides = array<i32>} : memref<128x128xf32, #tpu.memory_space<vmem>>, vector<1x16xf32>,
        %get3A_962 = vector.shape_cast %get3A_961 : vector<1x16xf32> to vector<16xf32>
        %add3A_963 = arith.addf %add3A_919, %get3A_962 : vector<16xf32>
        %get3A_964 = arith.index_cast %add3A_933 : i32 to index
        %get3A_965 = arith.constant 96 : index
        %get3A_966 = tpu.vector_load %arg9[%get3A_964, %get3A_965] {strides = array<i32>} : memref<128x128xf32, #tpu.memory_space<vmem>>, vector<1x16xf32>,
        %get3A_967 = vector.shape_cast %get3A_966 : vector<1x16xf32> to vector<16xf32>
        %add3A_968 = arith.addf %add3A_924, %get3A_967 : vector<16xf32>
        %get3A_969 = arith.index_cast %add3A_933 : i32 to index
        %get3A_970 = arith.constant 112 : index
        %get3A_971 = tpu.vector_load %arg9[%get3A_969, %get3A_970] {strides = array<i32>} : memref<128x128xf32, #tpu.memory_space<vmem>>, vector<1x16xf32>,
        %get3A_972 = vector.shape_cast %get3A_971 : vector<1x16xf32> to vector<16xf32>
        %add3A_973 = arith.addf %add3A_929, %get3A_972 : vector<16xf32>
        %mul3A_974 = arith.constant 8 : i32
        %mul3A_975 = arith.muli %scan3A_702, %mul3A_974 : i32
        %add3A_976 = arith.constant 6 : i32
        %add3A_977 = arith.addi %mul3A_975, %add3A_976 : i32
        %get3A_978 = arith.index_cast %add3A_977 : i32 to index
        %get3A_979 = arith.constant 0 : index
        %get3A_980 = tpu.vector_load %arg9[%get3A_978, %get3A_979] {strides = array<i32>} : memref<128x128xf32, #tpu.memory_space<vmem>>, vector<1x16xf32>,
        %get3A_981 = vector.shape_cast %get3A_980 : vector<1x16xf32> to vector<16xf32>
        %add3A_982 = arith.addf %add3A_938, %get3A_981 : vector<16xf32>
        %get3A_983 = arith.index_cast %add3A_977 : i32 to index
        %get3A_984 = arith.constant 16 : index
        %get3A_985 = tpu.vector_load %arg9[%get3A_983, %get3A_984] {strides = array<i32>} : memref<128x128xf32, #tpu.memory_space<vmem>>, vector<1x16xf32>,
        %get3A_986 = vector.shape_cast %get3A_985 : vector<1x16xf32> to vector<16xf32>
        %add3A_987 = arith.addf %add3A_943, %get3A_986 : vector<16xf32>
        %get3A_988 = arith.index_cast %add3A_977 : i32 to index
        %get3A_989 = arith.constant 32 : index
        %get3A_990 = tpu.vector_load %arg9[%get3A_988, %get3A_989] {strides = array<i32>} : memref<128x128xf32, #tpu.memory_space<vmem>>, vector<1x16xf32>,
        %get3A_991 = vector.shape_cast %get3A_990 : vector<1x16xf32> to vector<16xf32>
        %add3A_992 = arith.addf %add3A_948, %get3A_991 : vector<16xf32>
        %get3A_993 = arith.index_cast %add3A_977 : i32 to index
        %get3A_994 = arith.constant 48 : index
        %get3A_995 = tpu.vector_load %arg9[%get3A_993, %get3A_994] {strides = array<i32>} : memref<128x128xf32, #tpu.memory_space<vmem>>, vector<1x16xf32>,
        %get3A_996 = vector.shape_cast %get3A_995 : vector<1x16xf32> to vector<16xf32>
        %add3A_997 = arith.addf %add3A_953, %get3A_996 : vector<16xf32>
        %get3A_998 = arith.index_cast %add3A_977 : i32 to index
        %get3A_999 = arith.constant 64 : index
        %get3A_1000 = tpu.vector_load %arg9[%get3A_998, %get3A_999] {strides = array<i32>} : memref<128x128xf32, #tpu.memory_space<vmem>>, vector<1x16xf32>,
        %get3A_1001 = vector.shape_cast %get3A_1000 : vector<1x16xf32> to vector<16xf32>
        %add3A_1002 = arith.addf %add3A_958, %get3A_1001 : vector<16xf32>
        %get3A_1003 = arith.index_cast %add3A_977 : i32 to index
        %get3A_1004 = arith.constant 80 : index
        %get3A_1005 = tpu.vector_load %arg9[%get3A_1003, %get3A_1004] {strides = array<i32>} : memref<128x128xf32, #tpu.memory_space<vmem>>, vector<1x16xf32>,
        %get3A_1006 = vector.shape_cast %get3A_1005 : vector<1x16xf32> to vector<16xf32>
        %add3A_1007 = arith.addf %add3A_963, %get3A_1006 : vector<16xf32>
        %get3A_1008 = arith.index_cast %add3A_977 : i32 to index
        %get3A_1009 = arith.constant 96 : index
        %get3A_1010 = tpu.vector_load %arg9[%get3A_1008, %get3A_1009] {strides = array<i32>} : memref<128x128xf32, #tpu.memory_space<vmem>>, vector<1x16xf32>,
        %get3A_1011 = vector.shape_cast %get3A_1010 : vector<1x16xf32> to vector<16xf32>
        %add3A_1012 = arith.addf %add3A_968, %get3A_1011 : vector<16xf32>
        %get3A_1013 = arith.index_cast %add3A_977 : i32 to index
        %get3A_1014 = arith.constant 112 : index
        %get3A_1015 = tpu.vector_load %arg9[%get3A_1013, %get3A_1014] {strides = array<i32>} : memref<128x128xf32, #tpu.memory_space<vmem>>, vector<1x16xf32>,
        %get3A_1016 = vector.shape_cast %get3A_1015 : vector<1x16xf32> to vector<16xf32>
        %add3A_1017 = arith.addf %add3A_973, %get3A_1016 : vector<16xf32>
        %mul3A_1018 = arith.constant 8 : i32
        %mul3A_1019 = arith.muli %scan3A_702, %mul3A_1018 : i32
        %add3A_1020 = arith.constant 7 : i32
        %add3A_1021 = arith.addi %mul3A_1019, %add3A_1020 : i32
        %get3A_1022 = arith.index_cast %add3A_1021 : i32 to index
        %get3A_1023 = arith.constant 0 : index
        %get3A_1024 = tpu.vector_load %arg9[%get3A_1022, %get3A_1023] {strides = array<i32>} : memref<128x128xf32, #tpu.memory_space<vmem>>, vector<1x16xf32>,
        %get3A_1025 = vector.shape_cast %get3A_1024 : vector<1x16xf32> to vector<16xf32>
        %add3A_1026 = arith.addf %add3A_982, %get3A_1025 : vector<16xf32>
        %get3A_1027 = arith.index_cast %add3A_1021 : i32 to index
        %get3A_1028 = arith.constant 16 : index
        %get3A_1029 = tpu.vector_load %arg9[%get3A_1027, %get3A_1028] {strides = array<i32>} : memref<128x128xf32, #tpu.memory_space<vmem>>, vector<1x16xf32>,
        %get3A_1030 = vector.shape_cast %get3A_1029 : vector<1x16xf32> to vector<16xf32>
        %add3A_1031 = arith.addf %add3A_987, %get3A_1030 : vector<16xf32>
        %get3A_1032 = arith.index_cast %add3A_1021 : i32 to index
        %get3A_1033 = arith.constant 32 : index
        %get3A_1034 = tpu.vector_load %arg9[%get3A_1032, %get3A_1033] {strides = array<i32>} : memref<128x128xf32, #tpu.memory_space<vmem>>, vector<1x16xf32>,
        %get3A_1035 = vector.shape_cast %get3A_1034 : vector<1x16xf32> to vector<16xf32>
        %add3A_1036 = arith.addf %add3A_992, %get3A_1035 : vector<16xf32>
        %get3A_1037 = arith.index_cast %add3A_1021 : i32 to index
        %get3A_1038 = arith.constant 48 : index
        %get3A_1039 = tpu.vector_load %arg9[%get3A_1037, %get3A_1038] {strides = array<i32>} : memref<128x128xf32, #tpu.memory_space<vmem>>, vector<1x16xf32>,
        %get3A_1040 = vector.shape_cast %get3A_1039 : vector<1x16xf32> to vector<16xf32>
        %add3A_1041 = arith.addf %add3A_997, %get3A_1040 : vector<16xf32>
        %get3A_1042 = arith.index_cast %add3A_1021 : i32 to index
        %get3A_1043 = arith.constant 64 : index
        %get3A_1044 = tpu.vector_load %arg9[%get3A_1042, %get3A_1043] {strides = array<i32>} : memref<128x128xf32, #tpu.memory_space<vmem>>, vector<1x16xf32>,
        %get3A_1045 = vector.shape_cast %get3A_1044 : vector<1x16xf32> to vector<16xf32>
        %add3A_1046 = arith.addf %add3A_1002, %get3A_1045 : vector<16xf32>
        %get3A_1047 = arith.index_cast %add3A_1021 : i32 to index
        %get3A_1048 = arith.constant 80 : index
        %get3A_1049 = tpu.vector_load %arg9[%get3A_1047, %get3A_1048] {strides = array<i32>} : memref<128x128xf32, #tpu.memory_space<vmem>>, vector<1x16xf32>,
        %get3A_1050 = vector.shape_cast %get3A_1049 : vector<1x16xf32> to vector<16xf32>
        %add3A_1051 = arith.addf %add3A_1007, %get3A_1050 : vector<16xf32>
        %get3A_1052 = arith.index_cast %add3A_1021 : i32 to index
        %get3A_1053 = arith.constant 96 : index
        %get3A_1054 = tpu.vector_load %arg9[%get3A_1052, %get3A_1053] {strides = array<i32>} : memref<128x128xf32, #tpu.memory_space<vmem>>, vector<1x16xf32>,
        %get3A_1055 = vector.shape_cast %get3A_1054 : vector<1x16xf32> to vector<16xf32>
        %add3A_1056 = arith.addf %add3A_1012, %get3A_1055 : vector<16xf32>
        %get3A_1057 = arith.index_cast %add3A_1021 : i32 to index
        %get3A_1058 = arith.constant 112 : index
        %get3A_1059 = tpu.vector_load %arg9[%get3A_1057, %get3A_1058] {strides = array<i32>} : memref<128x128xf32, #tpu.memory_space<vmem>>, vector<1x16xf32>,
        %get3A_1060 = vector.shape_cast %get3A_1059 : vector<1x16xf32> to vector<16xf32>
        %add3A_1061 = arith.addf %add3A_1017, %get3A_1060 : vector<16xf32>
        scf.yield %add3A_1026, %add3A_1031, %add3A_1036, %add3A_1041, %add3A_1046, %add3A_1051, %add3A_1056, %add3A_1061 : vector<16xf32>, vector<16xf32>, vector<16xf32>, vector<16xf32>, vector<16xf32>, vector<16xf32>, vector<16xf32>, vector<16xf32>
      }
      %scan3A_656 = arith.constant 16 : i32
      %jit3A_657 = arith.constant 8 : i32
      %eq3A_658 = arith.constant 0 : i32
      %eq3A_659 = arith.cmpi eq, %jit3A_657, %eq3A_658 : i32
      %jit3A_660 = arith.constant 1 : i32
      %select_n3A_661 = arith.select %eq3A_659, %jit3A_660, %jit3A_657 : i32
      %rem3A_662 = arith.remsi %add3A_637, %select_n3A_661 : i32
      %ne3A_663 = arith.constant 0 : i32
      %ne3A_664 = arith.cmpi ne, %rem3A_662, %ne3A_663 : i32
      %lt3A_665 = arith.constant 0 : i32
      %lt3A_666 = arith.cmpi slt, %rem3A_662, %lt3A_665 : i32
      %lt3A_667 = arith.constant 0 : i32
      %lt3A_668 = arith.cmpi slt, %select_n3A_661, %lt3A_667 : i32
      %ne3A_669 = arith.xori %lt3A_666, %lt3A_668 : i1
      %and3A_670 = arith.andi %ne3A_669, %ne3A_664 : i1
      %add3A_671 = arith.addi %rem3A_662, %select_n3A_661 : i32
      %select_n3A_672 = arith.select %and3A_670, %add3A_671, %rem3A_662 : i32
      %eq3A_673 = arith.constant 7 : i32
      %eq3A_674 = arith.cmpi eq, %select_n3A_672, %eq3A_673 : i32
      %convert_element_type3A_675 = arith.extui %eq3A_674 : i1 to i32
      %cond3A_676 = arith.constant 0 : i32
      %cond3A_677 = arith.cmpi ne, %convert_element_type3A_675, %cond3A_676 : i32
      scf.if %cond3A_677 {
        %jit3A_702 = arith.constant 8 : i32
        %div3A = arith.divsi %add3A_637, %jit3A_702 : i32
        %sign3A = arith.constant 0 : i32
        %sign3A_703 = arith.cmpi sgt, %add3A_637, %sign3A : i32
        %sign3A_704 = arith.extui %sign3A_703 : i1 to i32
        %sign3A_705 = arith.constant 0 : i32
        %sign3A_706 = arith.cmpi slt, %add3A_637, %sign3A_705 : i32
        %sign3A_707 = arith.extui %sign3A_706 : i1 to i32
        %sign3A_708 = arith.subi %sign3A_704, %sign3A_707 : i32
        %sign3A_709 = arith.constant 0 : i32
        %sign3A_710 = arith.cmpi sgt, %jit3A_702, %sign3A_709 : i32
        %sign3A_711 = arith.extui %sign3A_710 : i1 to i32
        %sign3A_712 = arith.constant 0 : i32
        %sign3A_713 = arith.cmpi slt, %jit3A_702, %sign3A_712 : i32
        %sign3A_714 = arith.extui %sign3A_713 : i1 to i32
        %sign3A_715 = arith.subi %sign3A_711, %sign3A_714 : i32
        %ne3A_716 = arith.cmpi ne, %sign3A_708, %sign3A_715 : i32
        %rem3A_717 = arith.remsi %add3A_637, %jit3A_702 : i32
        %ne3A_718 = arith.constant 0 : i32
        %ne3A_719 = arith.cmpi ne, %rem3A_717, %ne3A_718 : i32
        %and3A_720 = arith.andi %ne3A_716, %ne3A_719 : i1
        %sub3A = arith.constant 1 : i32
        %sub3A_721 = arith.subi %div3A, %sub3A : i32
        %select_n3A_722 = arith.select %and3A_720, %sub3A_721, %div3A : i32
        %mul3A_723 = vector.broadcast %scan3A_423 : f32 to vector<16xf32>
        %mul3A_724 = arith.mulf %scan3A_655#0, %mul3A_723 : vector<16xf32>
        %swap3A = arith.index_cast %select_n3A_722 : i32 to index
        %swap3A_725 = arith.constant 0 : index
        %swap3A_726 = tpu.vector_load %arg10[%swap3A, %swap3A_725] {strides = array<i32>} : memref<25x128xf32, #tpu.memory_space<vmem>>, vector<1x16xf32>,
        %swap3A_727 = vector.shape_cast %swap3A_726 : vector<1x16xf32> to vector<16xf32>
        %swap3A_728 = vector.shape_cast %mul3A_724 : vector<16xf32> to vector<1x16xf32>
        tpu.vector_store %arg10[%swap3A, %swap3A_725], %swap3A_728 {strides = array<i32>} : memref<25x128xf32, #tpu.memory_space<vmem>>, vector<1x16xf32>,
        %mul3A_729 = vector.broadcast %scan3A_423 : f32 to vector<16xf32>
        %mul3A_730 = arith.mulf %scan3A_655#1, %mul3A_729 : vector<16xf32>
        %swap3A_731 = arith.index_cast %select_n3A_722 : i32 to index
        %swap3A_732 = arith.constant 16 : index
        %swap3A_733 = tpu.vector_load %arg10[%swap3A_731, %swap3A_732] {strides = array<i32>} : memref<25x128xf32, #tpu.memory_space<vmem>>, vector<1x16xf32>,
        %swap3A_734 = vector.shape_cast %swap3A_733 : vector<1x16xf32> to vector<16xf32>
        %swap3A_735 = vector.shape_cast %mul3A_730 : vector<16xf32> to vector<1x16xf32>
        tpu.vector_store %arg10[%swap3A_731, %swap3A_732], %swap3A_735 {strides = array<i32>} : memref<25x128xf32, #tpu.memory_space<vmem>>, vector<1x16xf32>,
        %mul3A_736 = vector.broadcast %scan3A_423 : f32 to vector<16xf32>
        %mul3A_737 = arith.mulf %scan3A_655#2, %mul3A_736 : vector<16xf32>
        %swap3A_738 = arith.index_cast %select_n3A_722 : i32 to index
        %swap3A_739 = arith.constant 32 : index
        %swap3A_740 = tpu.vector_load %arg10[%swap3A_738, %swap3A_739] {strides = array<i32>} : memref<25x128xf32, #tpu.memory_space<vmem>>, vector<1x16xf32>,
        %swap3A_741 = vector.shape_cast %swap3A_740 : vector<1x16xf32> to vector<16xf32>
        %swap3A_742 = vector.shape_cast %mul3A_737 : vector<16xf32> to vector<1x16xf32>
        tpu.vector_store %arg10[%swap3A_738, %swap3A_739], %swap3A_742 {strides = array<i32>} : memref<25x128xf32, #tpu.memory_space<vmem>>, vector<1x16xf32>,
        %mul3A_743 = vector.broadcast %scan3A_423 : f32 to vector<16xf32>
        %mul3A_744 = arith.mulf %scan3A_655#3, %mul3A_743 : vector<16xf32>
        %swap3A_745 = arith.index_cast %select_n3A_722 : i32 to index
        %swap3A_746 = arith.constant 48 : index
        %swap3A_747 = tpu.vector_load %arg10[%swap3A_745, %swap3A_746] {strides = array<i32>} : memref<25x128xf32, #tpu.memory_space<vmem>>, vector<1x16xf32>,
        %swap3A_748 = vector.shape_cast %swap3A_747 : vector<1x16xf32> to vector<16xf32>
        %swap3A_749 = vector.shape_cast %mul3A_744 : vector<16xf32> to vector<1x16xf32>
        tpu.vector_store %arg10[%swap3A_745, %swap3A_746], %swap3A_749 {strides = array<i32>} : memref<25x128xf32, #tpu.memory_space<vmem>>, vector<1x16xf32>,
        %mul3A_750 = vector.broadcast %scan3A_423 : f32 to vector<16xf32>
        %mul3A_751 = arith.mulf %scan3A_655#4, %mul3A_750 : vector<16xf32>
        %swap3A_752 = arith.index_cast %select_n3A_722 : i32 to index
        %swap3A_753 = arith.constant 64 : index
        %swap3A_754 = tpu.vector_load %arg10[%swap3A_752, %swap3A_753] {strides = array<i32>} : memref<25x128xf32, #tpu.memory_space<vmem>>, vector<1x16xf32>,
        %swap3A_755 = vector.shape_cast %swap3A_754 : vector<1x16xf32> to vector<16xf32>
        %swap3A_756 = vector.shape_cast %mul3A_751 : vector<16xf32> to vector<1x16xf32>
        tpu.vector_store %arg10[%swap3A_752, %swap3A_753], %swap3A_756 {strides = array<i32>} : memref<25x128xf32, #tpu.memory_space<vmem>>, vector<1x16xf32>,
        %mul3A_757 = vector.broadcast %scan3A_423 : f32 to vector<16xf32>
        %mul3A_758 = arith.mulf %scan3A_655#5, %mul3A_757 : vector<16xf32>
        %swap3A_759 = arith.index_cast %select_n3A_722 : i32 to index
        %swap3A_760 = arith.constant 80 : index
        %swap3A_761 = tpu.vector_load %arg10[%swap3A_759, %swap3A_760] {strides = array<i32>} : memref<25x128xf32, #tpu.memory_space<vmem>>, vector<1x16xf32>,
        %swap3A_762 = vector.shape_cast %swap3A_761 : vector<1x16xf32> to vector<16xf32>
        %swap3A_763 = vector.shape_cast %mul3A_758 : vector<16xf32> to vector<1x16xf32>
        tpu.vector_store %arg10[%swap3A_759, %swap3A_760], %swap3A_763 {strides = array<i32>} : memref<25x128xf32, #tpu.memory_space<vmem>>, vector<1x16xf32>,
        %mul3A_764 = vector.broadcast %scan3A_423 : f32 to vector<16xf32>
        %mul3A_765 = arith.mulf %scan3A_655#6, %mul3A_764 : vector<16xf32>
        %swap3A_766 = arith.index_cast %select_n3A_722 : i32 to index
        %swap3A_767 = arith.constant 96 : index
        %swap3A_768 = tpu.vector_load %arg10[%swap3A_766, %swap3A_767] {strides = array<i32>} : memref<25x128xf32, #tpu.memory_space<vmem>>, vector<1x16xf32>,
        %swap3A_769 = vector.shape_cast %swap3A_768 : vector<1x16xf32> to vector<16xf32>
        %swap3A_770 = vector.shape_cast %mul3A_765 : vector<16xf32> to vector<1x16xf32>
        tpu.vector_store %arg10[%swap3A_766, %swap3A_767], %swap3A_770 {strides = array<i32>} : memref<25x128xf32, #tpu.memory_space<vmem>>, vector<1x16xf32>,
        %mul3A_771 = vector.broadcast %scan3A_423 : f32 to vector<16xf32>
        %mul3A_772 = arith.mulf %scan3A_655#7, %mul3A_771 : vector<16xf32>
        %swap3A_773 = arith.index_cast %select_n3A_722 : i32 to index
        %swap3A_774 = arith.constant 112 : index
        %swap3A_775 = tpu.vector_load %arg10[%swap3A_773, %swap3A_774] {strides = array<i32>} : memref<25x128xf32, #tpu.memory_space<vmem>>, vector<1x16xf32>,
        %swap3A_776 = vector.shape_cast %swap3A_775 : vector<1x16xf32> to vector<16xf32>
        %swap3A_777 = vector.shape_cast %mul3A_772 : vector<16xf32> to vector<1x16xf32>
        tpu.vector_store %arg10[%swap3A_773, %swap3A_774], %swap3A_777 {strides = array<i32>} : memref<25x128xf32, #tpu.memory_space<vmem>>, vector<1x16xf32>,
      } else {
      }
      %broadcast_in_dim3A_678 = arith.constant 0.000000e+00 : f32
      %broadcast_in_dim3A_679 = vector.broadcast %broadcast_in_dim3A_678 : f32 to vector<16xf32>
      %select_n3A_680 = arith.select %eq3A_674, %broadcast_in_dim3A_679, %scan3A_655#0 : vector<16xf32>
      %broadcast_in_dim3A_681 = arith.constant 0.000000e+00 : f32
      %broadcast_in_dim3A_682 = vector.broadcast %broadcast_in_dim3A_681 : f32 to vector<16xf32>
      %select_n3A_683 = arith.select %eq3A_674, %broadcast_in_dim3A_682, %scan3A_655#1 : vector<16xf32>
      %broadcast_in_dim3A_684 = arith.constant 0.000000e+00 : f32
      %broadcast_in_dim3A_685 = vector.broadcast %broadcast_in_dim3A_684 : f32 to vector<16xf32>
      %select_n3A_686 = arith.select %eq3A_674, %broadcast_in_dim3A_685, %scan3A_655#2 : vector<16xf32>
      %broadcast_in_dim3A_687 = arith.constant 0.000000e+00 : f32
      %broadcast_in_dim3A_688 = vector.broadcast %broadcast_in_dim3A_687 : f32 to vector<16xf32>
      %select_n3A_689 = arith.select %eq3A_674, %broadcast_in_dim3A_688, %scan3A_655#3 : vector<16xf32>
      %broadcast_in_dim3A_690 = arith.constant 0.000000e+00 : f32
      %broadcast_in_dim3A_691 = vector.broadcast %broadcast_in_dim3A_690 : f32 to vector<16xf32>
      %select_n3A_692 = arith.select %eq3A_674, %broadcast_in_dim3A_691, %scan3A_655#4 : vector<16xf32>
      %broadcast_in_dim3A_693 = arith.constant 0.000000e+00 : f32
      %broadcast_in_dim3A_694 = vector.broadcast %broadcast_in_dim3A_693 : f32 to vector<16xf32>
      %select_n3A_695 = arith.select %eq3A_674, %broadcast_in_dim3A_694, %scan3A_655#5 : vector<16xf32>
      %broadcast_in_dim3A_696 = arith.constant 0.000000e+00 : f32
      %broadcast_in_dim3A_697 = vector.broadcast %broadcast_in_dim3A_696 : f32 to vector<16xf32>
      %select_n3A_698 = arith.select %eq3A_674, %broadcast_in_dim3A_697, %scan3A_655#6 : vector<16xf32>
      %broadcast_in_dim3A_699 = arith.constant 0.000000e+00 : f32
      %broadcast_in_dim3A_700 = vector.broadcast %broadcast_in_dim3A_699 : f32 to vector<16xf32>
      %select_n3A_701 = arith.select %eq3A_674, %broadcast_in_dim3A_700, %scan3A_655#7 : vector<16xf32>
      scf.yield %select_n3A_680, %select_n3A_683, %select_n3A_686, %select_n3A_689, %select_n3A_692, %select_n3A_695, %select_n3A_698, %select_n3A_701 : vector<16xf32>, vector<16xf32>, vector<16xf32>, vector<16xf32>, vector<16xf32>, vector<16xf32>, vector<16xf32>, vector<16xf32>
    }
    %scan3A_429 = arith.constant 50 : i32
    "tpu.region"() ({
      %run_scoped3A = tpu.sem_alloc : memref<!tpu.dma_semaphore, #tpu.memory_space<semaphore_mem>>
      %dma_start3A_430 = arith.constant 0 : i32
      %dma_start3A_431 = arith.constant 0 : i32
      %dma_start3A_432 = tpu.memref_slice %arg4[%add3A, %dma_start3A_430, %dma_start3A_431] : memref<32x25x128xf32, #tpu.memory_space<hbm>> -> memref<1x25x128xf32, #tpu.memory_space<hbm>>
      %dma_start3A_433 = tpu.memref_squeeze %dma_start3A_432 : memref<1x25x128xf32, #tpu.memory_space<hbm>> -> memref<25x128xf32, #tpu.memory_space<hbm>>
      %dma_start3A_434 = arith.constant 0 : i32
      %dma_start3A_435 = arith.constant 0 : i32
      %dma_start3A_436 = tpu.memref_slice %arg4[%add3A, %dma_start3A_434, %dma_start3A_435] : memref<32x25x128xf32, #tpu.memory_space<hbm>> -> memref<1x25x128xf32, #tpu.memory_space<hbm>>
      %dma_start3A_437 = tpu.memref_squeeze %dma_start3A_436 : memref<1x25x128xf32, #tpu.memory_space<hbm>> -> memref<25x128xf32, #tpu.memory_space<hbm>>
      tpu.enqueue_dma source(%arg10 : memref<25x128xf32, #tpu.memory_space<vmem>>) target(%dma_start3A_437 : memref<25x128xf32, #tpu.memory_space<hbm>>) target_semaphore(%run_scoped3A : memref<!tpu.dma_semaphore, #tpu.memory_space<semaphore_mem>>)
      %dma_wait3A_438 = arith.constant 0 : i32
      %dma_wait3A_439 = arith.constant 0 : i32
      %dma_wait3A_440 = tpu.memref_slice %arg4[%add3A, %dma_wait3A_438, %dma_wait3A_439] : memref<32x25x128xf32, #tpu.memory_space<hbm>> -> memref<1x25x128xf32, #tpu.memory_space<hbm>>
      %dma_wait3A_441 = tpu.memref_squeeze %dma_wait3A_440 : memref<1x25x128xf32, #tpu.memory_space<hbm>> -> memref<25x128xf32, #tpu.memory_space<hbm>>
      %dma_wait3A_442 = arith.constant 0 : i32
      %dma_wait3A_443 = arith.constant 0 : i32
      %dma_wait3A_444 = tpu.memref_slice %arg4[%add3A, %dma_wait3A_442, %dma_wait3A_443] : memref<32x25x128xf32, #tpu.memory_space<hbm>> -> memref<1x25x128xf32, #tpu.memory_space<hbm>>
      %dma_wait3A_445 = tpu.memref_squeeze %dma_wait3A_444 : memref<1x25x128xf32, #tpu.memory_space<hbm>> -> memref<25x128xf32, #tpu.memory_space<hbm>>
      tpu.wait_dma2 semaphore(%run_scoped3A : memref<!tpu.dma_semaphore, #tpu.memory_space<semaphore_mem>>) src(%arg10 : memref<25x128xf32, #tpu.memory_space<vmem>>) dst(%dma_wait3A_445 : memref<25x128xf32, #tpu.memory_space<hbm>>)
      tpu.yield
    }) : () -> ()
    return
  }
}

module attributes {stable_mosaic.version = 14 : i64} {
  func.func @_matmul_body(%arg0: i32, %arg1: memref<4x200x128xf32, #tpu.memory_space<vmem>>, %arg2: memref<8192x128xf32, #tpu.memory_space<vmem>>, %arg3: memref<1x8192xf32, #tpu.memory_space<vmem>>, %arg4: memref<200x8192xf32, #tpu.memory_space<vmem>>) attributes {dimension_semantics = [#tpu.dimension_semantics<arbitrary>], iteration_bounds = array<i64: 13>, scalar_prefetch = 0 : i64, scratch_operands = 0 : i64, tpu.core_type = #tpu.core_type<tc>, window_params = [{pipeline_mode = #tpu.pipeline_mode<synchronous>, transform_indices = @transform_0, window_bounds = array<i64: 4, 200, 128>}, {transform_indices = @transform_1, window_bounds = array<i64: 8192, 128>}, {transform_indices = @transform_2, window_bounds = array<i64: 1, 8192>}, {transform_indices = @transform_3, window_bounds = array<i64: 200, 8192>}]} {
    %get3A = arith.constant 0 : index
    %get3A_0 = arith.constant 0 : index
    %get3A_1 = arith.constant 0 : index
    %get3A_2 = vector.load %arg1[%get3A, %get3A_0, %get3A_1] : memref<4x200x128xf32, #tpu.memory_space<vmem>>, vector<1x200x128xf32>
    %get3A_3 = vector.shape_cast %get3A_2 : vector<1x200x128xf32> to vector<200x128xf32>
    %get3A_4 = arith.constant 1 : index
    %get3A_5 = arith.constant 0 : index
    %get3A_6 = arith.constant 0 : index
    %get3A_7 = vector.load %arg1[%get3A_4, %get3A_5, %get3A_6] : memref<4x200x128xf32, #tpu.memory_space<vmem>>, vector<1x200x128xf32>
    %get3A_8 = vector.shape_cast %get3A_7 : vector<1x200x128xf32> to vector<200x128xf32>
    %add3A = arith.addf %get3A_3, %get3A_8 : vector<200x128xf32>
    %get3A_9 = arith.constant 2 : index
    %get3A_10 = arith.constant 0 : index
    %get3A_11 = arith.constant 0 : index
    %get3A_12 = vector.load %arg1[%get3A_9, %get3A_10, %get3A_11] : memref<4x200x128xf32, #tpu.memory_space<vmem>>, vector<1x200x128xf32>
    %get3A_13 = vector.shape_cast %get3A_12 : vector<1x200x128xf32> to vector<200x128xf32>
    %get3A_14 = arith.constant 3 : index
    %get3A_15 = arith.constant 0 : index
    %get3A_16 = arith.constant 0 : index
    %get3A_17 = vector.load %arg1[%get3A_14, %get3A_15, %get3A_16] : memref<4x200x128xf32, #tpu.memory_space<vmem>>, vector<1x200x128xf32>
    %get3A_18 = vector.shape_cast %get3A_17 : vector<1x200x128xf32> to vector<200x128xf32>
    %add3A_19 = arith.addf %get3A_13, %get3A_18 : vector<200x128xf32>
    %add3A_20 = arith.addf %add3A, %add3A_19 : vector<200x128xf32>
    %get3A_21 = arith.constant 0 : index
    %get3A_22 = arith.constant 0 : index
    %get3A_23 = vector.load %arg2[%get3A_21, %get3A_22] : memref<8192x128xf32, #tpu.memory_space<vmem>>, vector<8192x128xf32>
    %dot_general3A = arith.constant dense<0.000000e+00> : vector<200x8192xf32>
    %dot_general3A_24 = tpu.matmul %add3A_20, %get3A_23, %dot_general3A {dimension_numbers = #tpu.dot_dimension_numbers<[1], [1], [0], [0], [0, 0, 1, 0], [], []>, transpose_lhs_hint = false} : vector<200x128xf32>, vector<8192x128xf32>, vector<200x8192xf32> -> vector<200x8192xf32>
    %get3A_25 = arith.constant 0 : index
    %get3A_26 = arith.constant 0 : index
    %get3A_27 = vector.load %arg3[%get3A_25, %get3A_26] : memref<1x8192xf32, #tpu.memory_space<vmem>>, vector<1x8192xf32>
    %add3A_28 = vector.broadcast %get3A_27 : vector<1x8192xf32> to vector<200x8192xf32>
    %add3A_29 = arith.addf %dot_general3A_24, %add3A_28 : vector<200x8192xf32>
    %swap3A = arith.constant 0 : index
    %swap3A_30 = arith.constant 0 : index
    %swap3A_31 = vector.load %arg4[%swap3A, %swap3A_30] : memref<200x8192xf32, #tpu.memory_space<vmem>>, vector<200x8192xf32>
    tpu.vector_store %arg4[%swap3A, %swap3A_30], %add3A_29 {strides = array<i32>} : memref<200x8192xf32, #tpu.memory_space<vmem>>, vector<200x8192xf32>,
    return
  }
  func.func @transform_0(%arg0: i32) -> (i32, i32, i32) {
    %c0_i32 = arith.constant 0 : i32
    %c0_i32_0 = arith.constant 0 : i32
    %c0_i32_1 = arith.constant 0 : i32
    %c0_i32_2 = arith.constant 0 : i32
    return %c0_i32, %c0_i32_0, %c0_i32_1 : i32, i32, i32
  }
  func.func @transform_1(%arg0: i32) -> (i32, i32) {
    %c0_i32 = arith.constant 0 : i32
    %c0_i32_0 = arith.constant 0 : i32
    return %arg0, %c0_i32 : i32, i32
  }
  func.func @transform_2(%arg0: i32) -> (i32, i32) {
    %c0_i32 = arith.constant 0 : i32
    %c0_i32_0 = arith.constant 0 : i32
    return %c0_i32, %arg0 : i32, i32
  }
  func.func @transform_3(%arg0: i32) -> (i32, i32) {
    %c0_i32 = arith.constant 0 : i32
    %c0_i32_0 = arith.constant 0 : i32
    return %c0_i32, %arg0 : i32, i32
  }
}

</mosaic_0001>

<sc_bundles>
// kernel: kernel.4.cloned.1.call-start
scs
__scs_entry_jumppad:
0x0: {  	(pc) =	sbr.rel $0x88, $3  }
0x1: {  	(tag) =	ssettag $0x0;
	lr =	simm.s32 $0x1  }
0x2: {  	[smem:$0x3F9D] =	sst lr;
	_ =	strace $0xD0000000  }
0x3: {  	_ = 	snop  }
0x4: {  	_ = 	snop  }
0x5: {  	_ = 	snop  }
0x6: {  	_ = 	snop  }
0x7: {  	_ = 	snop  }
__scs_overlays_trampoline_lowered:
0x8: {  	[smem:$0x3FAC] =	sst s0  }
0x9: {  	[smem:$0x3FAD] =	sst s1  }
0xa: {  	[smem:$0x3FAE] =	sst s2  }
0xb: {  	[smem:$0x3FAF] =	sst s3  }
0xc: {  	[smem:$0x3FB0] =	sst s4  }
0xd: {  	[smem:$0x3FB1] =	sst s5  }
0xe: {  	[smem:$0x3FB2] =	sst s6  }
0xf: {  	[smem:$0x3FB3] =	sst s7  }
0x10: {  	[smem:$0x3FB4] =	sst s8  }
0x11: {  	[smem:$0x3FB5] =	sst s9;
	s0 =	simm.s32 @!p0 $0x0  }
0x12: {  	s1 =	sld [smem:$0x3F9B];
	s0 =	simm.s32 @p0 $0x1  }
0x13: {  	[smem:$0x3FB6] =	sst s0;
	s0 =	simm.s32 @!p1 $0x0  }
0x14: {  	s2 =	sld [smem:$0x3F9A];
	s0 =	simm.s32 @p1 $0x1  }
0x15: {  	[smem:$0x3FB7] =	sst s0;
	s0 =	simm.s32 @!p2 $0x0  }
0x16: {  	s3 =	sld [smem:$0x3FDB];
	s0 =	simm.s32 @p2 $0x1  }
0x17: {  	s4 =	simm.s32 $0x1BF5;
	[smem:$0x3FB9] =	sst s0  }
0x18: {  	s0 =	sld [smem:$0x3F9C];
	_ =	swait.ge [sflag:s4], $0x0  }
0x19: {  	s7 =	sld [smem:$0x3F9D]  }
0x1a: {  	s8 =	sadd.s32 $0xFFFFE003, lr  }
0x1b: {  	s9 =	sadd.s32 $0xFFFFFEF7, lr;
	s5 =	simm.s32 $0xFFFFFFFF;
	p2 =	slt.u32 s8, $0xFFFFF086  }
0x1c: {  	p1 =	slt.u32 s9, $0xF7A;
	s5 =	simm.s32 @!p2 $0x0  }
0x1d: {  	s5 =	simm.s32 @p1 $0x1;
	p0 =	seq.s32 s7, s2  }
0x1e: {  	s7 =	smul.u32 @!p0 $0xF7A, s2;
	p2 =	seq.s32 @!p0 s5, $0x0  }
0x1f: {  	s9 =	smul.u32 $0xF7A, s1;
	s8 =	simm.s32 @!p0 $0x1BF5;
	p2 =	por !p2, p0  }
0x20: {  	[sflag:s8] =	ssyncset.s32 @!p0 $0xFFFFF086;
	s6 =	sadd.s32 @!p0 s3, s7;
	s7 =	simm.s32 @!p0 $0x108  }
0x21: {  	s3 =	sadd.s32 s3, s9;
	s6 =	sadd.s32 @!p0 $0x88, s6;
	s7 =	simm.s32 @p2 $0x1082  }
0x22: {  	[simem:s7], [sflag:s8] =	dma.local @!p0 [hbm:s6], $0xF7A  }
0x23: {  	s9 =	sor.u32 $0xD0000000, s2;
	s6 =	simm.s32 $0x108;
	_ =	swait.ge @!p0 [sflag:s8], $0x0  }
0x24: {  	s3 =	sadd.s32 $0x88, s3;
	s6 =	simm.s32 @!p1 $0x1082;
	[sflag:s4] =	ssyncset.s32 $0xFFFFF086  }
0x25: {  	[simem:s6], [sflag:s4] =	dma.local [hbm:s3], $0xF7A  }
0x26: {  	[smem:$0x3F9D] =	sst s1;
	(tag) =	ssettag s2;
	_ =	strace s9  }
0x27: {  	s1 =	sld [smem:$0x3FAD]  }
0x28: {  	s2 =	sld [smem:$0x3FAE]  }
0x29: {  	s4 =	sld [smem:$0x3FB0]  }
0x2a: {  	p0 =	seq.s32 s5, $0x0;
	s5 =	sld [smem:$0x3FB1]  }
0x2b: {  	s6 =	sld [smem:$0x3FB2]  }
0x2c: {  	s7 =	sld [smem:$0x3FB3]  }
0x2d: {  	s3 =	simm.s32 $0x108;
	s8 =	sld [smem:$0x3FB4]  }
0x2e: {  	s3 =	simm.s32 @!p0 $0x1082;
	s9 =	sld [smem:$0x3FB5]  }
0x2f: {  	lr =	sadd.s32 s0, s3;
	s0 =	sld [smem:$0x3FAC]  }
0x30: {  	s3 =	sld [smem:$0x3FAF]  }
0x31: {  	[smem:$0x3FB8] =	sst s10  }
0x32: {  	s10 =	sld [smem:$0x3FB6];
	_ =	sdelay $0x3  }
0x33: {  	p0 =	seq.s32 s10, $0x1;
	s10 =	sld [smem:$0x3FB8];
	_ =	sdelay $0x3  }
0x34: {  	[smem:$0x3FB8] =	sst s10  }
0x35: {  	s10 =	sld [smem:$0x3FB7];
	_ =	sdelay $0x3  }
0x36: {  	p1 =	seq.s32 s10, $0x1;
	s10 =	sld [smem:$0x3FB8];
	_ =	sdelay $0x3  }
0x37: {  	[smem:$0x3FB8] =	sst s10  }
0x38: {  	s10 =	sld [smem:$0x3FB9]  }
0x39: {  	_ = 	snop;
	(pc) =	sbr.ind lr, $3  }
0x3a: {  	_ = 	snop  }
0x3b: {  	_ = 	snop  }
0x3c: {  	p2 =	seq.s32 s10, $0x1;
	s10 =	sld [smem:$0x3FB8]  }
0x3d: {  	_ =	shalt  }
0x3e: {  	_ =	shalt  }
0x3f: {  	_ =	shalt  }
0x40: {  	_ =	shalt  }
0x41: {  	_ =	shalt  }
0x42: {  	_ =	shalt  }
0x43: {  	_ =	shalt  }
0x44: {  	_ =	shalt  }
0x45: {  	_ =	shalt  }
0x46: {  	_ =	shalt  }
0x47: {  	_ =	shalt  }
0x48: {  	_ =	shalt  }
0x49: {  	_ =	shalt  }
0x4a: {  	_ =	shalt  }
0x4b: {  	_ =	shalt  }
0x4c: {  	_ =	shalt  }
0x4d: {  	_ =	shalt  }
0x4e: {  	_ =	shalt  }
0x4f: {  	_ =	shalt  }
0x50: {  	_ =	shalt  }
0x51: {  	_ =	shalt  }
0x52: {  	_ =	shalt  }
0x53: {  	_ =	shalt  }
0x54: {  	_ =	shalt  }
0x55: {  	_ =	shalt  }
0x56: {  	_ =	shalt  }
0x57: {  	_ =	shalt  }
0x58: {  	_ =	shalt  }
0x59: {  	_ =	shalt  }
0x5a: {  	_ =	shalt  }
0x5b: {  	_ =	shalt  }
0x5c: {  	_ =	shalt  }
0x5d: {  	_ =	shalt  }
0x5e: {  	_ =	shalt  }
0x5f: {  	_ =	shalt  }
0x60: {  	_ =	shalt  }
0x61: {  	_ =	shalt  }
0x62: {  	_ =	shalt  }
0x63: {  	_ =	shalt  }
0x64: {  	_ =	shalt  }
0x65: {  	_ =	shalt  }
0x66: {  	_ =	shalt  }
0x67: {  	_ =	shalt  }
0x68: {  	_ =	shalt  }
0x69: {  	_ =	shalt  }
0x6a: {  	_ =	shalt  }
0x6b: {  	_ =	shalt  }
0x6c: {  	_ =	shalt  }
0x6d: {  	_ =	shalt  }
0x6e: {  	_ =	shalt  }
0x6f: {  	_ =	shalt  }
0x70: {  	_ =	shalt  }
0x71: {  	_ =	shalt  }
0x72: {  	_ =	shalt  }
0x73: {  	_ =	shalt  }
0x74: {  	_ =	shalt  }
0x75: {  	_ =	shalt  }
0x76: {  	_ =	shalt  }
0x77: {  	_ =	shalt  }
0x78: {  	_ =	shalt  }
0x79: {  	_ =	shalt  }
0x7a: {  	_ =	shalt  }
0x7b: {  	_ =	shalt  }
0x7c: {  	_ =	shalt  }
0x7d: {  	_ =	shalt  }
0x7e: {  	_ =	shalt  }
0x7f: {  	_ =	shalt  }
0x80: {  	_ =	shalt  }
0x81: {  	_ =	shalt  }
0x82: {  	_ =	shalt  }
0x83: {  	_ =	shalt  }
0x84: {  	_ =	shalt  }
0x85: {  	_ =	shalt  }
0x86: {  	_ =	shalt  }
0x87: {  	_ =	shalt  }
.Lfunc_end0:
.L_simem_size_0:
called_computation_lowered:
.L_overlay_start_0:
0x88: {  	s2 =	sld [smem:$0x3FD9]  }
0x89: {  	s3 =	sld [smem:$0x3FFE];
	_ =	sdelay $0x1  }
0x8a: {  	s1 =	srdreg.scid  }
0x8b: {  	s0 =	sand.u32 $0x1, s1  }
0x8c: {  	s17 =	sshll.u32 s0, $0xA;
	s2 =	sadd.s32 s3, s2  }
0x8d: {  	s2 =	sadd.s32 s2, s17  }
0x8e: {  	[smem:$0x3FC4] =	sst s2  }
0x8f: {  	_ = 	snop  }
0x90: {  	s2 =	sld [smem:$0x3FC8]  }
0x91: {  	s18 =	sld [smem:$0x3FD0];
	(tm) =	ssettm $0x1  }
0x92: {  	s4 =	sld [smem:$0x3FFB];
	_ =	sdelay $0x3  }
0x93: {  	_ =	strace s4  }
0x94: {  	s4 =	sld [smem:$0x3FFC];
	_ =	sdelay $0x3  }
0x95: {  	_ =	strace s4  }
0x96: {  	s4 =	sld [smem:$0x3FFD];
	_ =	sdelay $0x3  }
0x97: {  	_ =	strace s4  }
0x98: {  	_ =	strace $0x8FFFFFFF  }
0x99: {  	s19 =	sld [smem:$0x3FDB];
	_ =	sdelay $0x1  }
0x9a: {  	s5 =	simm.s32 $_scs_section_size  }
0x9b: {  	s6 =	simm.s32 $_size__tile_overlayer_lowered;
	s7 =	simm.s32 $_tile_overlayer_lowered  }
0x9c: {  	s22 =	simm.s32 $0x1BFF;
	s21 =	sshll.u32 s7, $0x1;
	s4 =	sadd.s32 s5, s19  }
0x9d: {  	s8 =	simm.s32 $0x0;
	s20 =	sshll.u32 s6, $0x1;
	s6 =	sadd.s32 s21, s4  }
0x9e: {  	[timem:s8], [sflag:s22] =	dma.local [hbm:s6], s20  }
0x9f: {  	_ =	swait.ge [sflag:s22], s20  }
0xa0: {  	s5 =	ssub.s32 $0x0, s20;
	[sflag:s22] =	ssyncset.done $0x0  }
0xa1: {  	[sflag:s22] =	ssyncadd.s32 s5;
	_ =	sdelay $0x1  }
0xa2: {  	s23 =	simm.s32 $0x1B8B  }
0xa3: {  	_ =	swait.ge [sflag:s23], $0x1  }
0xa4: {  	[sflag:s23] =	ssyncset.done $0x0  }
0xa5: {  	s25 =	simm.s32 $0x1B8E;
	s24 =	sld [smem:$0x3FFE];
	[sflag:s23] =	ssyncadd.s32 $0xFFFFFFFF  }
0xa6: {  	s26 =	simm.s32 $execute0_lowered;
	[smem:$0x3FD2] =	sst s25  }
0xa7: {  	s6 =	sshll.u32 s26, $0x1;
	_ =	strace $0x80000046;
	[dreg:$0x1] =	wrdreg $0xFFFFFFFF  }
0xa8: {  	s28 =	simm.s32 $_size_execute0_lowered;
	s4 =	sadd.s32 s4, s6;
	[dreg:$0x0] =	wrdreg $0x0  }
0xa9: {  	s6 =	sshll.u32 s28, $0x1;
	[dreg:$0x2] =	wrdreg s4  }
0xaa: {  	[dreg:$0x3] =	wrdreg s6  }
0xab: {  	[dreg:$0x4] =	wrdreg $0xC0  }
0xac: {  	_ =	task [dreg:s8], $0x5FFFF  }
0xad: {  	[dreg:$0x1] =	wrdreg $0xFFFFFFFF  }
0xae: {  	[dreg:$0x0] =	wrdreg $0x60  }
0xaf: {  	[dreg:$0x2] =	wrdreg s18  }
0xb0: {  	[dreg:$0x3] =	wrdreg s2  }
0xb1: {  	[dreg:$0x4] =	wrdreg s24  }
0xb2: {  	[dreg:$0x5] =	wrdreg $0x9  }
0xb3: {  	_ =	task.clear_ibuf [dreg:s8], $0x6FFFF;
	_ =	strace $0x90000046  }
0xb4: {  	s29 =	simm.s32 $0x9;
	_ =	strace $0x80000048  }
0xb5: {  	_ =	swait.ge [sflag:s29], $0x1  }
0xb6: {  	[sflag:s29] =	ssyncadd.s32 $0xFFFFFFFF  }
0xb7: {  	_ =	strace $0x90000048  }
0xb8: {  	_ =	sfence  }
0xb9: {  	s30 =	sld [smem:$0x0];
	_ =	sdelay $0x2  }
0xba: {  	s31 =	sshll.u32 s1, $0xD;
	s1 =	sshrl.u32 s1, $0x2  }
0xbb: {  	s3 =	sand.u32 $0x4000, s31;
	s1 =	sadd.s32 s1, s30  }
0xbc: {  	s0 =	sor.u32 s3, s0;
	s1 =	sshll.u32 s1, $0x11  }
0xbd: {  	s0 =	sor.u32 s1, s0  }
0xbe: {  	s0 =	sadd.s32 $0x8F2B, s0  }
0xbf: {  	[sflag:s0] =	ssyncadd.remote.s32 $0x1  }
0xc0: {  	_ =	sfence.sel $0xFFFF  }
0xc1: {  	[dreg:$0x0] =	wrdreg $0xFFFFFFFF;
	(pc) =	sbr.abs _section_cstart, $3  }
0xc2: {  	[dreg:$0x1] =	wrdreg $0xFFFFFFFF  }
0xc3: {  	_ =	task.clear_ibuf [dreg:s8], $0x2FFFF;
	_ =	strace $0x9FFFFFFF  }
0xc4: {  	(tm) =	ssettm $0x7FFFFFFF  }
0xc5: {  	_ =	shalt  }
tec
execute0_lowered:
.L_overlay_start_1:
0x0: {  	(tag) =	ssettag $0x1  }
0x1: {  	s4 =	rddreg [dreg:$0x0]  }
0x2: {  	s1 =	rddreg [dreg:$0x1]  }
0x3: {  	s5 =	rddreg [dreg:$0x2]  }
0x4: {  	s0 =	rddreg [dreg:$0x3];
	s6 =	srdreg.scid  }
0x5: {  	s3 =	simm.s32 $0x0;
	s2 =	stileid.u32;
	s10 =	simm.s32 $0xA400  }
0x6: {  	s11 =	simm.s32 $0x100;
	s12 =	simm.s32 $0xE400;
	s13 =	simm.s32 $0x180  }
0x7: {  	s14 =	simm.s32 $0x12400;
	s15 =	simm.s32 $0x2;
	s16 =	simm.s32 $0x3  }
0x8: {  	s17 =	simm.s32 $0x4;
	s18 =	simm.s32 $0x5;
	s19 =	simm.s32 $0x16400  }
0x9: {  	s20 =	simm.s32 $0x6;
	s21 =	simm.s32 $0x0;
	s6 =	sand.u32 $0x1, s6  }
0xa: {  	[smem:$0x7FF] =	sst s3;
	s7 =	sshll.u32 s2, $0xA;
	s9 =	sshll.u32 s2, $0x8  }
0xb: {  	s8 =	sshll.u32 s6, $0x9;
	_ =	strace $0x80000047;
	s29 =	ssub.s32 $0x2, s6  }
0xc: {  	s31 =	sadd.s32 s9, s4;
	s6 =	sshll.u32 s6, $0x7;
	s9 =	simm.s32 $0x6400  }
0xd: {  	s7 =	sor.u32 s8, s7;
	s30 =	sshrl.u32 s29, $0x1;
	s6 =	sadd.s32 s6, s31  }
0xe: {  	s8 =	simm.s32 $0x80;
	s5 =	sadd.s32 s7, s5;
	s7 =	ssub.s32 s29, s30  }
0xf: {  	s4 =	sadd.s32 $0x600, s5;
	s5 =	smax.u32 s7, $0x1;
	s7 =	simm.s32 $0x1  }
.LBB2_1:
0x10: {  	s22 =	simm.s32 $0x1000;
	s23 =	simm.s32 $0x0;
	s24 =	sadd.s32 $0x0, s6  }
.LBB2_2:
0x11: {  	[tilespmem:s23], [sflag:$0x1] =	stream.linear.gather [hbm4b:s24+s3], $0x400, $0x38;
	[tilespmem:$0x17400] =	vst v63  }
0x12: {  	s24 =	smov.u32 s22;
	p0 =	sne.s32 s22, $0x18000  }
.Ltmp0:
0x13: {  	s22 =	sadd.s32 $0x1000, s22;
	(pc) =	sbr.rel @p0 .LBB2_2-.Ltmp0, $2  }
0x14: {  	_ =	sdelay $0x2  }
0x15: {  	s23 =	sshra.s32 s24, $0x2;
	s24 =	sadd.s32 s24, s6  }
0x16: {  	[tilespmem:s23], [sflag:$0x1] =	stream.linear.gather [hbm4b:s24+s3], $0x400, $0x38;
	[tilespmem:$0x17400] =	vst v63  }
0x17: {  	_ =	swait.ge [sflag:s7], $0x400  }
0x18: {  	[sflag:s7] =	ssyncset.done $0x0  }
0x19: {  	[sflag:s7] =	ssyncadd.s32 $0xFFFFFC00  }
0x1a: {  	_ =	swait.ge [sflag:s7], $0x400  }
0x1b: {  	[sflag:s7] =	ssyncset.done $0x0  }
0x1c: {  	[sflag:s7] =	ssyncadd.s32 $0xFFFFFC00  }
0x1d: {  	_ =	swait.ge [sflag:s7], $0x400  }
0x1e: {  	[sflag:s7] =	ssyncset.done $0x0  }
0x1f: {  	[sflag:s7] =	ssyncadd.s32 $0xFFFFFC00  }
0x20: {  	_ =	swait.ge [sflag:s7], $0x400  }
0x21: {  	[sflag:s7] =	ssyncset.done $0x0  }
0x22: {  	[sflag:s7] =	ssyncadd.s32 $0xFFFFFC00  }
0x23: {  	_ =	swait.ge [sflag:s7], $0x400  }
0x24: {  	[sflag:s7] =	ssyncset.done $0x0  }
0x25: {  	[sflag:s7] =	ssyncadd.s32 $0xFFFFFC00  }
0x26: {  	_ =	swait.ge [sflag:s7], $0x400  }
0x27: {  	[sflag:s7] =	ssyncset.done $0x0  }
0x28: {  	[sflag:s7] =	ssyncadd.s32 $0xFFFFFC00  }
0x29: {  	_ =	swait.ge [sflag:s7], $0x400  }
0x2a: {  	[sflag:s7] =	ssyncset.done $0x0  }
0x2b: {  	[sflag:s7] =	ssyncadd.s32 $0xFFFFFC00  }
0x2c: {  	_ =	swait.ge [sflag:s7], $0x400  }
0x2d: {  	[sflag:s7] =	ssyncset.done $0x0  }
0x2e: {  	[sflag:s7] =	ssyncadd.s32 $0xFFFFFC00  }
0x2f: {  	_ =	swait.ge [sflag:s7], $0x400  }
0x30: {  	[sflag:s7] =	ssyncset.done $0x0  }
0x31: {  	[sflag:s7] =	ssyncadd.s32 $0xFFFFFC00  }
0x32: {  	_ =	swait.ge [sflag:s7], $0x400  }
0x33: {  	[sflag:s7] =	ssyncset.done $0x0  }
0x34: {  	[sflag:s7] =	ssyncadd.s32 $0xFFFFFC00  }
0x35: {  	_ =	swait.ge [sflag:s7], $0x400  }
0x36: {  	[sflag:s7] =	ssyncset.done $0x0  }
0x37: {  	[sflag:s7] =	ssyncadd.s32 $0xFFFFFC00  }
0x38: {  	_ =	swait.ge [sflag:s7], $0x400  }
0x39: {  	[sflag:s7] =	ssyncset.done $0x0  }
0x3a: {  	[sflag:s7] =	ssyncadd.s32 $0xFFFFFC00  }
0x3b: {  	_ =	swait.ge [sflag:s7], $0x400  }
0x3c: {  	[sflag:s7] =	ssyncset.done $0x0  }
0x3d: {  	[sflag:s7] =	ssyncadd.s32 $0xFFFFFC00  }
0x3e: {  	_ =	swait.ge [sflag:s7], $0x400  }
0x3f: {  	[sflag:s7] =	ssyncset.done $0x0  }
0x40: {  	[sflag:s7] =	ssyncadd.s32 $0xFFFFFC00  }
0x41: {  	_ =	swait.ge [sflag:s7], $0x400  }
0x42: {  	[sflag:s7] =	ssyncset.done $0x0  }
0x43: {  	[sflag:s7] =	ssyncadd.s32 $0xFFFFFC00  }
0x44: {  	_ =	swait.ge [sflag:s7], $0x400  }
0x45: {  	[sflag:s7] =	ssyncset.done $0x0  }
0x46: {  	[sflag:s7] =	ssyncadd.s32 $0xFFFFFC00  }
0x47: {  	_ =	swait.ge [sflag:s7], $0x400  }
0x48: {  	[sflag:s7] =	ssyncset.done $0x0  }
0x49: {  	[sflag:s7] =	ssyncadd.s32 $0xFFFFFC00  }
0x4a: {  	_ =	swait.ge [sflag:s7], $0x400  }
0x4b: {  	[sflag:s7] =	ssyncset.done $0x0  }
0x4c: {  	[sflag:s7] =	ssyncadd.s32 $0xFFFFFC00  }
0x4d: {  	_ =	swait.ge [sflag:s7], $0x400  }
0x4e: {  	[sflag:s7] =	ssyncset.done $0x0  }
0x4f: {  	[sflag:s7] =	ssyncadd.s32 $0xFFFFFC00  }
0x50: {  	_ =	swait.ge [sflag:s7], $0x400  }
0x51: {  	[sflag:s7] =	ssyncset.done $0x0  }
0x52: {  	[sflag:s7] =	ssyncadd.s32 $0xFFFFFC00  }
0x53: {  	_ =	swait.ge [sflag:s7], $0x400  }
0x54: {  	[sflag:s7] =	ssyncset.done $0x0  }
0x55: {  	[sflag:s7] =	ssyncadd.s32 $0xFFFFFC00  }
0x56: {  	_ =	swait.ge [sflag:s7], $0x400  }
0x57: {  	[sflag:s7] =	ssyncset.done $0x0  }
0x58: {  	[sflag:s7] =	ssyncadd.s32 $0xFFFFFC00  }
0x59: {  	_ =	swait.ge [sflag:s7], $0x400  }
0x5a: {  	[sflag:s7] =	ssyncset.done $0x0  }
0x5b: {  	[sflag:s7] =	ssyncadd.s32 $0xFFFFFC00  }
0x5c: {  	_ =	swait.ge [sflag:s7], $0x400  }
0x5d: {  	[sflag:s7] =	ssyncset.done $0x0  }
0x5e: {  	[sflag:s7] =	ssyncadd.s32 $0xFFFFFC00  }
0x5f: {  	_ =	swait.ge [sflag:s7], $0x400  }
0x60: {  	[sflag:s7] =	ssyncset.done $0x0  }
0x61: {  	s22 =	simm.s32 $0x0;
	[sflag:s7] =	ssyncadd.s32 $0xFFFFFC00  }
0x62: {  	[tilespmem:s9], [sflag:$0x2] =	stream.indirect.gather [hbm4b:s1+s8], $0x80, s22, s8, $0xb8;
	[tilespmem:$0x17400] =	vst v63  }
0x63: {  	_ = 	snop  }
0x64: {  	[tilespmem:s10], [sflag:$0x3] =	stream.indirect.gather [hbm4b:s1+s8], $0x80, s8, s8, $0xb8;
	[tilespmem:$0x17400] =	vst v63  }
0x65: {  	_ = 	snop  }
0x66: {  	v9 =	vimm.f32 $0.0e+00;
	v11 =	vimm.f32 $0.0e+00;
	[tilespmem:s12], [sflag:$0x4] =	stream.indirect.gather [hbm4b:s1+s8], $0x80, s11, s8, $0xb8;
	[tilespmem:$0x17400] =	vst v63  }
0x67: {  	v13 =	vimm.f32 $0.0e+00;
	v16 =	vimm.f32 $0.0e+00;
	v0 =	vimm.f32 $0.0e+00  }
0x68: {  	v2 =	vimm.f32 $0.0e+00;
	v4 =	vimm.f32 $0.0e+00;
	v6 =	vimm.f32 $0.0e+00;
	[tilespmem:s14], [sflag:$0x5] =	stream.indirect.gather [hbm4b:s1+s8], $0x80, s13, s8, $0xb8;
	[tilespmem:$0x17400] =	vst v63  }
.LBB2_4:
0x69: {  	p0 =	seq.s32 s22, $0x31  }
0x6a: {  	_ =	swait.ge [sflag:s15], $0x4000;
	s23 =	sshll.u32 @!p0 s22, $0x9  }
0x6b: {  	[sflag:s15] =	ssyncset.done $0x0;
	s25 =	simm.s32 @!p0 $0x80;
	s23 =	sand.u32 @!p0 $0x3FFFFE00, s23  }
0x6c: {  	s26 =	simm.s32 @!p0 $0x6400;
	[sflag:s15] =	ssyncadd.s32 $0xFFFFC000;
	s24 =	sadd.s32 @!p0 $0x200, s23  }
0x6d: {  	[tilespmem:s26], [sflag:$0x2] =	stream.indirect.gather @!p0 [hbm4b:s1+s25], $0x80, s24, s25, $0xb8;
	[tilespmem:$0x17400] =	vst v63  }
0x6e: {  	s24 =	simm.s32 $0x0  }
0x6f: {  	v20 =	vld [tilespmem:s24+$0x6780]  }
0x70: {  	v21 =	vld [tilespmem:s24+$0x6790]  }
0x71: {  	v23 =	vld [tilespmem:s24+$0x67A0]  }
0x72: {  	v26 =	vld [tilespmem:s24+$0x67B0]  }
0x73: {  	v1 =	vld [tilespmem:s24+$0x67C0]  }
0x74: {  	v3 =	vld [tilespmem:s24+$0x67D0]  }
0x75: {  	v10 =	vld [tilespmem:s24+$0x6700]  }
0x76: {  	v32 =	vld [tilespmem:s24+$0x6710]  }
0x77: {  	v30 =	vld [tilespmem:s24+$0x6720]  }
0x78: {  	v31 =	vld [tilespmem:s24+$0x6730]  }
0x79: {  	v5 =	vld [tilespmem:s24+$0x6740]  }
0x7a: {  	v7 =	vld [tilespmem:s24+$0x6750]  }
0x7b: {  	v8 =	vld [tilespmem:s24+$0x6680]  }
0x7c: {  	v12 =	vld [tilespmem:s24+$0x6690]  }
0x7d: {  	v14 =	vld [tilespmem:s24+$0x66A0]  }
0x7e: {  	v15 =	vld [tilespmem:s24+$0x66B0]  }
0x7f: {  	v17 =	vld [tilespmem:s24+$0x66C0]  }
0x80: {  	v19 =	vld [tilespmem:s24+$0x66D0]  }
0x81: {  	v18 =	vld [tilespmem:s24+$0x6600]  }
0x82: {  	v22 =	vld [tilespmem:s24+$0x6610]  }
0x83: {  	v24 =	vld [tilespmem:s24+$0x6620]  }
0x84: {  	v25 =	vld [tilespmem:s24+$0x6630]  }
0x85: {  	v27 =	vld [tilespmem:s24+$0x6640]  }
0x86: {  	v29 =	vld [tilespmem:s24+$0x6650]  }
0x87: {  	v28 =	vld [tilespmem:s24+$0x6580]  }
0x88: {  	v37 =	vld [tilespmem:s24+$0x6590]  }
0x89: {  	v34 =	vld [tilespmem:s24+$0x6500]  }
0x8a: {  	v35 =	vld [tilespmem:s24+$0x6510]  }
0x8b: {  	v33 =	vld [tilespmem:s24+$0x6480]  }
0x8c: {  	v36 =	vld [tilespmem:s24+$0x6490]  }
0x8d: {  	v38 =	vld [tilespmem:s24+$0x6400]  }
0x8e: {  	v39 =	vld [tilespmem:s24+$0x6410]  }
0x8f: {  	v40 =	vld [tilespmem:s24+$0x6420]  }
0x90: {  	v41 =	vld [tilespmem:s24+$0x6430]  }
0x91: {  	v42 =	vld [tilespmem:s24+$0x64A0]  }
0x92: {  	v43 =	vld [tilespmem:s24+$0x64B0]  }
0x93: {  	v44 =	vld [tilespmem:s24+$0x6520]  }
0x94: {  	v61 =	vld [tilespmem:s24+$0x6530];
	v6 =	vadd.f32 v38, v6;
	v4 =	vadd.f32 v39, v4  }
0x95: {  	v62 =	vld [tilespmem:s24+$0x65A0];
	v2 =	vadd.f32 v40, v2;
	v0 =	vadd.f32 v41, v0  }
0x96: {  	v63 =	vld [tilespmem:s24+$0x65B0];
	v6 =	vadd.f32 v33, v6;
	v4 =	vadd.f32 v36, v4  }
0x97: {  	v38 =	vld [tilespmem:s24+$0x64D0];
	v2 =	vadd.f32 v42, v2;
	v0 =	vadd.f32 v43, v0  }
0x98: {  	v39 =	vld [tilespmem:s24+$0x6440];
	v6 =	vadd.f32 v34, v6;
	v4 =	vadd.f32 v35, v4  }
0x99: {  	v40 =	vld [tilespmem:s24+$0x6450];
	v2 =	vadd.f32 v44, v2;
	v0 =	vadd.f32 v61, v0  }
0x9a: {  	v41 =	vld [tilespmem:s24+$0x6460];
	v6 =	vadd.f32 v28, v6;
	v4 =	vadd.f32 v37, v4  }
0x9b: {  	v33 =	vld [tilespmem:s24+$0x65C0];
	v2 =	vadd.f32 v62, v2;
	v0 =	vadd.f32 v63, v0  }
0x9c: {  	v36 =	vld [tilespmem:s24+$0x6550];
	v6 =	vadd.f32 v18, v6;
	v4 =	vadd.f32 v22, v4  }
0x9d: {  	v34 =	vld [tilespmem:s24+$0x65D0];
	v2 =	vadd.f32 v24, v2;
	v0 =	vadd.f32 v25, v0  }
0x9e: {  	v35 =	vld [tilespmem:s24+$0x6540];
	v42 =	vadd.f32 v8, v6;
	v43 =	vadd.f32 v12, v4  }
0x9f: {  	s25 =	simm.s32 $0x1000;
	v37 =	vld [tilespmem:s24+$0x64C0];
	v44 =	vadd.f32 v14, v2;
	v45 =	vadd.f32 v15, v0  }
.LBB2_5:
0xa0: {  	p1 =	sne.s32 s25, $0xF000;
	v8 =	vld [tilespmem:s24+$0x6470];
	v0 =	vadd.f32 v10, v42;
	v2 =	vadd.f32 v32, v43  }
0xa1: {  	v10 =	vld [tilespmem:s24+$0x64E0];
	v4 =	vadd.f32 v30, v44;
	v6 =	vadd.f32 v31, v45  }
0xa2: {  	v12 =	vld [tilespmem:s24+$0x64F0];
	v0 =	vadd.f32 v20, v0;
	v2 =	vadd.f32 v21, v2  }
0xa3: {  	v14 =	vld [tilespmem:s24+$0x6560];
	v4 =	vadd.f32 v23, v4;
	v6 =	vadd.f32 v26, v6  }
0xa4: {  	v15 =	vadd.f32 v39, v16;
	v13 =	vadd.f32 v40, v13;
	v16 =	vld [tilespmem:s24+$0x6570]  }
0xa5: {  	v11 =	vadd.f32 v41, v11;
	v8 =	vadd.f32 v8, v9;
	v9 =	vld [tilespmem:s24+$0x65E0]  }
0xa6: {  	v15 =	vadd.f32 v37, v15;
	v13 =	vadd.f32 v38, v13;
	v18 =	vld [tilespmem:s24+$0x65F0]  }
0xa7: {  	v10 =	vadd.f32 v10, v11;
	v8 =	vadd.f32 v12, v8;
	v11 =	vld [tilespmem:s24+$0x6660]  }
0xa8: {  	v12 =	vadd.f32 v35, v15;
	v13 =	vadd.f32 v36, v13;
	v15 =	vld [tilespmem:s24+$0x6670]  }
0xa9: {  	v10 =	vadd.f32 v14, v10;
	v8 =	vadd.f32 v16, v8;
	v14 =	vld [tilespmem:s24+$0x66E0]  }
0xaa: {  	v12 =	vadd.f32 v33, v12;
	v13 =	vadd.f32 v34, v13;
	v16 =	vld [tilespmem:s24+$0x66F0]  }
0xab: {  	v9 =	vadd.f32 v9, v10;
	v8 =	vadd.f32 v18, v8;
	v10 =	vld [tilespmem:s24+$0x6760]  }
0xac: {  	v12 =	vadd.f32 v27, v12;
	v13 =	vadd.f32 v29, v13;
	v18 =	vld [tilespmem:s24+$0x6770]  }
0xad: {  	v9 =	vadd.f32 v11, v9;
	v8 =	vadd.f32 v15, v8;
	v11 =	vld [tilespmem:s24+$0x67E0]  }
0xae: {  	v12 =	vadd.f32 v17, v12;
	v13 =	vadd.f32 v19, v13;
	v15 =	vld [tilespmem:s24+$0x67F0];
	s24 =	sshra.s32 s25, $0x2  }
0xaf: {  	v9 =	vadd.f32 v14, v9;
	v20 =	vld [tilespmem:s24+$0x6780];
	v8 =	vadd.f32 v16, v8  }
0xb0: {  	v5 =	vadd.f32 v5, v12;
	v7 =	vadd.f32 v7, v13;
	v21 =	vld [tilespmem:s24+$0x6790]  }
0xb1: {  	v9 =	vadd.f32 v10, v9;
	v23 =	vld [tilespmem:s24+$0x67A0];
	v8 =	vadd.f32 v18, v8  }
0xb2: {  	v16 =	vadd.f32 v1, v5;
	v13 =	vadd.f32 v3, v7;
	v26 =	vld [tilespmem:s24+$0x67B0]  }
0xb3: {  	v11 =	vadd.f32 v11, v9;
	v1 =	vld [tilespmem:s24+$0x67C0];
	v9 =	vadd.f32 v15, v8  }
0xb4: {  	v3 =	vld [tilespmem:s24+$0x67D0]  }
0xb5: {  	v10 =	vld [tilespmem:s24+$0x6700]  }
0xb6: {  	v32 =	vld [tilespmem:s24+$0x6710]  }
0xb7: {  	v30 =	vld [tilespmem:s24+$0x6720]  }
0xb8: {  	v31 =	vld [tilespmem:s24+$0x6730]  }
0xb9: {  	v5 =	vld [tilespmem:s24+$0x6740]  }
0xba: {  	v7 =	vld [tilespmem:s24+$0x6750]  }
0xbb: {  	v8 =	vld [tilespmem:s24+$0x6680]  }
0xbc: {  	v12 =	vld [tilespmem:s24+$0x6690]  }
0xbd: {  	v14 =	vld [tilespmem:s24+$0x66A0]  }
0xbe: {  	v15 =	vld [tilespmem:s24+$0x66B0]  }
0xbf: {  	v17 =	vld [tilespmem:s24+$0x66C0]  }
0xc0: {  	v19 =	vld [tilespmem:s24+$0x66D0]  }
0xc1: {  	v18 =	vld [tilespmem:s24+$0x6600]  }
0xc2: {  	v22 =	vld [tilespmem:s24+$0x6610]  }
0xc3: {  	v24 =	vld [tilespmem:s24+$0x6620]  }
0xc4: {  	v25 =	vld [tilespmem:s24+$0x6630]  }
0xc5: {  	v27 =	vld [tilespmem:s24+$0x6640]  }
0xc6: {  	v29 =	vld [tilespmem:s24+$0x6650]  }
0xc7: {  	v28 =	vld [tilespmem:s24+$0x6580]  }
0xc8: {  	v37 =	vld [tilespmem:s24+$0x6590]  }
0xc9: {  	v34 =	vld [tilespmem:s24+$0x6500]  }
0xca: {  	v35 =	vld [tilespmem:s24+$0x6510]  }
0xcb: {  	v33 =	vld [tilespmem:s24+$0x6480]  }
0xcc: {  	v36 =	vld [tilespmem:s24+$0x6490]  }
0xcd: {  	v38 =	vld [tilespmem:s24+$0x6400]  }
0xce: {  	v39 =	vld [tilespmem:s24+$0x6410]  }
0xcf: {  	v40 =	vld [tilespmem:s24+$0x6420]  }
0xd0: {  	v41 =	vld [tilespmem:s24+$0x6430]  }
0xd1: {  	v42 =	vld [tilespmem:s24+$0x64A0]  }
0xd2: {  	v43 =	vld [tilespmem:s24+$0x64B0]  }
0xd3: {  	v44 =	vld [tilespmem:s24+$0x6520]  }
0xd4: {  	v0 =	vadd.f32 v38, v0;
	v2 =	vadd.f32 v39, v2;
	v38 =	vld [tilespmem:s24+$0x6530]  }
0xd5: {  	v4 =	vadd.f32 v40, v4;
	v6 =	vadd.f32 v41, v6;
	v39 =	vld [tilespmem:s24+$0x65A0]  }
0xd6: {  	v0 =	vadd.f32 v33, v0;
	v2 =	vadd.f32 v36, v2;
	v40 =	vld [tilespmem:s24+$0x65B0]  }
0xd7: {  	v4 =	vadd.f32 v42, v4;
	v6 =	vadd.f32 v43, v6;
	v33 =	vld [tilespmem:s24+$0x65C0]  }
0xd8: {  	v0 =	vadd.f32 v34, v0;
	v2 =	vadd.f32 v35, v2;
	v34 =	vld [tilespmem:s24+$0x65D0]  }
0xd9: {  	v4 =	vadd.f32 v44, v4;
	v6 =	vadd.f32 v38, v6;
	v35 =	vld [tilespmem:s24+$0x6540]  }
0xda: {  	v0 =	vadd.f32 v28, v0;
	v2 =	vadd.f32 v37, v2;
	v36 =	vld [tilespmem:s24+$0x6550]  }
.Ltmp1:
0xdb: {  	v4 =	vadd.f32 v39, v4;
	v37 =	vld [tilespmem:s24+$0x64C0];
	v6 =	vadd.f32 v40, v6;
	(pc) =	sbr.rel @p1 .LBB2_5-.Ltmp1, $4  }
0xdc: {  	v0 =	vadd.f32 v18, v0;
	v2 =	vadd.f32 v22, v2;
	v38 =	vld [tilespmem:s24+$0x64D0]  }
0xdd: {  	v4 =	vadd.f32 v24, v4;
	v39 =	vld [tilespmem:s24+$0x6440];
	v6 =	vadd.f32 v25, v6  }
0xde: {  	v42 =	vadd.f32 v8, v0;
	v43 =	vadd.f32 v12, v2;
	v40 =	vld [tilespmem:s24+$0x6450]  }
0xdf: {  	s25 =	sadd.s32 $0x1000, s25;
	v44 =	vadd.f32 v14, v4;
	v41 =	vld [tilespmem:s24+$0x6460];
	v45 =	vadd.f32 v15, v6  }
0xe0: {  	v46 =	vld [tilespmem:s24+$0x6470]  }
0xe1: {  	v47 =	vld [tilespmem:s24+$0x64E0]  }
0xe2: {  	v48 =	vld [tilespmem:s24+$0x64F0]  }
0xe3: {  	v49 =	vld [tilespmem:s24+$0x6560]  }
0xe4: {  	v50 =	vld [tilespmem:s24+$0x6570]  }
0xe5: {  	v51 =	vld [tilespmem:s24+$0x65E0]  }
0xe6: {  	v52 =	vld [tilespmem:s24+$0x65F0]  }
0xe7: {  	v53 =	vld [tilespmem:s24+$0x6660]  }
0xe8: {  	v54 =	vld [tilespmem:s24+$0x6670]  }
0xe9: {  	v55 =	vld [tilespmem:s24+$0x66E0]  }
0xea: {  	v56 =	vld [tilespmem:s24+$0x66F0]  }
0xeb: {  	v60 =	vld [tilespmem:s24+$0x6760]  }
0xec: {  	v58 =	vld [tilespmem:s24+$0x6770]  }
0xed: {  	v61 =	vld [tilespmem:s24+$0x67E0]  }
0xee: {  	v62 =	vld [tilespmem:s24+$0x67F0];
	_ =	swait.ge [sflag:s16], $0x4000  }
0xef: {  	s24 =	sadd.s32 @!p0 $0x280, s23;
	[sflag:s16] =	ssyncset.done $0x0  }
0xf0: {  	s25 =	simm.s32 @!p0 $0x80;
	s26 =	simm.s32 @!p0 $0xA400;
	[sflag:s16] =	ssyncadd.s32 $0xFFFFC000  }
0xf1: {  	[tilespmem:s26], [sflag:$0x3] =	stream.indirect.gather @!p0 [hbm4b:s1+s25], $0x80, s24, s25, $0xb8;
	[tilespmem:$0x17400] =	vst v63  }
0xf2: {  	s24 =	simm.s32 $0x0  }
0xf3: {  	v12 =	vld [tilespmem:s24+$0xA780]  }
0xf4: {  	v14 =	vld [tilespmem:s24+$0xA790]  }
0xf5: {  	v15 =	vld [tilespmem:s24+$0xA7A0]  }
0xf6: {  	v18 =	vld [tilespmem:s24+$0xA7B0]  }
0xf7: {  	v0 =	vld [tilespmem:s24+$0xA7C0]  }
0xf8: {  	v2 =	vld [tilespmem:s24+$0xA7D0]  }
0xf9: {  	v24 =	vld [tilespmem:s24+$0xA700]  }
0xfa: {  	v28 =	vld [tilespmem:s24+$0xA710]  }
0xfb: {  	v22 =	vld [tilespmem:s24+$0xA720]  }
0xfc: {  	v25 =	vld [tilespmem:s24+$0xA730]  }
0xfd: {  	v42 =	vadd.f32 v10, v42;
	v32 =	vadd.f32 v32, v43;
	v4 =	vld [tilespmem:s24+$0xA740]  }
0xfe: {  	v30 =	vadd.f32 v30, v44;
	v31 =	vadd.f32 v31, v45;
	v6 =	vld [tilespmem:s24+$0xA750]  }
0xff: {  	v42 =	vadd.f32 v20, v42;
	v16 =	vadd.f32 v39, v16;
	v63 =	vld [tilespmem:s24+$0xA680]  }
0x100: {  	v44 =	vadd.f32 v21, v32;
	v13 =	vadd.f32 v40, v13;
	v8 =	vld [tilespmem:s24+$0xA690]  }
0x101: {  	v23 =	vadd.f32 v23, v30;
	v10 =	vld [tilespmem:s24+$0xA6D0];
	v16 =	vadd.f32 v37, v16  }
0x102: {  	v59 =	vld [tilespmem:s24+$0xA600];
	v11 =	vadd.f32 v41, v11;
	v13 =	vadd.f32 v38, v13  }
0x103: {  	v57 =	vld [tilespmem:s24+$0xA610];
	v9 =	vadd.f32 v46, v9;
	v16 =	vadd.f32 v35, v16  }
0x104: {  	v45 =	vld [tilespmem:s24+$0xA620];
	v11 =	vadd.f32 v47, v11;
	v13 =	vadd.f32 v36, v13  }
0x105: {  	v43 =	vld [tilespmem:s24+$0xA630];
	v9 =	vadd.f32 v48, v9;
	v16 =	vadd.f32 v33, v16  }
0x106: {  	v47 =	vld [tilespmem:s24+$0xA580];
	v11 =	vadd.f32 v49, v11;
	v13 =	vadd.f32 v34, v13  }
0x107: {  	v48 =	vld [tilespmem:s24+$0xA590];
	v9 =	vadd.f32 v50, v9;
	v16 =	vadd.f32 v27, v16  }
0x108: {  	v11 =	vadd.f32 v51, v11;
	v13 =	vadd.f32 v29, v13;
	v29 =	vld [tilespmem:s24+$0xA400]  }
0x109: {  	v49 =	vld [tilespmem:s24+$0xA500];
	v9 =	vadd.f32 v52, v9;
	v16 =	vadd.f32 v17, v16  }
0x10a: {  	v26 =	vadd.f32 v26, v31;
	v52 =	vld [tilespmem:s24+$0xA480];
	v11 =	vadd.f32 v53, v11  }
0x10b: {  	v50 =	vld [tilespmem:s24+$0xA510];
	v9 =	vadd.f32 v54, v9;
	v5 =	vadd.f32 v5, v16  }
0x10c: {  	v17 =	vld [tilespmem:s24+$0xA410];
	v13 =	vadd.f32 v19, v13;
	v11 =	vadd.f32 v55, v11  }
0x10d: {  	v19 =	vld [tilespmem:s24+$0xA420];
	v30 =	vadd.f32 v1, v5;
	v5 =	vadd.f32 v29, v42  }
0x10e: {  	v27 =	vld [tilespmem:s24+$0xA490];
	v9 =	vadd.f32 v56, v9;
	v7 =	vadd.f32 v7, v13  }
0x10f: {  	v13 =	vld [tilespmem:s24+$0xA430];
	v11 =	vadd.f32 v60, v11;
	v5 =	vadd.f32 v52, v5  }
0x110: {  	v16 =	vld [tilespmem:s24+$0xA4A0];
	v9 =	vadd.f32 v58, v9;
	v31 =	vadd.f32 v3, v7  }
0x111: {  	v1 =	vld [tilespmem:s24+$0xA4B0];
	v7 =	vadd.f32 v17, v44;
	v5 =	vadd.f32 v49, v5  }
0x112: {  	v3 =	vld [tilespmem:s24+$0xA520];
	v32 =	vadd.f32 v61, v11;
	v11 =	vadd.f32 v19, v23  }
0x113: {  	v33 =	vadd.f32 v62, v9;
	v9 =	vld [tilespmem:s24+$0xA530];
	v5 =	vadd.f32 v47, v5  }
0x114: {  	v20 =	vld [tilespmem:s24+$0xA640];
	v7 =	vadd.f32 v27, v7;
	v13 =	vadd.f32 v13, v26  }
0x115: {  	v19 =	vld [tilespmem:s24+$0xA5B0];
	v11 =	vadd.f32 v16, v11;
	v5 =	vadd.f32 v59, v5  }
0x116: {  	[tilespmem:$0x1FFD0] =	vst v8;
	v8 =	vld [tilespmem:s24+$0xA6A0];
	v7 =	vadd.f32 v50, v7;
	v1 =	vadd.f32 v1, v13  }
0x117: {  	v3 =	vadd.f32 v3, v11;
	v11 =	vadd.f32 v63, v5;
	v5 =	vld [tilespmem:$0x1FFD0]  }
0x118: {  	v17 =	vld [tilespmem:s24+$0xA5A0];
	v7 =	vadd.f32 v48, v7;
	v1 =	vadd.f32 v9, v1  }
0x119: {  	v21 =	vld [tilespmem:s24+$0xA650]  }
0x11a: {  	v37 =	vld [tilespmem:s24+$0xA550];
	v7 =	vadd.f32 v57, v7;
	v1 =	vadd.f32 v19, v1  }
0x11b: {  	[tilespmem:$0x1FFE0] =	vst v8;
	v8 =	vld [tilespmem:s24+$0xA6B0]  }
0x11c: {  	v1 =	vadd.f32 v43, v1;
	v43 =	vadd.f32 v5, v7;
	v5 =	vld [tilespmem:$0x1FFE0]  }
0x11d: {  	v39 =	vld [tilespmem:s24+$0xA4D0];
	v3 =	vadd.f32 v17, v3  }
0x11e: {  	v40 =	vld [tilespmem:s24+$0xA440]  }
0x11f: {  	v41 =	vld [tilespmem:s24+$0xA450];
	v3 =	vadd.f32 v45, v3  }
0x120: {  	v38 =	vld [tilespmem:s24+$0xA4C0];
	[tilespmem:$0x1FFF0] =	vst v8  }
0x121: {  	v44 =	vadd.f32 v5, v3;
	v3 =	vld [tilespmem:$0x1FFF0]  }
0x122: {  	v35 =	vld [tilespmem:s24+$0xA5D0]  }
0x123: {  	v36 =	vld [tilespmem:s24+$0xA540]  }
0x124: {  	v34 =	vld [tilespmem:s24+$0xA5C0]  }
0x125: {  	v42 =	vld [tilespmem:s24+$0xA460]  }
0x126: {  	s25 =	simm.s32 $0x1000;
	v8 =	vld [tilespmem:s24+$0xA6C0];
	v45 =	vadd.f32 v3, v1  }
.LBB2_7:
0x127: {  	p1 =	sne.s32 s25, $0xF000;
	v9 =	vld [tilespmem:s24+$0xA470];
	v1 =	vadd.f32 v24, v11;
	v3 =	vadd.f32 v28, v43  }
0x128: {  	v11 =	vld [tilespmem:s24+$0xA4E0];
	v5 =	vadd.f32 v22, v44;
	v7 =	vadd.f32 v25, v45  }
0x129: {  	v13 =	vld [tilespmem:s24+$0xA4F0];
	v1 =	vadd.f32 v12, v1;
	v3 =	vadd.f32 v14, v3  }
0x12a: {  	v12 =	vld [tilespmem:s24+$0xA560];
	v5 =	vadd.f32 v15, v5;
	v7 =	vadd.f32 v18, v7  }
0x12b: {  	v14 =	vadd.f32 v40, v30;
	v15 =	vadd.f32 v41, v31;
	v16 =	vld [tilespmem:s24+$0xA570]  }
0x12c: {  	v17 =	vadd.f32 v42, v32;
	v9 =	vadd.f32 v9, v33;
	v18 =	vld [tilespmem:s24+$0xA5E0]  }
0x12d: {  	v14 =	vadd.f32 v38, v14;
	v15 =	vadd.f32 v39, v15;
	v19 =	vld [tilespmem:s24+$0xA5F0]  }
0x12e: {  	v11 =	vadd.f32 v11, v17;
	v9 =	vadd.f32 v13, v9;
	v13 =	vld [tilespmem:s24+$0xA660]  }
0x12f: {  	v14 =	vadd.f32 v36, v14;
	v15 =	vadd.f32 v37, v15;
	v17 =	vld [tilespmem:s24+$0xA670]  }
0x130: {  	v11 =	vadd.f32 v12, v11;
	v9 =	vadd.f32 v16, v9;
	v16 =	vld [tilespmem:s24+$0xA6E0]  }
0x131: {  	v12 =	vadd.f32 v34, v14;
	v14 =	vadd.f32 v35, v15;
	v15 =	vld [tilespmem:s24+$0xA6F0]  }
0x132: {  	v11 =	vadd.f32 v18, v11;
	v9 =	vadd.f32 v19, v9;
	v18 =	vld [tilespmem:s24+$0xA760]  }
0x133: {  	v12 =	vadd.f32 v20, v12;
	v14 =	vadd.f32 v21, v14;
	v19 =	vld [tilespmem:s24+$0xA770]  }
0x134: {  	v11 =	vadd.f32 v13, v11;
	v9 =	vadd.f32 v17, v9;
	v13 =	vld [tilespmem:s24+$0xA7E0]  }
0x135: {  	v8 =	vadd.f32 v8, v12;
	v10 =	vadd.f32 v10, v14;
	v17 =	vld [tilespmem:s24+$0xA7F0];
	s24 =	sshra.s32 s25, $0x2  }
0x136: {  	v11 =	vadd.f32 v16, v11;
	v12 =	vld [tilespmem:s24+$0xA780];
	v9 =	vadd.f32 v15, v9  }
0x137: {  	v4 =	vadd.f32 v4, v8;
	v6 =	vadd.f32 v6, v10;
	v14 =	vld [tilespmem:s24+$0xA790]  }
0x138: {  	v8 =	vadd.f32 v18, v11;
	v15 =	vld [tilespmem:s24+$0xA7A0];
	v9 =	vadd.f32 v19, v9  }
0x139: {  	v30 =	vadd.f32 v0, v4;
	v31 =	vadd.f32 v2, v6;
	v18 =	vld [tilespmem:s24+$0xA7B0]  }
0x13a: {  	v32 =	vadd.f32 v13, v8;
	v0 =	vld [tilespmem:s24+$0xA7C0];
	v33 =	vadd.f32 v17, v9  }
0x13b: {  	v2 =	vld [tilespmem:s24+$0xA7D0]  }
0x13c: {  	v24 =	vld [tilespmem:s24+$0xA700]  }
0x13d: {  	v28 =	vld [tilespmem:s24+$0xA710]  }
0x13e: {  	v22 =	vld [tilespmem:s24+$0xA720]  }
0x13f: {  	v25 =	vld [tilespmem:s24+$0xA730]  }
0x140: {  	v4 =	vld [tilespmem:s24+$0xA740]  }
0x141: {  	v6 =	vld [tilespmem:s24+$0xA750]  }
0x142: {  	v9 =	vld [tilespmem:s24+$0xA680]  }
0x143: {  	v13 =	vld [tilespmem:s24+$0xA690]  }
0x144: {  	v16 =	vld [tilespmem:s24+$0xA6A0]  }
0x145: {  	v17 =	vld [tilespmem:s24+$0xA6B0]  }
0x146: {  	v8 =	vld [tilespmem:s24+$0xA6C0]  }
0x147: {  	v10 =	vld [tilespmem:s24+$0xA6D0]  }
0x148: {  	v11 =	vld [tilespmem:s24+$0xA600]  }
0x149: {  	v19 =	vld [tilespmem:s24+$0xA610]  }
0x14a: {  	v23 =	vld [tilespmem:s24+$0xA620]  }
0x14b: {  	v26 =	vld [tilespmem:s24+$0xA630]  }
0x14c: {  	v20 =	vld [tilespmem:s24+$0xA640]  }
0x14d: {  	v21 =	vld [tilespmem:s24+$0xA650]  }
0x14e: {  	v27 =	vld [tilespmem:s24+$0xA580]  }
0x14f: {  	v29 =	vld [tilespmem:s24+$0xA590]  }
0x150: {  	v35 =	vld [tilespmem:s24+$0xA500]  }
0x151: {  	v36 =	vld [tilespmem:s24+$0xA510]  }
0x152: {  	v34 =	vld [tilespmem:s24+$0xA480]  }
0x153: {  	v37 =	vld [tilespmem:s24+$0xA490]  }
0x154: {  	v38 =	vld [tilespmem:s24+$0xA400]  }
0x155: {  	v39 =	vld [tilespmem:s24+$0xA410]  }
0x156: {  	v40 =	vld [tilespmem:s24+$0xA420]  }
0x157: {  	v41 =	vld [tilespmem:s24+$0xA430]  }
0x158: {  	v42 =	vld [tilespmem:s24+$0xA4A0]  }
0x159: {  	v43 =	vld [tilespmem:s24+$0xA4B0]  }
0x15a: {  	v44 =	vld [tilespmem:s24+$0xA520]  }
0x15b: {  	v1 =	vadd.f32 v38, v1;
	v3 =	vadd.f32 v39, v3;
	v38 =	vld [tilespmem:s24+$0xA530]  }
0x15c: {  	v5 =	vadd.f32 v40, v5;
	v7 =	vadd.f32 v41, v7;
	v39 =	vld [tilespmem:s24+$0xA5A0]  }
0x15d: {  	v1 =	vadd.f32 v34, v1;
	v3 =	vadd.f32 v37, v3;
	v40 =	vld [tilespmem:s24+$0xA5B0]  }
0x15e: {  	v5 =	vadd.f32 v42, v5;
	v7 =	vadd.f32 v43, v7;
	v34 =	vld [tilespmem:s24+$0xA5C0]  }
0x15f: {  	v1 =	vadd.f32 v35, v1;
	v3 =	vadd.f32 v36, v3;
	v35 =	vld [tilespmem:s24+$0xA5D0]  }
0x160: {  	v5 =	vadd.f32 v44, v5;
	v7 =	vadd.f32 v38, v7;
	v36 =	vld [tilespmem:s24+$0xA540]  }
0x161: {  	v1 =	vadd.f32 v27, v1;
	v3 =	vadd.f32 v29, v3;
	v37 =	vld [tilespmem:s24+$0xA550]  }
.Ltmp2:
0x162: {  	v5 =	vadd.f32 v39, v5;
	v38 =	vld [tilespmem:s24+$0xA4C0];
	v7 =	vadd.f32 v40, v7;
	(pc) =	sbr.rel @p1 .LBB2_7-.Ltmp2, $4  }
0x163: {  	v1 =	vadd.f32 v11, v1;
	v3 =	vadd.f32 v19, v3;
	v39 =	vld [tilespmem:s24+$0xA4D0]  }
0x164: {  	v5 =	vadd.f32 v23, v5;
	v40 =	vld [tilespmem:s24+$0xA440];
	v7 =	vadd.f32 v26, v7  }
0x165: {  	v11 =	vadd.f32 v9, v1;
	v43 =	vadd.f32 v13, v3;
	v41 =	vld [tilespmem:s24+$0xA450]  }
0x166: {  	s25 =	sadd.s32 $0x1000, s25;
	v44 =	vadd.f32 v16, v5;
	v42 =	vld [tilespmem:s24+$0xA460];
	v45 =	vadd.f32 v17, v7  }
0x167: {  	v46 =	vld [tilespmem:s24+$0xA470]  }
0x168: {  	v47 =	vld [tilespmem:s24+$0xA4E0]  }
0x169: {  	v48 =	vld [tilespmem:s24+$0xA4F0]  }
0x16a: {  	v49 =	vld [tilespmem:s24+$0xA560]  }
0x16b: {  	v50 =	vld [tilespmem:s24+$0xA570]  }
0x16c: {  	v51 =	vld [tilespmem:s24+$0xA5E0]  }
0x16d: {  	v52 =	vld [tilespmem:s24+$0xA5F0]  }
0x16e: {  	v53 =	vld [tilespmem:s24+$0xA660]  }
0x16f: {  	v54 =	vld [tilespmem:s24+$0xA670]  }
0x170: {  	v55 =	vld [tilespmem:s24+$0xA6E0]  }
0x171: {  	v56 =	vld [tilespmem:s24+$0xA6F0]  }
0x172: {  	v60 =	vld [tilespmem:s24+$0xA760]  }
0x173: {  	v58 =	vld [tilespmem:s24+$0xA770]  }
0x174: {  	v61 =	vld [tilespmem:s24+$0xA7E0]  }
0x175: {  	v62 =	vld [tilespmem:s24+$0xA7F0];
	_ =	swait.ge [sflag:s17], $0x4000  }
0x176: {  	s24 =	sadd.s32 @!p0 $0x300, s23;
	[sflag:s17] =	ssyncset.done $0x0  }
0x177: {  	s25 =	simm.s32 @!p0 $0x80;
	s26 =	simm.s32 @!p0 $0xE400;
	[sflag:s17] =	ssyncadd.s32 $0xFFFFC000  }
0x178: {  	[tilespmem:s26], [sflag:$0x4] =	stream.indirect.gather @!p0 [hbm4b:s1+s25], $0x80, s24, s25, $0xb8;
	[tilespmem:$0x17400] =	vst v63  }
0x179: {  	s24 =	simm.s32 $0x0  }
0x17a: {  	v13 =	vld [tilespmem:s24+$0xE780]  }
0x17b: {  	v16 =	vld [tilespmem:s24+$0xE790]  }
0x17c: {  	v17 =	vld [tilespmem:s24+$0xE7A0]  }
0x17d: {  	v19 =	vld [tilespmem:s24+$0xE7B0]  }
0x17e: {  	v1 =	vld [tilespmem:s24+$0xE7C0]  }
0x17f: {  	v3 =	vld [tilespmem:s24+$0xE7D0]  }
0x180: {  	v26 =	vld [tilespmem:s24+$0xE700]  }
0x181: {  	v29 =	vld [tilespmem:s24+$0xE710]  }
0x182: {  	v24 =	vadd.f32 v24, v11;
	v28 =	vadd.f32 v28, v43;
	v23 =	vld [tilespmem:s24+$0xE720]  }
0x183: {  	v22 =	vadd.f32 v22, v44;
	v25 =	vadd.f32 v25, v45;
	v27 =	vld [tilespmem:s24+$0xE730]  }
0x184: {  	v44 =	vadd.f32 v12, v24;
	v45 =	vadd.f32 v14, v28;
	v5 =	vld [tilespmem:s24+$0xE740]  }
0x185: {  	v14 =	vadd.f32 v40, v30;
	v15 =	vadd.f32 v15, v22;
	v7 =	vld [tilespmem:s24+$0xE750]  }
0x186: {  	v18 =	vadd.f32 v18, v25;
	v22 =	vadd.f32 v41, v31;
	v63 =	vld [tilespmem:s24+$0xE680]  }
0x187: {  	v9 =	vld [tilespmem:s24+$0xE690];
	v24 =	vadd.f32 v42, v32;
	v25 =	vadd.f32 v46, v33  }
0x188: {  	v11 =	vld [tilespmem:s24+$0xE6D0];
	v28 =	vadd.f32 v38, v14;
	v22 =	vadd.f32 v39, v22  }
0x189: {  	v59 =	vld [tilespmem:s24+$0xE600];
	v24 =	vadd.f32 v47, v24;
	v25 =	vadd.f32 v48, v25  }
0x18a: {  	v57 =	vld [tilespmem:s24+$0xE610];
	v28 =	vadd.f32 v36, v28;
	v22 =	vadd.f32 v37, v22  }
0x18b: {  	v43 =	vld [tilespmem:s24+$0xE620];
	v24 =	vadd.f32 v49, v24;
	v25 =	vadd.f32 v50, v25  }
0x18c: {  	v30 =	vld [tilespmem:s24+$0xE630];
	v28 =	vadd.f32 v34, v28;
	v22 =	vadd.f32 v35, v22  }
0x18d: {  	v12 =	vld [tilespmem:s24+$0xE640];
	v24 =	vadd.f32 v51, v24;
	v25 =	vadd.f32 v52, v25  }
0x18e: {  	v31 =	vld [tilespmem:s24+$0xE580];
	v20 =	vadd.f32 v20, v28;
	v21 =	vadd.f32 v21, v22  }
0x18f: {  	v22 =	vadd.f32 v53, v24;
	v24 =	vadd.f32 v54, v25;
	v54 =	vld [tilespmem:s24+$0xE400]  }
0x190: {  	v48 =	vld [tilespmem:s24+$0xE590];
	v8 =	vadd.f32 v8, v20;
	v10 =	vadd.f32 v10, v21  }
0x191: {  	v51 =	vld [tilespmem:s24+$0xE480];
	v21 =	vadd.f32 v55, v22;
	v22 =	vadd.f32 v56, v24  }
0x192: {  	v49 =	vld [tilespmem:s24+$0xE500];
	v4 =	vadd.f32 v4, v8;
	v6 =	vadd.f32 v6, v10  }
0x193: {  	v50 =	vld [tilespmem:s24+$0xE510];
	v10 =	vadd.f32 v60, v21;
	v21 =	vadd.f32 v58, v22  }
0x194: {  	v20 =	vld [tilespmem:s24+$0xE410];
	v22 =	vadd.f32 v0, v4;
	v4 =	vadd.f32 v54, v44  }
0x195: {  	v52 =	vld [tilespmem:s24+$0xE490]  }
0x196: {  	v56 =	vld [tilespmem:s24+$0xE420];
	v4 =	vadd.f32 v51, v4  }
0x197: {  	v8 =	vld [tilespmem:s24+$0xE430]  }
0x198: {  	v60 =	vld [tilespmem:s24+$0xE4A0];
	v4 =	vadd.f32 v49, v4  }
0x199: {  	v24 =	vadd.f32 v2, v6;
	v0 =	vld [tilespmem:s24+$0xE4B0];
	v6 =	vadd.f32 v20, v45  }
0x19a: {  	v2 =	vld [tilespmem:s24+$0xE520];
	v4 =	vadd.f32 v31, v4  }
0x19b: {  	[tilespmem:$0x1FFA0] =	vst v9;
	v9 =	vld [tilespmem:s24+$0xE6A0];
	v6 =	vadd.f32 v52, v6;
	v15 =	vadd.f32 v56, v15  }
0x19c: {  	v8 =	vadd.f32 v8, v18;
	v18 =	vld [tilespmem:s24+$0xE5A0];
	v4 =	vadd.f32 v59, v4  }
0x19d: {  	v14 =	vld [tilespmem:s24+$0xE650];
	v6 =	vadd.f32 v50, v6;
	v15 =	vadd.f32 v60, v15  }
0x19e: {  	v0 =	vadd.f32 v0, v8;
	v8 =	vadd.f32 v63, v4;
	v4 =	vld [tilespmem:$0x1FFA0]  }
0x19f: {  	v38 =	vld [tilespmem:s24+$0xE4C0];
	v6 =	vadd.f32 v48, v6;
	v2 =	vadd.f32 v2, v15  }
0x1a0: {  	v40 =	vld [tilespmem:s24+$0xE440]  }
0x1a1: {  	[tilespmem:$0x1FFB0] =	vst v9;
	v9 =	vld [tilespmem:s24+$0xE6B0];
	v6 =	vadd.f32 v57, v6;
	v2 =	vadd.f32 v18, v2  }
0x1a2: {  	v25 =	vadd.f32 v61, v10;
	v10 =	vld [tilespmem:s24+$0xE530]  }
0x1a3: {  	v2 =	vadd.f32 v43, v2;
	v43 =	vadd.f32 v4, v6;
	v4 =	vld [tilespmem:$0x1FFB0]  }
0x1a4: {  	v20 =	vld [tilespmem:s24+$0xE5B0]  }
0x1a5: {  	v41 =	vld [tilespmem:s24+$0xE450]  }
0x1a6: {  	v42 =	vld [tilespmem:s24+$0xE460]  }
0x1a7: {  	v39 =	vld [tilespmem:s24+$0xE4D0];
	[tilespmem:$0x1FFC0] =	vst v9;
	v0 =	vadd.f32 v10, v0  }
0x1a8: {  	v44 =	vadd.f32 v4, v2;
	v2 =	vld [tilespmem:$0x1FFC0]  }
0x1a9: {  	v36 =	vld [tilespmem:s24+$0xE540];
	v0 =	vadd.f32 v20, v0  }
0x1aa: {  	v37 =	vld [tilespmem:s24+$0xE550]  }
0x1ab: {  	v34 =	vld [tilespmem:s24+$0xE5C0];
	v0 =	vadd.f32 v30, v0  }
0x1ac: {  	v35 =	vld [tilespmem:s24+$0xE5D0]  }
0x1ad: {  	s25 =	simm.s32 $0x1000;
	v9 =	vld [tilespmem:s24+$0xE6C0];
	v28 =	vadd.f32 v62, v21;
	v45 =	vadd.f32 v2, v0  }
.LBB2_9:
0x1ae: {  	p1 =	sne.s32 s25, $0xF000;
	v10 =	vld [tilespmem:s24+$0xE470];
	v0 =	vadd.f32 v26, v8;
	v2 =	vadd.f32 v29, v43  }
0x1af: {  	v8 =	vld [tilespmem:s24+$0xE4E0];
	v4 =	vadd.f32 v23, v44;
	v6 =	vadd.f32 v27, v45  }
0x1b0: {  	v15 =	vld [tilespmem:s24+$0xE4F0];
	v0 =	vadd.f32 v13, v0;
	v2 =	vadd.f32 v16, v2  }
0x1b1: {  	v13 =	vld [tilespmem:s24+$0xE560];
	v4 =	vadd.f32 v17, v4;
	v6 =	vadd.f32 v19, v6  }
0x1b2: {  	v16 =	vadd.f32 v40, v22;
	v17 =	vadd.f32 v41, v24;
	v18 =	vld [tilespmem:s24+$0xE570]  }
0x1b3: {  	v19 =	vadd.f32 v42, v25;
	v10 =	vadd.f32 v10, v28;
	v20 =	vld [tilespmem:s24+$0xE5E0]  }
0x1b4: {  	v16 =	vadd.f32 v38, v16;
	v17 =	vadd.f32 v39, v17;
	v21 =	vld [tilespmem:s24+$0xE5F0]  }
0x1b5: {  	v8 =	vadd.f32 v8, v19;
	v10 =	vadd.f32 v15, v10;
	v15 =	vld [tilespmem:s24+$0xE660]  }
0x1b6: {  	v16 =	vadd.f32 v36, v16;
	v17 =	vadd.f32 v37, v17;
	v19 =	vld [tilespmem:s24+$0xE670]  }
0x1b7: {  	v8 =	vadd.f32 v13, v8;
	v10 =	vadd.f32 v18, v10;
	v18 =	vld [tilespmem:s24+$0xE6E0]  }
0x1b8: {  	v13 =	vadd.f32 v34, v16;
	v16 =	vadd.f32 v35, v17;
	v17 =	vld [tilespmem:s24+$0xE6F0]  }
0x1b9: {  	v8 =	vadd.f32 v20, v8;
	v10 =	vadd.f32 v21, v10;
	v20 =	vld [tilespmem:s24+$0xE760]  }
0x1ba: {  	v12 =	vadd.f32 v12, v13;
	v13 =	vadd.f32 v14, v16;
	v14 =	vld [tilespmem:s24+$0xE770]  }
0x1bb: {  	v8 =	vadd.f32 v15, v8;
	v10 =	vadd.f32 v19, v10;
	v15 =	vld [tilespmem:s24+$0xE7E0]  }
0x1bc: {  	v9 =	vadd.f32 v9, v12;
	v11 =	vadd.f32 v11, v13;
	v12 =	vld [tilespmem:s24+$0xE7F0];
	s24 =	sshra.s32 s25, $0x2  }
0x1bd: {  	v8 =	vadd.f32 v18, v8;
	v13 =	vld [tilespmem:s24+$0xE780];
	v10 =	vadd.f32 v17, v10  }
0x1be: {  	v5 =	vadd.f32 v5, v9;
	v7 =	vadd.f32 v7, v11;
	v16 =	vld [tilespmem:s24+$0xE790]  }
0x1bf: {  	v8 =	vadd.f32 v20, v8;
	v17 =	vld [tilespmem:s24+$0xE7A0];
	v9 =	vadd.f32 v14, v10  }
0x1c0: {  	v22 =	vadd.f32 v1, v5;
	v24 =	vadd.f32 v3, v7;
	v19 =	vld [tilespmem:s24+$0xE7B0]  }
0x1c1: {  	v25 =	vadd.f32 v15, v8;
	v1 =	vld [tilespmem:s24+$0xE7C0];
	v28 =	vadd.f32 v12, v9  }
0x1c2: {  	v3 =	vld [tilespmem:s24+$0xE7D0]  }
0x1c3: {  	v26 =	vld [tilespmem:s24+$0xE700]  }
0x1c4: {  	v29 =	vld [tilespmem:s24+$0xE710]  }
0x1c5: {  	v23 =	vld [tilespmem:s24+$0xE720]  }
0x1c6: {  	v27 =	vld [tilespmem:s24+$0xE730]  }
0x1c7: {  	v5 =	vld [tilespmem:s24+$0xE740]  }
0x1c8: {  	v7 =	vld [tilespmem:s24+$0xE750]  }
0x1c9: {  	v8 =	vld [tilespmem:s24+$0xE680]  }
0x1ca: {  	v10 =	vld [tilespmem:s24+$0xE690]  }
0x1cb: {  	v15 =	vld [tilespmem:s24+$0xE6A0]  }
0x1cc: {  	v18 =	vld [tilespmem:s24+$0xE6B0]  }
0x1cd: {  	v9 =	vld [tilespmem:s24+$0xE6C0]  }
0x1ce: {  	v11 =	vld [tilespmem:s24+$0xE6D0]  }
0x1cf: {  	v20 =	vld [tilespmem:s24+$0xE600]  }
0x1d0: {  	v21 =	vld [tilespmem:s24+$0xE610]  }
0x1d1: {  	v30 =	vld [tilespmem:s24+$0xE620]  }
0x1d2: {  	v31 =	vld [tilespmem:s24+$0xE630]  }
0x1d3: {  	v12 =	vld [tilespmem:s24+$0xE640]  }
0x1d4: {  	v14 =	vld [tilespmem:s24+$0xE650]  }
0x1d5: {  	v32 =	vld [tilespmem:s24+$0xE580]  }
0x1d6: {  	v33 =	vld [tilespmem:s24+$0xE590]  }
0x1d7: {  	v35 =	vld [tilespmem:s24+$0xE500]  }
0x1d8: {  	v36 =	vld [tilespmem:s24+$0xE510]  }
0x1d9: {  	v34 =	vld [tilespmem:s24+$0xE480]  }
0x1da: {  	v37 =	vld [tilespmem:s24+$0xE490]  }
0x1db: {  	v38 =	vld [tilespmem:s24+$0xE400]  }
0x1dc: {  	v39 =	vld [tilespmem:s24+$0xE410]  }
0x1dd: {  	v40 =	vld [tilespmem:s24+$0xE420]  }
0x1de: {  	v41 =	vld [tilespmem:s24+$0xE430]  }
0x1df: {  	v42 =	vld [tilespmem:s24+$0xE4A0]  }
0x1e0: {  	v43 =	vld [tilespmem:s24+$0xE4B0]  }
0x1e1: {  	v44 =	vld [tilespmem:s24+$0xE520]  }
0x1e2: {  	v0 =	vadd.f32 v38, v0;
	v2 =	vadd.f32 v39, v2;
	v38 =	vld [tilespmem:s24+$0xE530]  }
0x1e3: {  	v4 =	vadd.f32 v40, v4;
	v6 =	vadd.f32 v41, v6;
	v39 =	vld [tilespmem:s24+$0xE5A0]  }
0x1e4: {  	v0 =	vadd.f32 v34, v0;
	v2 =	vadd.f32 v37, v2;
	v40 =	vld [tilespmem:s24+$0xE5B0]  }
0x1e5: {  	v4 =	vadd.f32 v42, v4;
	v6 =	vadd.f32 v43, v6;
	v34 =	vld [tilespmem:s24+$0xE5C0]  }
0x1e6: {  	v0 =	vadd.f32 v35, v0;
	v2 =	vadd.f32 v36, v2;
	v35 =	vld [tilespmem:s24+$0xE5D0]  }
0x1e7: {  	v4 =	vadd.f32 v44, v4;
	v6 =	vadd.f32 v38, v6;
	v36 =	vld [tilespmem:s24+$0xE540]  }
0x1e8: {  	v0 =	vadd.f32 v32, v0;
	v2 =	vadd.f32 v33, v2;
	v37 =	vld [tilespmem:s24+$0xE550]  }
.Ltmp3:
0x1e9: {  	v4 =	vadd.f32 v39, v4;
	v38 =	vld [tilespmem:s24+$0xE4C0];
	v6 =	vadd.f32 v40, v6;
	(pc) =	sbr.rel @p1 .LBB2_9-.Ltmp3, $4  }
0x1ea: {  	v0 =	vadd.f32 v20, v0;
	v2 =	vadd.f32 v21, v2;
	v39 =	vld [tilespmem:s24+$0xE4D0]  }
0x1eb: {  	v4 =	vadd.f32 v30, v4;
	v40 =	vld [tilespmem:s24+$0xE440];
	v6 =	vadd.f32 v31, v6  }
0x1ec: {  	v8 =	vadd.f32 v8, v0;
	v43 =	vadd.f32 v10, v2;
	v41 =	vld [tilespmem:s24+$0xE450]  }
0x1ed: {  	s25 =	sadd.s32 $0x1000, s25;
	v44 =	vadd.f32 v15, v4;
	v42 =	vld [tilespmem:s24+$0xE460];
	v45 =	vadd.f32 v18, v6  }
0x1ee: {  	v46 =	vld [tilespmem:s24+$0xE470]  }
0x1ef: {  	v47 =	vld [tilespmem:s24+$0xE4E0]  }
0x1f0: {  	v48 =	vld [tilespmem:s24+$0xE4F0]  }
0x1f1: {  	v49 =	vld [tilespmem:s24+$0xE560]  }
0x1f2: {  	v50 =	vld [tilespmem:s24+$0xE570]  }
0x1f3: {  	v51 =	vld [tilespmem:s24+$0xE5E0]  }
0x1f4: {  	v52 =	vld [tilespmem:s24+$0xE5F0]  }
0x1f5: {  	v53 =	vld [tilespmem:s24+$0xE660]  }
0x1f6: {  	v54 =	vld [tilespmem:s24+$0xE670]  }
0x1f7: {  	v55 =	vld [tilespmem:s24+$0xE6E0]  }
0x1f8: {  	v56 =	vld [tilespmem:s24+$0xE6F0]  }
0x1f9: {  	v57 =	vld [tilespmem:s24+$0xE760]  }
0x1fa: {  	v58 =	vld [tilespmem:s24+$0xE770]  }
0x1fb: {  	v59 =	vld [tilespmem:s24+$0xE7E0]  }
0x1fc: {  	v60 =	vld [tilespmem:s24+$0xE7F0];
	_ =	swait.ge [sflag:s18], $0x4000  }
0x1fd: {  	s23 =	sadd.s32 @!p0 $0x380, s23;
	[sflag:s18] =	ssyncset.done $0x0  }
0x1fe: {  	s24 =	simm.s32 @!p0 $0x80;
	s25 =	simm.s32 @!p0 $0x12400;
	[sflag:s18] =	ssyncadd.s32 $0xFFFFC000  }
0x1ff: {  	[tilespmem:s25], [sflag:$0x5] =	stream.indirect.gather @!p0 [hbm4b:s1+s24], $0x80, s23, s24, $0xb8;
	[tilespmem:$0x17400] =	vst v63  }
0x200: {  	s23 =	simm.s32 $0x0  }
0x201: {  	v15 =	vld [tilespmem:s23+$0x12780]  }
0x202: {  	v18 =	vld [tilespmem:s23+$0x12790]  }
0x203: {  	v20 =	vld [tilespmem:s23+$0x127A0]  }
0x204: {  	v21 =	vld [tilespmem:s23+$0x127B0]  }
0x205: {  	v0 =	vld [tilespmem:s23+$0x127C0]  }
0x206: {  	v2 =	vld [tilespmem:s23+$0x127D0]  }
0x207: {  	v31 =	vld [tilespmem:s23+$0x12700]  }
0x208: {  	v33 =	vld [tilespmem:s23+$0x12710]  }
0x209: {  	v30 =	vld [tilespmem:s23+$0x12720]  }
0x20a: {  	v32 =	vld [tilespmem:s23+$0x12730]  }
0x20b: {  	v6 =	vld [tilespmem:s23+$0x12740]  }
0x20c: {  	v4 =	vld [tilespmem:s23+$0x12750]  }
0x20d: {  	v61 =	vld [tilespmem:s23+$0x12680]  }
0x20e: {  	v26 =	vadd.f32 v26, v8;
	v62 =	vld [tilespmem:s23+$0x12690]  }
0x20f: {  	v29 =	vadd.f32 v29, v43;
	v23 =	vadd.f32 v23, v44;
	v63 =	vld [tilespmem:s23+$0x126A0]  }
0x210: {  	v27 =	vadd.f32 v27, v45;
	v26 =	vadd.f32 v13, v26;
	v10 =	vld [tilespmem:s23+$0x126B0]  }
0x211: {  	v29 =	vadd.f32 v16, v29;
	v16 =	vadd.f32 v40, v22;
	v8 =	vld [tilespmem:s23+$0x126D0]  }
0x212: {  	v17 =	vadd.f32 v17, v23;
	v19 =	vadd.f32 v19, v27;
	v43 =	vld [tilespmem:s23+$0x12600]  }
0x213: {  	v22 =	vadd.f32 v41, v24;
	v44 =	vld [tilespmem:s23+$0x12610];
	v23 =	vadd.f32 v42, v25  }
0x214: {  	v27 =	vld [tilespmem:s23+$0x12620];
	v25 =	vadd.f32 v38, v16;
	v24 =	vadd.f32 v46, v28  }
0x215: {  	v45 =	vld [tilespmem:s23+$0x12630];
	v22 =	vadd.f32 v39, v22;
	v23 =	vadd.f32 v47, v23  }
0x216: {  	v28 =	vld [tilespmem:s23+$0x12580];
	v25 =	vadd.f32 v36, v25;
	v24 =	vadd.f32 v48, v24  }
0x217: {  	v22 =	vadd.f32 v37, v22;
	v48 =	vld [tilespmem:s23+$0x12590];
	v23 =	vadd.f32 v49, v23  }
0x218: {  	v49 =	vld [tilespmem:s23+$0x12500];
	v25 =	vadd.f32 v34, v25;
	v24 =	vadd.f32 v50, v24  }
0x219: {  	v22 =	vadd.f32 v35, v22;
	v50 =	vld [tilespmem:s23+$0x12510];
	v23 =	vadd.f32 v51, v23  }
0x21a: {  	v12 =	vadd.f32 v12, v25;
	v25 =	vld [tilespmem:s23+$0x12400];
	v24 =	vadd.f32 v52, v24  }
0x21b: {  	v52 =	vld [tilespmem:s23+$0x12480];
	v14 =	vadd.f32 v14, v22;
	v23 =	vadd.f32 v53, v23  }
0x21c: {  	v22 =	vld [tilespmem:s23+$0x12490];
	v9 =	vadd.f32 v9, v12;
	v24 =	vadd.f32 v54, v24  }
0x21d: {  	v12 =	vld [tilespmem:s23+$0x12410];
	v11 =	vadd.f32 v11, v14;
	v14 =	vadd.f32 v55, v23  }
0x21e: {  	v5 =	vadd.f32 v5, v9;
	v23 =	vadd.f32 v56, v24;
	v24 =	vld [tilespmem:s23+$0x12420]  }
0x21f: {  	v9 =	vadd.f32 v7, v11;
	v11 =	vld [tilespmem:s23+$0x12430];
	v14 =	vadd.f32 v57, v14  }
0x220: {  	v7 =	vadd.f32 v1, v5;
	v23 =	vadd.f32 v58, v23;
	v58 =	vld [tilespmem:s23+$0x124A0]  }
0x221: {  	v3 =	vadd.f32 v3, v9;
	v9 =	vld [tilespmem:s23+$0x124B0];
	v5 =	vadd.f32 v59, v14  }
0x222: {  	v14 =	vld [tilespmem:s23+$0x12520];
	v1 =	vadd.f32 v60, v23;
	v23 =	vadd.f32 v25, v26  }
0x223: {  	v12 =	vadd.f32 v12, v29;
	v25 =	vld [tilespmem:s23+$0x12530];
	v17 =	vadd.f32 v24, v17  }
0x224: {  	v26 =	vld [tilespmem:s23+$0x125A0];
	v11 =	vadd.f32 v11, v19;
	v19 =	vadd.f32 v52, v23  }
0x225: {  	v29 =	vld [tilespmem:s23+$0x125B0];
	v12 =	vadd.f32 v22, v12;
	v22 =	vadd.f32 v58, v17  }
0x226: {  	v13 =	vld [tilespmem:s23+$0x12640];
	v9 =	vadd.f32 v9, v11;
	v11 =	vadd.f32 v49, v19  }
0x227: {  	v16 =	vld [tilespmem:s23+$0x12650];
	v12 =	vadd.f32 v50, v12;
	v14 =	vadd.f32 v14, v22  }
0x228: {  	[tilespmem:$0x1FF90] =	vst v10;
	v10 =	vld [tilespmem:s23+$0x126C0];
	v9 =	vadd.f32 v25, v9;
	v11 =	vadd.f32 v28, v11  }
0x229: {  	v24 =	vld [tilespmem:s23+$0x124C0];
	v12 =	vadd.f32 v48, v12;
	v14 =	vadd.f32 v26, v14  }
0x22a: {  	v23 =	vld [tilespmem:s23+$0x12540];
	v9 =	vadd.f32 v29, v9;
	v11 =	vadd.f32 v43, v11  }
0x22b: {  	v17 =	vld [tilespmem:s23+$0x125C0];
	v12 =	vadd.f32 v44, v12;
	v14 =	vadd.f32 v27, v14  }
0x22c: {  	v19 =	vld [tilespmem:s23+$0x125D0];
	v29 =	vadd.f32 v45, v9;
	v9 =	vadd.f32 v61, v11  }
0x22d: {  	v11 =	vadd.f32 v62, v12;
	v12 =	vadd.f32 v63, v14;
	v14 =	vld [tilespmem:$0x1FF90]  }
0x22e: {  	v22 =	vld [tilespmem:s23+$0x12550]  }
0x22f: {  	v25 =	vld [tilespmem:s23+$0x124D0]  }
0x230: {  	v28 =	vld [tilespmem:s23+$0x12460]  }
0x231: {  	v26 =	vld [tilespmem:s23+$0x12440]  }
0x232: {  	s24 =	simm.s32 $0x1000;
	v27 =	vld [tilespmem:s23+$0x12450];
	v14 =	vadd.f32 v14, v29  }
.LBB2_11:
0x233: {  	p0 =	sne.s32 s24, $0xF000;
	v29 =	vld [tilespmem:s23+$0x12470];
	v9 =	vadd.f32 v31, v9;
	v11 =	vadd.f32 v33, v11  }
0x234: {  	v31 =	vld [tilespmem:s23+$0x124E0];
	v12 =	vadd.f32 v30, v12;
	v14 =	vadd.f32 v32, v14  }
0x235: {  	v30 =	vld [tilespmem:s23+$0x124F0];
	v9 =	vadd.f32 v15, v9;
	v11 =	vadd.f32 v18, v11  }
0x236: {  	v15 =	vld [tilespmem:s23+$0x12560];
	v12 =	vadd.f32 v20, v12;
	v14 =	vadd.f32 v21, v14  }
0x237: {  	v7 =	vadd.f32 v26, v7;
	v3 =	vadd.f32 v27, v3;
	v18 =	vld [tilespmem:s23+$0x12570]  }
0x238: {  	v5 =	vadd.f32 v28, v5;
	v1 =	vadd.f32 v29, v1;
	v20 =	vld [tilespmem:s23+$0x125E0]  }
0x239: {  	v7 =	vadd.f32 v24, v7;
	v3 =	vadd.f32 v25, v3;
	v21 =	vld [tilespmem:s23+$0x125F0]  }
0x23a: {  	v5 =	vadd.f32 v31, v5;
	v1 =	vadd.f32 v30, v1;
	v24 =	vld [tilespmem:s23+$0x12660]  }
0x23b: {  	v7 =	vadd.f32 v23, v7;
	v3 =	vadd.f32 v22, v3;
	v22 =	vld [tilespmem:s23+$0x12670]  }
0x23c: {  	v5 =	vadd.f32 v15, v5;
	v1 =	vadd.f32 v18, v1;
	v18 =	vld [tilespmem:s23+$0x126E0]  }
0x23d: {  	v7 =	vadd.f32 v17, v7;
	v3 =	vadd.f32 v19, v3;
	v17 =	vld [tilespmem:s23+$0x126F0]  }
0x23e: {  	v5 =	vadd.f32 v20, v5;
	v1 =	vadd.f32 v21, v1;
	v19 =	vld [tilespmem:s23+$0x12760]  }
0x23f: {  	v7 =	vadd.f32 v13, v7;
	v3 =	vadd.f32 v16, v3;
	v13 =	vld [tilespmem:s23+$0x12770]  }
0x240: {  	v5 =	vadd.f32 v24, v5;
	v1 =	vadd.f32 v22, v1;
	v16 =	vld [tilespmem:s23+$0x127E0]  }
0x241: {  	v7 =	vadd.f32 v10, v7;
	v3 =	vadd.f32 v8, v3;
	v8 =	vld [tilespmem:s23+$0x127F0];
	s23 =	sshra.s32 s24, $0x2  }
0x242: {  	v5 =	vadd.f32 v18, v5;
	v15 =	vld [tilespmem:s23+$0x12780];
	v1 =	vadd.f32 v17, v1  }
0x243: {  	v6 =	vadd.f32 v6, v7;
	v3 =	vadd.f32 v4, v3;
	v18 =	vld [tilespmem:s23+$0x12790]  }
0x244: {  	v4 =	vadd.f32 v19, v5;
	v20 =	vld [tilespmem:s23+$0x127A0];
	v1 =	vadd.f32 v13, v1  }
0x245: {  	v7 =	vadd.f32 v0, v6;
	v3 =	vadd.f32 v2, v3;
	v21 =	vld [tilespmem:s23+$0x127B0]  }
0x246: {  	v5 =	vadd.f32 v16, v4;
	v0 =	vld [tilespmem:s23+$0x127C0];
	v1 =	vadd.f32 v8, v1  }
0x247: {  	v2 =	vld [tilespmem:s23+$0x127D0]  }
0x248: {  	v31 =	vld [tilespmem:s23+$0x12700]  }
0x249: {  	v33 =	vld [tilespmem:s23+$0x12710]  }
0x24a: {  	v30 =	vld [tilespmem:s23+$0x12720]  }
0x24b: {  	v32 =	vld [tilespmem:s23+$0x12730]  }
0x24c: {  	v6 =	vld [tilespmem:s23+$0x12740]  }
0x24d: {  	v4 =	vld [tilespmem:s23+$0x12750]  }
0x24e: {  	v28 =	vld [tilespmem:s23+$0x12680]  }
0x24f: {  	v29 =	vld [tilespmem:s23+$0x12690]  }
0x250: {  	v34 =	vld [tilespmem:s23+$0x126A0]  }
0x251: {  	v35 =	vld [tilespmem:s23+$0x126B0]  }
0x252: {  	v10 =	vld [tilespmem:s23+$0x126C0]  }
0x253: {  	v8 =	vld [tilespmem:s23+$0x126D0]  }
0x254: {  	v26 =	vld [tilespmem:s23+$0x12600]  }
0x255: {  	v27 =	vld [tilespmem:s23+$0x12610]  }
0x256: {  	v36 =	vld [tilespmem:s23+$0x12620]  }
0x257: {  	v37 =	vld [tilespmem:s23+$0x12630]  }
0x258: {  	v13 =	vld [tilespmem:s23+$0x12640]  }
0x259: {  	v16 =	vld [tilespmem:s23+$0x12650]  }
0x25a: {  	v24 =	vld [tilespmem:s23+$0x12580]  }
0x25b: {  	v25 =	vld [tilespmem:s23+$0x12590]  }
0x25c: {  	v19 =	vld [tilespmem:s23+$0x12500]  }
0x25d: {  	v22 =	vld [tilespmem:s23+$0x12510]  }
0x25e: {  	v17 =	vld [tilespmem:s23+$0x12480]  }
0x25f: {  	v23 =	vld [tilespmem:s23+$0x12490]  }
0x260: {  	v38 =	vld [tilespmem:s23+$0x12400]  }
0x261: {  	v39 =	vld [tilespmem:s23+$0x12410]  }
0x262: {  	v40 =	vld [tilespmem:s23+$0x12420]  }
0x263: {  	v41 =	vld [tilespmem:s23+$0x12430]  }
0x264: {  	v42 =	vld [tilespmem:s23+$0x124A0]  }
0x265: {  	v43 =	vld [tilespmem:s23+$0x124B0]  }
0x266: {  	v44 =	vld [tilespmem:s23+$0x12520]  }
0x267: {  	v9 =	vadd.f32 v38, v9;
	v11 =	vadd.f32 v39, v11;
	v38 =	vld [tilespmem:s23+$0x12530]  }
0x268: {  	v12 =	vadd.f32 v40, v12;
	v14 =	vadd.f32 v41, v14;
	v39 =	vld [tilespmem:s23+$0x125A0]  }
0x269: {  	v9 =	vadd.f32 v17, v9;
	v11 =	vadd.f32 v23, v11;
	v40 =	vld [tilespmem:s23+$0x125B0]  }
0x26a: {  	v12 =	vadd.f32 v42, v12;
	v14 =	vadd.f32 v43, v14;
	v17 =	vld [tilespmem:s23+$0x125C0]  }
0x26b: {  	v9 =	vadd.f32 v19, v9;
	v11 =	vadd.f32 v22, v11;
	v19 =	vld [tilespmem:s23+$0x125D0]  }
0x26c: {  	v12 =	vadd.f32 v44, v12;
	v14 =	vadd.f32 v38, v14;
	v23 =	vld [tilespmem:s23+$0x12540]  }
0x26d: {  	v9 =	vadd.f32 v24, v9;
	v11 =	vadd.f32 v25, v11;
	v22 =	vld [tilespmem:s23+$0x12550]  }
.Ltmp4:
0x26e: {  	v12 =	vadd.f32 v39, v12;
	v24 =	vld [tilespmem:s23+$0x124C0];
	v14 =	vadd.f32 v40, v14;
	(pc) =	sbr.rel @p0 .LBB2_11-.Ltmp4, $4  }
0x26f: {  	v9 =	vadd.f32 v26, v9;
	v11 =	vadd.f32 v27, v11;
	v25 =	vld [tilespmem:s23+$0x124D0]  }
0x270: {  	v12 =	vadd.f32 v36, v12;
	v26 =	vld [tilespmem:s23+$0x12440];
	v14 =	vadd.f32 v37, v14  }
0x271: {  	v9 =	vadd.f32 v28, v9;
	v11 =	vadd.f32 v29, v11;
	v27 =	vld [tilespmem:s23+$0x12450]  }
0x272: {  	s24 =	sadd.s32 $0x1000, s24;
	v12 =	vadd.f32 v34, v12;
	v28 =	vld [tilespmem:s23+$0x12460];
	v14 =	vadd.f32 v35, v14  }
0x273: {  	v9 =	vadd.f32 v31, v9;
	v11 =	vadd.f32 v33, v11  }
0x274: {  	v29 =	vld [tilespmem:s23+$0x12470];
	v12 =	vadd.f32 v30, v12;
	v14 =	vadd.f32 v32, v14  }
0x275: {  	v59 =	vld [tilespmem:s23+$0x124E0];
	v15 =	vadd.f32 v15, v9;
	v18 =	vadd.f32 v18, v11  }
0x276: {  	v9 =	vld [tilespmem:s23+$0x124F0];
	v7 =	vadd.f32 v26, v7;
	v12 =	vadd.f32 v20, v12  }
0x277: {  	v11 =	vld [tilespmem:s23+$0x12560];
	v14 =	vadd.f32 v21, v14;
	v3 =	vadd.f32 v27, v3  }
0x278: {  	v60 =	vld [tilespmem:s23+$0x12570];
	v5 =	vadd.f32 v28, v5;
	v7 =	vadd.f32 v24, v7  }
0x279: {  	v61 =	vld [tilespmem:s23+$0x125E0];
	v1 =	vadd.f32 v29, v1;
	v3 =	vadd.f32 v25, v3  }
0x27a: {  	v62 =	vld [tilespmem:s23+$0x125F0];
	v5 =	vadd.f32 v59, v5;
	v7 =	vadd.f32 v23, v7  }
0x27b: {  	v1 =	vadd.f32 v9, v1;
	v9 =	vld [tilespmem:s23+$0x12660];
	v3 =	vadd.f32 v22, v3  }
0x27c: {  	v63 =	vld [tilespmem:s23+$0x12670];
	v5 =	vadd.f32 v11, v5;
	v7 =	vadd.f32 v17, v7  }
0x27d: {  	v11 =	vld [tilespmem:s23+$0x126E0];
	v1 =	vadd.f32 v60, v1;
	v3 =	vadd.f32 v19, v3  }
0x27e: {  	v17 =	vld [tilespmem:s23+$0x126F0];
	v5 =	vadd.f32 v61, v5;
	v7 =	vadd.f32 v13, v7  }
0x27f: {  	v13 =	vld [tilespmem:s23+$0x12760];
	v1 =	vadd.f32 v62, v1;
	v3 =	vadd.f32 v16, v3  }
0x280: {  	s24 =	sand.u32 $0x1, s22;
	v16 =	vld [tilespmem:s23+$0x12770];
	v5 =	vadd.f32 v9, v5;
	v7 =	vadd.f32 v10, v7  }
0x281: {  	p0 =	seq.s32 s24, $0x0;
	v9 =	vld [tilespmem:s23+$0x127E0];
	v1 =	vadd.f32 v63, v1;
	v3 =	vadd.f32 v8, v3  }
0x282: {  	v8 =	vld [tilespmem:s23+$0x127F0];
	s23 =	sshll.u32 @!p0 s22, $0x6;
	v5 =	vadd.f32 v11, v5;
	v6 =	vadd.f32 v6, v7;
	v7 =	vmul.f32 @!p0 $2.441406250e-04, v15  }
0x283: {  	s23 =	sand.u32 @!p0 $0xF80, s23;
	v1 =	vadd.f32 v17, v1;
	v3 =	vadd.f32 v4, v3;
	v4 =	vmul.f32 @!p0 $2.441406250e-04, v18  }
0x284: {  	v5 =	vadd.f32 v13, v5;
	v0 =	vadd.f32 v0, v6;
	[tilespmem:s23+$0x16400] =	vst @!p0 v7;
	v6 =	vmul.f32 @!p0 $2.441406250e-04, v12  }
0x285: {  	s22 =	sadd.s32 $0x1, s22;
	v1 =	vadd.f32 v16, v1;
	v2 =	vadd.f32 v2, v3;
	[tilespmem:s23+$0x16410] =	vst @!p0 v4;
	v3 =	vmul.f32 @!p0 $2.441406250e-04, v14  }
0x286: {  	p1 =	sne.s32 s22, $0x32;
	v4 =	vadd.f32 v9, v5;
	[tilespmem:s23+$0x16420] =	vst @!p0 v6;
	v5 =	vmul.f32 @!p0 $2.441406250e-04, v0  }
.Ltmp5:
0x287: {  	v1 =	vadd.f32 v8, v1;
	[tilespmem:s23+$0x16430] =	vst @!p0 v3;
	v3 =	vmul.f32 @!p0 $2.441406250e-04, v2;
	(pc) =	sbr.rel @p1 .LBB2_4-.Ltmp5, $4  }
0x288: {  	[tilespmem:s23+$0x16440] =	vst @!p0 v5;
	v5 =	vmul.f32 @!p0 $2.441406250e-04, v4  }
0x289: {  	v16 =	vpsel !p0, $0x0, v0;
	v0 =	vpsel !p0, $0x0, v14;
	[tilespmem:s23+$0x16450] =	vst @!p0 v3;
	v3 =	vmul.f32 @!p0 $2.441406250e-04, v1  }
0x28a: {  	v6 =	vpsel !p0, $0x0, v15;
	v13 =	vpsel !p0, $0x0, v2;
	v2 =	vpsel !p0, $0x0, v12;
	[tilespmem:s23+$0x16460] =	vst @!p0 v5  }
0x28b: {  	v11 =	vpsel !p0, $0x0, v4;
	v4 =	vpsel !p0, $0x0, v18;
	v9 =	vpsel !p0, $0x0, v1;
	[tilespmem:s23+$0x16470] =	vst @!p0 v3  }
0x28c: {  	s21 =	sadd.s32 $0x1, s21  }
0x28d: {  	p0 =	sne.s32 s21, s5  }
.Ltmp6:
0x28e: {  	_ = 	snop;
	(pc) =	sbr.rel @p0 .LBB2_1-.Ltmp6, $4  }
0x28f: {  	[hbm4b:s4+s3] =	stream.linear.scatter [tilespmem:s19], [sflag:$0x6], $0xC80, $0x38;
	[tilespmem:$0x17400] =	vst v63  }
0x290: {  	_ =	swait.ge [sflag:s20], $0xC80  }
0x291: {  	[sflag:s20] =	ssyncset.done $0x0  }
0x292: {  	[sflag:s20] =	ssyncadd.s32 $0xFFFFF380  }
0x293: {  	_ =	sfence.sel $0x180000  }
0x294: {  	[bflag:$0x0] =	sbarrier.arrive $0xFFFF  }
0x295: {  	p0 =	sne.s32 s2, $0x0;
	_ =	strace $0x90000047  }
0x296: {  	s0 =	sadd.s32 @!p0 $0x100000, s0;
	[bflag:$0x2] =	sbarrier.arrive $0xFFFF  }
0x297: {  	[sflag:s0] =	ssyncadd.tile.s32 @!p0 $0x1;
	_ =	shalt  }
.Lfunc_end2:
_tile_overlayer_lowered:
.L_overlay_start_2:
0x298: {  	(tag) =	ssettag $0x2  }
0x299: {  	s0 =	rddreg [dreg:$0x0];
	s2 =	stileid.u32  }
0x29a: {  	s1 =	rddreg [dreg:$0x1];
	p0 =	sne.s32 s2, $0x0  }
0x29b: {  	s3 =	rddreg [dreg:$0x2];
	[bflag:$0x3] =	sbarrier.arrive $0xFFFF;
	s2 =	simm.s32 @!p0 $0x1C06  }
0x29c: {  	[timem:s3], [sflag:s2] =	dma.local @!p0 [hbm:s0], s1  }
0x29d: {  	s0 =	simm.s32 @!p0 $0x6  }
0x29e: {  	_ =	swait.ge @!p0 [sflag:s0], s1  }
0x29f: {  	s1 =	ssub.s32 @!p0 $0x0, s1;
	[sflag:s0] =	ssyncset.done @!p0 $0x0  }
0x2a0: {  	[sflag:s0] =	ssyncadd.s32 @!p0 s1  }
0x2a1: {  	[bflag:$0x3] =	sbarrier.arrive $0xFFFF  }
0x2a2: {  	_ =	shalt  }

</sc_bundles>
